<compile_context>
chip_gen: v7x
topology: tpu7x:2x2x1
jax: 0.10.2.dev20260603
libtpu: 0.0.44.dev20260713+nightly
codegen_flags: <defaults>
</compile_context>

<pallas_src>
import functools

import jax
import jax.numpy as jnp
from jax import lax
from jax.experimental import pallas as pl
from jax.experimental.pallas import tpu as pltpu
import jax.experimental.pallas.tpu_sc as plsc

P = 256
D = 128
N_SEG = 4096
E = 131072
BASE = 6.0

_NTILES = 16
_ROWS = E // 128
_ROWS_PER_TILE = _ROWS // _NTILES
_CHUNK_ROWS = 1
_NCHUNKS = _ROWS_PER_TILE // _CHUNK_ROWS
_SEG_PER_TILE = N_SEG // _NTILES
_CE = _CHUNK_ROWS * 128
_NBUF = 4
_PREF = 3


def _sc_msgs_body(drug_hbm, e0_hbm, e1_hbm, y_hbm, out_hbm,
                  acc, e0_v, e1_v, y_v, rows, gsem, ssem):
    cid = lax.axis_index("c")
    sid = lax.axis_index("s")
    rbase = sid * _ROWS_PER_TILE

    pltpu.sync_copy(e1_hbm.at[cid, pl.ds(rbase, _ROWS_PER_TILE)], e1_v)
    pltpu.sync_copy(e0_hbm.at[cid, pl.ds(rbase, _ROWS_PER_TILE)], e0_v)
    pltpu.sync_copy(y_hbm.at[cid, pl.ds(rbase * 128, _ROWS_PER_TILE * 128)],
                    y_v)

    zeros16 = jnp.zeros((16,), jnp.float32)

    def zero_row(r, _):
        for q in range(8):
            rows[r, pl.ds(16 * q, 16)] = zeros16
        return 0

    lax.fori_loop(0, _SEG_PER_TILE, zero_row, 0)
    pltpu.sync_copy(rows.at[pl.ds(0, _SEG_PER_TILE)],
                    acc.at[pl.ds(sid * _SEG_PER_TILE, _SEG_PER_TILE)])
    plsc.subcore_barrier()

    def fire_gather(c):
        for j in range(_CHUNK_ROWS):
            pltpu.async_copy(
                drug_hbm.at[e1_v.at[c * _CHUNK_ROWS + j]],
                rows.at[pl.ds((c % _NBUF) * _CE + j * 128, 128)], gsem)

    def wait_gather():
        for _ in range(_CHUNK_ROWS):
            pltpu.make_async_copy(drug_hbm.at[e1_v.at[0]],
                                  rows.at[pl.ds(0, 128)], gsem).wait()

    def fire_scatter(c):
        for j in range(_CHUNK_ROWS):
            pltpu.async_copy(
                rows.at[pl.ds((c % _NBUF) * _CE + j * 128, 128)],
                acc.at[e0_v.at[c * _CHUNK_ROWS + j]], ssem, add=True)

    def wait_scatter():
        for _ in range(_CHUNK_ROWS):
            pltpu.make_async_copy(rows.at[pl.ds(0, 128)],
                                  acc.at[e0_v.at[0]], ssem).wait()

    def scale(c):
        base = (c % _NBUF) * _CE

        def body(g, _):
            y16 = y_v[pl.ds(c * _CE + g * 16, 16)] - BASE
            for l in range(16):
                c16 = jnp.full((16,), y16[l], jnp.float32)
                row = base + g * 16 + l
                for q in range(8):
                    sl = pl.ds(16 * q, 16)
                    rows[row, sl] = rows[row, sl] * c16
            return 0

        lax.fori_loop(0, _CE // 16, body, 0)

    for c in range(_PREF):
        fire_gather(c)

    def body(ck, _):
        wait_gather()

        @pl.when(ck >= _NBUF - _PREF)
        def _():
            wait_scatter()

        @pl.when(ck + _PREF < _NCHUNKS)
        def _():
            fire_gather(ck + _PREF)

        scale(ck)
        fire_scatter(ck)
        return 0

    lax.fori_loop(0, _NCHUNKS, body, 0)
    for _ in range(_NBUF - _PREF):
        wait_scatter()
    plsc.subcore_barrier()

    seg = pl.ds(sid * _SEG_PER_TILE, _SEG_PER_TILE)
    pltpu.sync_copy(acc.at[seg], out_hbm.at[cid, seg])


def _sc_msgs(drug_features, e0, e1, y):
    mesh = plsc.VectorSubcoreMesh(core_axis_name="c", subcore_axis_name="s")
    f = functools.partial(
        pl.kernel,
        mesh=mesh,
        out_type=jax.ShapeDtypeStruct((2, N_SEG, D), jnp.float32),
        scratch_types=[
            pltpu.VMEM_SHARED((N_SEG, D), jnp.float32),
            pltpu.VMEM((_ROWS_PER_TILE, 128), jnp.int32),
            pltpu.VMEM((_ROWS_PER_TILE, 128), jnp.int32),
            pltpu.VMEM((_ROWS_PER_TILE * 128,), jnp.float32),
            pltpu.VMEM((_NBUF * _CE, D), jnp.float32),
            pltpu.SemaphoreType.DMA,
            pltpu.SemaphoreType.DMA,
        ],
    )(_sc_msgs_body)
    return f(drug_features, e0, e1, y)


def _attn_body(zt_ref, ff_ref, rf_ref, le_ref,
               w1a_ref, w1b_ref, w1c_ref, b1_ref, w2_ref, b2_ref,
               ef_ref, er_ref, z_ref):
    zt = zt_ref[...]
    le = le_ref[...]
    w1b = w1b_ref[...]
    b2 = b2_ref[0, 0]

    c0 = jnp.dot(zt, w1a_ref[...], preferred_element_type=jnp.float32) + b1_ref[...]
    c0f = c0 + jnp.dot(le[0:1], w1c_ref[...], preferred_element_type=jnp.float32)
    c0r = c0 + jnp.dot(le[1:2], w1c_ref[...], preferred_element_type=jnp.float32)

    def scores(feat, c0x):
        h = jnp.dot(feat, w1b, preferred_element_type=jnp.float32) + c0x
        h = jnp.where(h >= 0, h, 0.2 * h)
        return jnp.dot(h, w2_ref[...], preferred_element_type=jnp.float32) + b2

    sf = scores(ff_ref[...], c0f)
    sr = scores(rf_ref[...], c0r)
    m = jnp.maximum(jnp.max(sf), jnp.max(sr))
    ef = jnp.exp(sf - m)
    er = jnp.exp(sr - m)
    z = jnp.sum(ef) + jnp.sum(er)
    ef_ref[...] = ef
    er_ref[...] = er
    z_ref[...] = jnp.full((1, 1), z, jnp.float32)


def _combine_body(zt_ref, ef_ref, er_ref, z_ref, msgs_ref,
                  wm1_ref, bm1_ref, pw_ref, wm2_ref, bm2_ref, g_ref, b_ref,
                  out_ref, fmsg_ref, rmsg_ref):
    zt = zt_ref[...]
    z = z_ref[0, 0]
    fm = msgs_ref[0]
    rm = msgs_ref[1]
    fmsg_ref[...] = fm
    rmsg_ref[...] = rm
    vp = (jnp.dot(ef_ref[...].T, fm, preferred_element_type=jnp.float32)
          + jnp.dot(er_ref[...].T, rm, preferred_element_type=jnp.float32)) / z

    h1 = jnp.dot(vp, wm1_ref[...], preferred_element_type=jnp.float32) + bm1_ref[...]
    pw = pw_ref[0, 0]
    h1 = jnp.where(h1 >= 0, h1, pw * h1)
    out = jnp.dot(h1, wm2_ref[...], preferred_element_type=jnp.float32) + bm2_ref[...]

    x = zt + out
    mu = jnp.mean(x, axis=-1, keepdims=True)
    var = jnp.mean((x - mu) ** 2, axis=-1, keepdims=True)
    out_ref[...] = (x - mu) / jnp.sqrt(var + 1e-5) * g_ref[...] + b_ref[...]


def kernel(target_features, form_neighbors, form_binds_ei, form_binds_y,
           form_features, role_neighbors, role_binds_ei, role_binds_y,
           role_features, drug_features, layer_emb, W1, b1, W2, b2,
           Wm1, bm1, prelu_w, Wm2, bm2, ln_g, ln_b):
    e0 = jnp.stack([form_binds_ei[0].reshape(_ROWS, 128),
                    role_binds_ei[0].reshape(_ROWS, 128)])
    e1 = jnp.stack([form_binds_ei[1].reshape(_ROWS, 128),
                    role_binds_ei[1].reshape(_ROWS, 128)])
    y = jnp.stack([form_binds_y, role_binds_y])

    zt = target_features.reshape(1, P)
    ef, er, zsum = pl.pallas_call(
        _attn_body,
        out_shape=(jax.ShapeDtypeStruct((N_SEG, 1), jnp.float32),
                   jax.ShapeDtypeStruct((N_SEG, 1), jnp.float32),
                   jax.ShapeDtypeStruct((1, 1), jnp.float32)),
    )(zt, form_features, role_features, layer_emb,
      W1[:P], W1[P:2 * P], W1[2 * P:], b1.reshape(1, 64),
      W2, b2.reshape(1, 1))

    msgs = _sc_msgs(drug_features, e0, e1, y)

    z, form_msgs, role_msgs = pl.pallas_call(
        _combine_body,
        out_shape=(jax.ShapeDtypeStruct((1, P), jnp.float32),
                   jax.ShapeDtypeStruct((N_SEG, D), jnp.float32),
                   jax.ShapeDtypeStruct((N_SEG, D), jnp.float32)),
    )(zt, ef, er, zsum, msgs,
      Wm1, bm1.reshape(1, P), prelu_w.reshape(1, 1),
      Wm2, bm2.reshape(1, P), ln_g.reshape(1, P), ln_b.reshape(1, P))

    return (z.reshape(P), form_msgs, role_msgs)

# --- scband reference (transcript-rebuilt; emitter-appended) ---
"""Pipeline reference for scband-multiplex-inductive-smoother-14207751815941 (READ-ONLY COPY).

The authoritative reference and input builder live on the scoring server;
editing this copy changes nothing except your own understanding.
"""

import jax, jax.numpy as jnp
import numpy as np

P = 256
D = 128
NF = 4096
NR = 4096
EF = 131072
ER = 131072
V = 100000
BASE = 6.0


def leaky_relu(x, a=0.2):
    return jnp.where(x >= 0, x, a * x)


def prelu(x, a):
    return jnp.where(x >= 0, x, a * x)


def layernorm(x, g, b, eps=1e-5):
    m = jnp.mean(x, axis=-1, keepdims=True)
    v = jnp.var(x, axis=-1, keepdims=True)
    return (x - m) / jnp.sqrt(v + eps) * g + b


def setup_inputs(seed: int = 0):
    key = jax.random.key(seed)
    k = [jax.random.fold_in(key, i) for i in range(32)]
    inp = {}
    inp["target_features"] = jax.random.normal(k[0], (P,), dtype=jnp.float32)
    inp["form_neighbors"] = jnp.arange(NF, dtype=jnp.int32)
    inp["form_binds_ei"] = jax.random.randint(k[1], (2, EF), 0, NF, dtype=jnp.int32)
    inp["form_binds_y"] = jax.random.uniform(k[2], (EF,), dtype=jnp.float32)
    inp["form_features"] = jax.random.normal(k[3], (NF, P), dtype=jnp.float32)
    inp["role_neighbors"] = jnp.arange(NR, dtype=jnp.int32)
    inp["role_binds_ei"] = jax.random.randint(k[4], (2, ER), 0, NR, dtype=jnp.int32)
    inp["role_binds_y"] = jax.random.uniform(k[5], (ER,), dtype=jnp.float32)
    inp["role_features"] = jax.random.normal(k[6], (NR, P), dtype=jnp.float32)
    inp["drug_features"] = jax.random.normal(k[7], (V, D), dtype=jnp.float32)
    # learned parameters
    inp["layer_emb"] = jax.random.normal(k[8], (2, 16), dtype=jnp.float32) * 0.05
    inp["W1"] = jax.random.normal(k[9], (2 * P + 16, 64), dtype=jnp.float32) * 0.05
    inp["b1"] = jnp.zeros((64,), dtype=jnp.float32)
    inp["W2"] = jax.random.normal(k[10], (64, 1), dtype=jnp.float32) * 0.05
    inp["b2"] = jnp.zeros((1,), dtype=jnp.float32)
    inp["Wm1"] = jax.random.normal(k[11], (D, P), dtype=jnp.float32) * 0.05
    inp["bm1"] = jnp.zeros((P,), dtype=jnp.float32)
    inp["prelu_w"] = jnp.full((1,), 0.25, dtype=jnp.float32)
    inp["Wm2"] = jax.random.normal(k[12], (P, P), dtype=jnp.float32) * 0.05
    inp["bm2"] = jnp.zeros((P,), dtype=jnp.float32)
    inp["ln_g"] = jnp.ones((P,), dtype=jnp.float32)
    inp["ln_b"] = jnp.zeros((P,), dtype=jnp.float32)
    return inp


def _build_pref(neighbor_ids, ei, y, drug_features):
    # neighbor_ids is arange(N), so matching ei[0] == neighbor_ids[i] reduces to segment index ei[0]
    centered = y - BASE
    d = jnp.take(drug_features, ei[1], axis=0)
    msgs = jnp.zeros((neighbor_ids.shape[0], drug_features.shape[1]), dtype=drug_features.dtype)
    msgs = msgs.at[ei[0]].add(d * centered[:, None])
    return msgs


def _attn(z_target, z_neighbors, layer_emb, layer_id, W1, b1, W2, b2):
    n = z_neighbors.shape[0]
    zt = jnp.broadcast_to(z_target, (n, z_target.shape[0]))
    le = jnp.broadcast_to(layer_emb[layer_id], (n, 16))
    h = jnp.concatenate([zt, z_neighbors, le], axis=-1)
    return leaky_relu(h @ W1 + b1, 0.2) @ W2 + b2


def reference(target_features, form_neighbors, form_binds_ei, form_binds_y, form_features,
              role_neighbors, role_binds_ei, role_binds_y, role_features, drug_features,
              layer_emb, W1, b1, W2, b2, Wm1, bm1, prelu_w, Wm2, bm2, ln_g, ln_b):
    form_msgs = _build_pref(form_neighbors, form_binds_ei, form_binds_y, drug_features)
    role_msgs = _build_pref(role_neighbors, role_binds_ei, role_binds_y, drug_features)
    form_attn = _attn(target_features, form_features, layer_emb, 0, W1, b1, W2, b2)
    role_attn = _attn(target_features, role_features, layer_emb, 1, W1, b1, W2, b2)
    all_msgs = jnp.concatenate([form_msgs, role_msgs], axis=0)
    all_attn = jnp.concatenate([form_attn, role_attn], axis=0)
    attn_weights = jax.nn.softmax(all_attn, axis=0)
    v_prior = jnp.sum(attn_weights * all_msgs, axis=0)
    h = prelu(v_prior @ Wm1 + bm1, prelu_w)
    mlp_out = h @ Wm2 + bm2
    z_refined = layernorm(target_features + mlp_out, ln_g, ln_b)
    return (z_refined, form_msgs, role_msgs)

if __name__ == "__main__":
    import jax
    _d = setup_inputs()
    print(jax.jit(kernel)(*tuple(_d.values())))

</pallas_src>

<mosaic_0001>
#map = affine_map<(d0, d1) -> (0, 0)>
#map1 = affine_map<(d0, d1) -> (0, 0, 0)>
module attributes {stable_mosaic.version = 14 : i64} {
  func.func @_sc_msgs_body(%arg0: i32, %arg1: i32, %arg2: memref<100000x128xf32, #tpu.memory_space<hbm>>, %arg3: memref<2x1024x128xi32, #tpu.memory_space<hbm>>, %arg4: memref<2x1024x128xi32, #tpu.memory_space<hbm>>, %arg5: memref<2x131072xf32, #tpu.memory_space<hbm>>, %arg6: memref<2x4096x128xf32, #tpu.memory_space<hbm>>, %arg7: memref<4096x128xf32, #tpu.memory_space<vmem_shared>>, %arg8: memref<64x128xi32, #tpu.memory_space<vmem>>, %arg9: memref<64x128xi32, #tpu.memory_space<vmem>>, %arg10: memref<8192xf32, #tpu.memory_space<vmem>>, %arg11: memref<512x128xf32, #tpu.memory_space<vmem>>, %arg12: memref<!tpu.dma_semaphore, #tpu.memory_space<semaphore_mem>>, %arg13: memref<!tpu.dma_semaphore, #tpu.memory_space<semaphore_mem>>) attributes {dimension_semantics = [#tpu.dimension_semantics<core_parallel>, #tpu.dimension_semantics<subcore_parallel>], iteration_bounds = array<i64: 2, 16>, scalar_prefetch = 0 : i64, scratch_operands = 7 : i64, tpu.core_type = #tpu.core_type<sc_vector_subcore>, window_params = [{transform_indices = #map}, {transform_indices = #map1}, {transform_indices = #map1}, {transform_indices = #map}, {transform_indices = #map1}]} {
    %mul3A = arith.constant 64 : i32
    %mul3A_0 = arith.muli %arg1, %mul3A : i32
    "tpu.region"() ({
      %run_scoped3A = tpu.sem_alloc : memref<!tpu.dma_semaphore, #tpu.memory_space<semaphore_mem>>
      %dma_start3A_60 = arith.constant 0 : i32
      %dma_start3A_61 = tpu.memref_slice %arg4[%arg0, %mul3A_0, %dma_start3A_60] : memref<2x1024x128xi32, #tpu.memory_space<hbm>> -> memref<1x64x128xi32, #tpu.memory_space<hbm>>
      %dma_start3A_62 = tpu.memref_squeeze %dma_start3A_61 : memref<1x64x128xi32, #tpu.memory_space<hbm>> -> memref<64x128xi32, #tpu.memory_space<hbm>>
      %dma_start3A_63 = arith.constant 0 : i32
      %dma_start3A_64 = tpu.memref_slice %arg4[%arg0, %mul3A_0, %dma_start3A_63] : memref<2x1024x128xi32, #tpu.memory_space<hbm>> -> memref<1x64x128xi32, #tpu.memory_space<hbm>>
      %dma_start3A_65 = tpu.memref_squeeze %dma_start3A_64 : memref<1x64x128xi32, #tpu.memory_space<hbm>> -> memref<64x128xi32, #tpu.memory_space<hbm>>
      tpu.enqueue_dma source(%dma_start3A_65 : memref<64x128xi32, #tpu.memory_space<hbm>>) target(%arg9 : memref<64x128xi32, #tpu.memory_space<vmem>>) target_semaphore(%run_scoped3A : memref<!tpu.dma_semaphore, #tpu.memory_space<semaphore_mem>>)
      %dma_wait3A_66 = arith.constant 0 : i32
      %dma_wait3A_67 = tpu.memref_slice %arg4[%arg0, %mul3A_0, %dma_wait3A_66] : memref<2x1024x128xi32, #tpu.memory_space<hbm>> -> memref<1x64x128xi32, #tpu.memory_space<hbm>>
      %dma_wait3A_68 = tpu.memref_squeeze %dma_wait3A_67 : memref<1x64x128xi32, #tpu.memory_space<hbm>> -> memref<64x128xi32, #tpu.memory_space<hbm>>
      %dma_wait3A_69 = arith.constant 0 : i32
      %dma_wait3A_70 = tpu.memref_slice %arg4[%arg0, %mul3A_0, %dma_wait3A_69] : memref<2x1024x128xi32, #tpu.memory_space<hbm>> -> memref<1x64x128xi32, #tpu.memory_space<hbm>>
      %dma_wait3A_71 = tpu.memref_squeeze %dma_wait3A_70 : memref<1x64x128xi32, #tpu.memory_space<hbm>> -> memref<64x128xi32, #tpu.memory_space<hbm>>
      tpu.wait_dma2 semaphore(%run_scoped3A : memref<!tpu.dma_semaphore, #tpu.memory_space<semaphore_mem>>) src(%dma_wait3A_71 : memref<64x128xi32, #tpu.memory_space<hbm>>) dst(%arg9 : memref<64x128xi32, #tpu.memory_space<vmem>>)
      tpu.yield
    }) : () -> ()
    "tpu.region"() ({
      %run_scoped3A = tpu.sem_alloc : memref<!tpu.dma_semaphore, #tpu.memory_space<semaphore_mem>>
      %dma_start3A_60 = arith.constant 0 : i32
      %dma_start3A_61 = tpu.memref_slice %arg3[%arg0, %mul3A_0, %dma_start3A_60] : memref<2x1024x128xi32, #tpu.memory_space<hbm>> -> memref<1x64x128xi32, #tpu.memory_space<hbm>>
      %dma_start3A_62 = tpu.memref_squeeze %dma_start3A_61 : memref<1x64x128xi32, #tpu.memory_space<hbm>> -> memref<64x128xi32, #tpu.memory_space<hbm>>
      %dma_start3A_63 = arith.constant 0 : i32
      %dma_start3A_64 = tpu.memref_slice %arg3[%arg0, %mul3A_0, %dma_start3A_63] : memref<2x1024x128xi32, #tpu.memory_space<hbm>> -> memref<1x64x128xi32, #tpu.memory_space<hbm>>
      %dma_start3A_65 = tpu.memref_squeeze %dma_start3A_64 : memref<1x64x128xi32, #tpu.memory_space<hbm>> -> memref<64x128xi32, #tpu.memory_space<hbm>>
      tpu.enqueue_dma source(%dma_start3A_65 : memref<64x128xi32, #tpu.memory_space<hbm>>) target(%arg8 : memref<64x128xi32, #tpu.memory_space<vmem>>) target_semaphore(%run_scoped3A : memref<!tpu.dma_semaphore, #tpu.memory_space<semaphore_mem>>)
      %dma_wait3A_66 = arith.constant 0 : i32
      %dma_wait3A_67 = tpu.memref_slice %arg3[%arg0, %mul3A_0, %dma_wait3A_66] : memref<2x1024x128xi32, #tpu.memory_space<hbm>> -> memref<1x64x128xi32, #tpu.memory_space<hbm>>
      %dma_wait3A_68 = tpu.memref_squeeze %dma_wait3A_67 : memref<1x64x128xi32, #tpu.memory_space<hbm>> -> memref<64x128xi32, #tpu.memory_space<hbm>>
      %dma_wait3A_69 = arith.constant 0 : i32
      %dma_wait3A_70 = tpu.memref_slice %arg3[%arg0, %mul3A_0, %dma_wait3A_69] : memref<2x1024x128xi32, #tpu.memory_space<hbm>> -> memref<1x64x128xi32, #tpu.memory_space<hbm>>
      %dma_wait3A_71 = tpu.memref_squeeze %dma_wait3A_70 : memref<1x64x128xi32, #tpu.memory_space<hbm>> -> memref<64x128xi32, #tpu.memory_space<hbm>>
      tpu.wait_dma2 semaphore(%run_scoped3A : memref<!tpu.dma_semaphore, #tpu.memory_space<semaphore_mem>>) src(%dma_wait3A_71 : memref<64x128xi32, #tpu.memory_space<hbm>>) dst(%arg8 : memref<64x128xi32, #tpu.memory_space<vmem>>)
      tpu.yield
    }) : () -> ()
    %mul3A_1 = arith.constant 128 : i32
    %mul3A_2 = arith.muli %mul3A_0, %mul3A_1 : i32
    "tpu.region"() ({
      %run_scoped3A = tpu.sem_alloc : memref<!tpu.dma_semaphore, #tpu.memory_space<semaphore_mem>>
      %dma_start3A_60 = tpu.memref_slice %arg5[%arg0, %mul3A_2] : memref<2x131072xf32, #tpu.memory_space<hbm>> -> memref<1x8192xf32, #tpu.memory_space<hbm>>
      %dma_start3A_61 = tpu.memref_squeeze %dma_start3A_60 : memref<1x8192xf32, #tpu.memory_space<hbm>> -> memref<8192xf32, #tpu.memory_space<hbm>>
      %dma_start3A_62 = tpu.memref_slice %arg5[%arg0, %mul3A_2] : memref<2x131072xf32, #tpu.memory_space<hbm>> -> memref<1x8192xf32, #tpu.memory_space<hbm>>
      %dma_start3A_63 = tpu.memref_squeeze %dma_start3A_62 : memref<1x8192xf32, #tpu.memory_space<hbm>> -> memref<8192xf32, #tpu.memory_space<hbm>>
      tpu.enqueue_dma source(%dma_start3A_63 : memref<8192xf32, #tpu.memory_space<hbm>>) target(%arg10 : memref<8192xf32, #tpu.memory_space<vmem>>) target_semaphore(%run_scoped3A : memref<!tpu.dma_semaphore, #tpu.memory_space<semaphore_mem>>)
      %dma_wait3A_64 = tpu.memref_slice %arg5[%arg0, %mul3A_2] : memref<2x131072xf32, #tpu.memory_space<hbm>> -> memref<1x8192xf32, #tpu.memory_space<hbm>>
      %dma_wait3A_65 = tpu.memref_squeeze %dma_wait3A_64 : memref<1x8192xf32, #tpu.memory_space<hbm>> -> memref<8192xf32, #tpu.memory_space<hbm>>
      %dma_wait3A_66 = tpu.memref_slice %arg5[%arg0, %mul3A_2] : memref<2x131072xf32, #tpu.memory_space<hbm>> -> memref<1x8192xf32, #tpu.memory_space<hbm>>
      %dma_wait3A_67 = tpu.memref_squeeze %dma_wait3A_66 : memref<1x8192xf32, #tpu.memory_space<hbm>> -> memref<8192xf32, #tpu.memory_space<hbm>>
      tpu.wait_dma2 semaphore(%run_scoped3A : memref<!tpu.dma_semaphore, #tpu.memory_space<semaphore_mem>>) src(%dma_wait3A_67 : memref<8192xf32, #tpu.memory_space<hbm>>) dst(%arg10 : memref<8192xf32, #tpu.memory_space<vmem>>)
      tpu.yield
    }) : () -> ()
    %broadcast_in_dim3A = arith.constant 0.000000e+00 : f32
    %broadcast_in_dim3A_3 = vector.broadcast %broadcast_in_dim3A : f32 to vector<16xf32>
    %scan3A = arith.constant 0 : i32
    %scan3A_4 = arith.constant 0 : i32
    %scan3A_5 = arith.constant 256 : i32
    %scan3A_6 = arith.addi %scan3A_4, %scan3A_5 : i32
    %scan3A_7 = arith.constant 1 : i32
    %scan3A_8 = scf.for %scan3A_60 = %scan3A_4 to %scan3A_6 step %scan3A_7 iter_args(%scan3A_61 = %scan3A) -> (i32)  : i32 {
      %swap3A = arith.index_cast %scan3A_60 : i32 to index
      %swap3A_62 = arith.constant 0 : index
      %swap3A_63 = tpu.vector_load %arg11[%swap3A, %swap3A_62] {strides = array<i32>} : memref<512x128xf32, #tpu.memory_space<vmem>>, vector<1x16xf32>,
      %swap3A_64 = vector.shape_cast %swap3A_63 : vector<1x16xf32> to vector<16xf32>
      %swap3A_65 = vector.shape_cast %broadcast_in_dim3A_3 : vector<16xf32> to vector<1x16xf32>
      tpu.vector_store %arg11[%swap3A, %swap3A_62], %swap3A_65 {strides = array<i32>} : memref<512x128xf32, #tpu.memory_space<vmem>>, vector<1x16xf32>,
      %swap3A_66 = arith.index_cast %scan3A_60 : i32 to index
      %swap3A_67 = arith.constant 16 : index
      %swap3A_68 = tpu.vector_load %arg11[%swap3A_66, %swap3A_67] {strides = array<i32>} : memref<512x128xf32, #tpu.memory_space<vmem>>, vector<1x16xf32>,
      %swap3A_69 = vector.shape_cast %swap3A_68 : vector<1x16xf32> to vector<16xf32>
      %swap3A_70 = vector.shape_cast %broadcast_in_dim3A_3 : vector<16xf32> to vector<1x16xf32>
      tpu.vector_store %arg11[%swap3A_66, %swap3A_67], %swap3A_70 {strides = array<i32>} : memref<512x128xf32, #tpu.memory_space<vmem>>, vector<1x16xf32>,
      %swap3A_71 = arith.index_cast %scan3A_60 : i32 to index
      %swap3A_72 = arith.constant 32 : index
      %swap3A_73 = tpu.vector_load %arg11[%swap3A_71, %swap3A_72] {strides = array<i32>} : memref<512x128xf32, #tpu.memory_space<vmem>>, vector<1x16xf32>,
      %swap3A_74 = vector.shape_cast %swap3A_73 : vector<1x16xf32> to vector<16xf32>
      %swap3A_75 = vector.shape_cast %broadcast_in_dim3A_3 : vector<16xf32> to vector<1x16xf32>
      tpu.vector_store %arg11[%swap3A_71, %swap3A_72], %swap3A_75 {strides = array<i32>} : memref<512x128xf32, #tpu.memory_space<vmem>>, vector<1x16xf32>,
      %swap3A_76 = arith.index_cast %scan3A_60 : i32 to index
      %swap3A_77 = arith.constant 48 : index
      %swap3A_78 = tpu.vector_load %arg11[%swap3A_76, %swap3A_77] {strides = array<i32>} : memref<512x128xf32, #tpu.memory_space<vmem>>, vector<1x16xf32>,
      %swap3A_79 = vector.shape_cast %swap3A_78 : vector<1x16xf32> to vector<16xf32>
      %swap3A_80 = vector.shape_cast %broadcast_in_dim3A_3 : vector<16xf32> to vector<1x16xf32>
      tpu.vector_store %arg11[%swap3A_76, %swap3A_77], %swap3A_80 {strides = array<i32>} : memref<512x128xf32, #tpu.memory_space<vmem>>, vector<1x16xf32>,
      %swap3A_81 = arith.index_cast %scan3A_60 : i32 to index
      %swap3A_82 = arith.constant 64 : index
      %swap3A_83 = tpu.vector_load %arg11[%swap3A_81, %swap3A_82] {strides = array<i32>} : memref<512x128xf32, #tpu.memory_space<vmem>>, vector<1x16xf32>,
      %swap3A_84 = vector.shape_cast %swap3A_83 : vector<1x16xf32> to vector<16xf32>
      %swap3A_85 = vector.shape_cast %broadcast_in_dim3A_3 : vector<16xf32> to vector<1x16xf32>
      tpu.vector_store %arg11[%swap3A_81, %swap3A_82], %swap3A_85 {strides = array<i32>} : memref<512x128xf32, #tpu.memory_space<vmem>>, vector<1x16xf32>,
      %swap3A_86 = arith.index_cast %scan3A_60 : i32 to index
      %swap3A_87 = arith.constant 80 : index
      %swap3A_88 = tpu.vector_load %arg11[%swap3A_86, %swap3A_87] {strides = array<i32>} : memref<512x128xf32, #tpu.memory_space<vmem>>, vector<1x16xf32>,
      %swap3A_89 = vector.shape_cast %swap3A_88 : vector<1x16xf32> to vector<16xf32>
      %swap3A_90 = vector.shape_cast %broadcast_in_dim3A_3 : vector<16xf32> to vector<1x16xf32>
      tpu.vector_store %arg11[%swap3A_86, %swap3A_87], %swap3A_90 {strides = array<i32>} : memref<512x128xf32, #tpu.memory_space<vmem>>, vector<1x16xf32>,
      %swap3A_91 = arith.index_cast %scan3A_60 : i32 to index
      %swap3A_92 = arith.constant 96 : index
      %swap3A_93 = tpu.vector_load %arg11[%swap3A_91, %swap3A_92] {strides = array<i32>} : memref<512x128xf32, #tpu.memory_space<vmem>>, vector<1x16xf32>,
      %swap3A_94 = vector.shape_cast %swap3A_93 : vector<1x16xf32> to vector<16xf32>
      %swap3A_95 = vector.shape_cast %broadcast_in_dim3A_3 : vector<16xf32> to vector<1x16xf32>
      tpu.vector_store %arg11[%swap3A_91, %swap3A_92], %swap3A_95 {strides = array<i32>} : memref<512x128xf32, #tpu.memory_space<vmem>>, vector<1x16xf32>,
      %swap3A_96 = arith.index_cast %scan3A_60 : i32 to index
      %swap3A_97 = arith.constant 112 : index
      %swap3A_98 = tpu.vector_load %arg11[%swap3A_96, %swap3A_97] {strides = array<i32>} : memref<512x128xf32, #tpu.memory_space<vmem>>, vector<1x16xf32>,
      %swap3A_99 = vector.shape_cast %swap3A_98 : vector<1x16xf32> to vector<16xf32>
      %swap3A_100 = vector.shape_cast %broadcast_in_dim3A_3 : vector<16xf32> to vector<1x16xf32>
      tpu.vector_store %arg11[%swap3A_96, %swap3A_97], %swap3A_100 {strides = array<i32>} : memref<512x128xf32, #tpu.memory_space<vmem>>, vector<1x16xf32>,
      %scan3A_101 = arith.constant 0 : i32
      scf.yield %scan3A_101 : i32
    }
    %scan3A_9 = arith.constant 256 : i32
    %mul3A_10 = arith.constant 256 : i32
    %mul3A_11 = arith.muli %arg1, %mul3A_10 : i32
    "tpu.region"() ({
      %run_scoped3A = tpu.sem_alloc : memref<!tpu.dma_semaphore, #tpu.memory_space<semaphore_mem>>
      %dma_start3A_60 = arith.constant 0 : i32
      %dma_start3A_61 = arith.constant 0 : i32
      %dma_start3A_62 = tpu.memref_slice %arg11[%dma_start3A_60, %dma_start3A_61] : memref<512x128xf32, #tpu.memory_space<vmem>> -> memref<256x128xf32, #tpu.memory_space<vmem>>
      %dma_start3A_63 = arith.constant 0 : i32
      %dma_start3A_64 = tpu.memref_slice %arg7[%mul3A_11, %dma_start3A_63] : memref<4096x128xf32, #tpu.memory_space<vmem_shared>> -> memref<256x128xf32, #tpu.memory_space<vmem_shared>>
      %dma_start3A_65 = arith.constant 0 : i32
      %dma_start3A_66 = tpu.memref_slice %arg7[%mul3A_11, %dma_start3A_65] : memref<4096x128xf32, #tpu.memory_space<vmem_shared>> -> memref<256x128xf32, #tpu.memory_space<vmem_shared>>
      %dma_start3A_67 = arith.constant 0 : i32
      %dma_start3A_68 = arith.constant 0 : i32
      %dma_start3A_69 = tpu.memref_slice %arg11[%dma_start3A_67, %dma_start3A_68] : memref<512x128xf32, #tpu.memory_space<vmem>> -> memref<256x128xf32, #tpu.memory_space<vmem>>
      tpu.enqueue_dma source(%dma_start3A_69 : memref<256x128xf32, #tpu.memory_space<vmem>>) target(%dma_start3A_66 : memref<256x128xf32, #tpu.memory_space<vmem_shared>>) target_semaphore(%run_scoped3A : memref<!tpu.dma_semaphore, #tpu.memory_space<semaphore_mem>>)
      %dma_wait3A_70 = arith.constant 0 : i32
      %dma_wait3A_71 = arith.constant 0 : i32
      %dma_wait3A_72 = tpu.memref_slice %arg11[%dma_wait3A_70, %dma_wait3A_71] : memref<512x128xf32, #tpu.memory_space<vmem>> -> memref<256x128xf32, #tpu.memory_space<vmem>>
      %dma_wait3A_73 = arith.constant 0 : i32
      %dma_wait3A_74 = tpu.memref_slice %arg7[%mul3A_11, %dma_wait3A_73] : memref<4096x128xf32, #tpu.memory_space<vmem_shared>> -> memref<256x128xf32, #tpu.memory_space<vmem_shared>>
      %dma_wait3A_75 = arith.constant 0 : i32
      %dma_wait3A_76 = tpu.memref_slice %arg7[%mul3A_11, %dma_wait3A_75] : memref<4096x128xf32, #tpu.memory_space<vmem_shared>> -> memref<256x128xf32, #tpu.memory_space<vmem_shared>>
      %dma_wait3A_77 = arith.constant 0 : i32
      %dma_wait3A_78 = arith.constant 0 : i32
      %dma_wait3A_79 = tpu.memref_slice %arg11[%dma_wait3A_77, %dma_wait3A_78] : memref<512x128xf32, #tpu.memory_space<vmem>> -> memref<256x128xf32, #tpu.memory_space<vmem>>
      tpu.wait_dma2 semaphore(%run_scoped3A : memref<!tpu.dma_semaphore, #tpu.memory_space<semaphore_mem>>) src(%dma_wait3A_79 : memref<256x128xf32, #tpu.memory_space<vmem>>) dst(%dma_wait3A_76 : memref<256x128xf32, #tpu.memory_space<vmem_shared>>)
      tpu.yield
    }) : () -> ()
    %barrier3A = arith.constant 0 : index
    tpu.barrier barrier_id(%barrier3A)
    %dma_start3A = arith.constant 0 : i32
    %dma_start3A_12 = arith.constant 0 : i32
    %dma_start3A_13 = arith.constant 0 : i32
    %dma_start3A_14 = tpu.memref_slice %arg11[%dma_start3A_12, %dma_start3A_13] : memref<512x128xf32, #tpu.memory_space<vmem>> -> memref<128x128xf32, #tpu.memory_space<vmem>>
    %dma_start3A_15 = arith.constant 0 : i32
    %dma_start3A_16 = tpu.memref_slice %arg9[%dma_start3A, %dma_start3A_15] : memref<64x128xi32, #tpu.memory_space<vmem>> -> memref<1x128xi32, #tpu.memory_space<vmem>>
    %dma_start3A_17 = tpu.memref_squeeze %dma_start3A_16 : memref<1x128xi32, #tpu.memory_space<vmem>> -> memref<128xi32, #tpu.memory_space<vmem>>
    %dma_start3A_18 = arith.constant 0 : i32
    %dma_start3A_19 = arith.constant 0 : i32
    %dma_start3A_20 = tpu.memref_slice %arg2[%dma_start3A_18, %dma_start3A_19] : memref<100000x128xf32, #tpu.memory_space<hbm>> -> memref<100000x128xf32, #tpu.memory_space<hbm>>
    tpu.enqueue_indirect_dma source(%dma_start3A_20 : memref<100000x128xf32, #tpu.memory_space<hbm>>) target(%dma_start3A_14 : memref<128x128xf32, #tpu.memory_space<vmem>>) offsets(%dma_start3A_17 : memref<128xi32, #tpu.memory_space<vmem>>) semaphore(%arg12 : memref<!tpu.dma_semaphore, #tpu.memory_space<semaphore_mem>>)
    %dma_start3A_21 = arith.constant 1 : i32
    %dma_start3A_22 = arith.constant 128 : i32
    %dma_start3A_23 = arith.constant 0 : i32
    %dma_start3A_24 = tpu.memref_slice %arg11[%dma_start3A_22, %dma_start3A_23] : memref<512x128xf32, #tpu.memory_space<vmem>> -> memref<128x128xf32, #tpu.memory_space<vmem>>
    %dma_start3A_25 = arith.constant 0 : i32
    %dma_start3A_26 = tpu.memref_slice %arg9[%dma_start3A_21, %dma_start3A_25] : memref<64x128xi32, #tpu.memory_space<vmem>> -> memref<1x128xi32, #tpu.memory_space<vmem>>
    %dma_start3A_27 = tpu.memref_squeeze %dma_start3A_26 : memref<1x128xi32, #tpu.memory_space<vmem>> -> memref<128xi32, #tpu.memory_space<vmem>>
    %dma_start3A_28 = arith.constant 0 : i32
    %dma_start3A_29 = arith.constant 0 : i32
    %dma_start3A_30 = tpu.memref_slice %arg2[%dma_start3A_28, %dma_start3A_29] : memref<100000x128xf32, #tpu.memory_space<hbm>> -> memref<100000x128xf32, #tpu.memory_space<hbm>>
    tpu.enqueue_indirect_dma source(%dma_start3A_30 : memref<100000x128xf32, #tpu.memory_space<hbm>>) target(%dma_start3A_24 : memref<128x128xf32, #tpu.memory_space<vmem>>) offsets(%dma_start3A_27 : memref<128xi32, #tpu.memory_space<vmem>>) semaphore(%arg12 : memref<!tpu.dma_semaphore, #tpu.memory_space<semaphore_mem>>)
    %dma_start3A_31 = arith.constant 2 : i32
    %dma_start3A_32 = arith.constant 256 : i32
    %dma_start3A_33 = arith.constant 0 : i32
    %dma_start3A_34 = tpu.memref_slice %arg11[%dma_start3A_32, %dma_start3A_33] : memref<512x128xf32, #tpu.memory_space<vmem>> -> memref<128x128xf32, #tpu.memory_space<vmem>>
    %dma_start3A_35 = arith.constant 0 : i32
    %dma_start3A_36 = tpu.memref_slice %arg9[%dma_start3A_31, %dma_start3A_35] : memref<64x128xi32, #tpu.memory_space<vmem>> -> memref<1x128xi32, #tpu.memory_space<vmem>>
    %dma_start3A_37 = tpu.memref_squeeze %dma_start3A_36 : memref<1x128xi32, #tpu.memory_space<vmem>> -> memref<128xi32, #tpu.memory_space<vmem>>
    %dma_start3A_38 = arith.constant 0 : i32
    %dma_start3A_39 = arith.constant 0 : i32
    %dma_start3A_40 = tpu.memref_slice %arg2[%dma_start3A_38, %dma_start3A_39] : memref<100000x128xf32, #tpu.memory_space<hbm>> -> memref<100000x128xf32, #tpu.memory_space<hbm>>
    tpu.enqueue_indirect_dma source(%dma_start3A_40 : memref<100000x128xf32, #tpu.memory_space<hbm>>) target(%dma_start3A_34 : memref<128x128xf32, #tpu.memory_space<vmem>>) offsets(%dma_start3A_37 : memref<128xi32, #tpu.memory_space<vmem>>) semaphore(%arg12 : memref<!tpu.dma_semaphore, #tpu.memory_space<semaphore_mem>>)
    %scan3A_41 = arith.constant 0 : i32
    %scan3A_42 = arith.constant 0 : i32
    %scan3A_43 = arith.constant 64 : i32
    %scan3A_44 = arith.addi %scan3A_42, %scan3A_43 : i32
    %scan3A_45 = arith.constant 1 : i32
    %scan3A_46 = scf.for %scan3A_60 = %scan3A_42 to %scan3A_44 step %scan3A_45 iter_args(%scan3A_61 = %scan3A_41) -> (i32)  : i32 {
      %dma_wait3A_62 = arith.constant 0 : i32
      %dma_wait3A_63 = arith.constant 0 : i32
      %dma_wait3A_64 = arith.constant 0 : i32
      %dma_wait3A_65 = tpu.memref_slice %arg11[%dma_wait3A_63, %dma_wait3A_64] : memref<512x128xf32, #tpu.memory_space<vmem>> -> memref<128x128xf32, #tpu.memory_space<vmem>>
      %dma_wait3A_66 = arith.constant 0 : i32
      %dma_wait3A_67 = tpu.memref_slice %arg9[%dma_wait3A_62, %dma_wait3A_66] : memref<64x128xi32, #tpu.memory_space<vmem>> -> memref<1x128xi32, #tpu.memory_space<vmem>>
      %dma_wait3A_68 = tpu.memref_squeeze %dma_wait3A_67 : memref<1x128xi32, #tpu.memory_space<vmem>> -> memref<128xi32, #tpu.memory_space<vmem>>
      %dma_wait3A_69 = arith.constant 0 : i32
      %dma_wait3A_70 = arith.constant 0 : i32
      %dma_wait3A_71 = tpu.memref_slice %arg2[%dma_wait3A_69, %dma_wait3A_70] : memref<100000x128xf32, #tpu.memory_space<hbm>> -> memref<100000x128xf32, #tpu.memory_space<hbm>>
      tpu.wait_indirect_dma semaphore(%arg12 : memref<!tpu.dma_semaphore, #tpu.memory_space<semaphore_mem>>) src(%dma_wait3A_71 : memref<100000x128xf32, #tpu.memory_space<hbm>>) dst(%dma_wait3A_65 : memref<128x128xf32, #tpu.memory_space<vmem>>)
      %ge3A = arith.constant 1 : i32
      %ge3A_72 = arith.cmpi sge, %scan3A_60, %ge3A : i32
      %convert_element_type3A = arith.extui %ge3A_72 : i1 to i32
      %cond3A = arith.constant 0 : i32
      %cond3A_73 = arith.cmpi ne, %convert_element_type3A, %cond3A : i32
      scf.if %cond3A_73 {
        %dma_wait3A_131 = arith.constant 0 : i32
        %dma_wait3A_132 = arith.constant 0 : i32
        %dma_wait3A_133 = arith.constant 0 : i32
        %dma_wait3A_134 = tpu.memref_slice %arg11[%dma_wait3A_132, %dma_wait3A_133] : memref<512x128xf32, #tpu.memory_space<vmem>> -> memref<128x128xf32, #tpu.memory_space<vmem>>
        %dma_wait3A_135 = arith.constant 0 : i32
        %dma_wait3A_136 = tpu.memref_slice %arg8[%dma_wait3A_131, %dma_wait3A_135] : memref<64x128xi32, #tpu.memory_space<vmem>> -> memref<1x128xi32, #tpu.memory_space<vmem>>
        %dma_wait3A_137 = tpu.memref_squeeze %dma_wait3A_136 : memref<1x128xi32, #tpu.memory_space<vmem>> -> memref<128xi32, #tpu.memory_space<vmem>>
        %dma_wait3A_138 = arith.constant 0 : i32
        %dma_wait3A_139 = arith.constant 0 : i32
        %dma_wait3A_140 = tpu.memref_slice %arg7[%dma_wait3A_138, %dma_wait3A_139] : memref<4096x128xf32, #tpu.memory_space<vmem_shared>> -> memref<4096x128xf32, #tpu.memory_space<vmem_shared>>
        tpu.wait_indirect_dma semaphore(%arg13 : memref<!tpu.dma_semaphore, #tpu.memory_space<semaphore_mem>>) src(%dma_wait3A_134 : memref<128x128xf32, #tpu.memory_space<vmem>>) dst(%dma_wait3A_140 : memref<4096x128xf32, #tpu.memory_space<vmem_shared>>)
      } else {
      }
      %add3A = arith.constant 3 : i32
      %add3A_74 = arith.addi %scan3A_60, %add3A : i32
      %lt3A = arith.constant 64 : i32
      %lt3A_75 = arith.cmpi slt, %add3A_74, %lt3A : i32
      %convert_element_type3A_76 = arith.extui %lt3A_75 : i1 to i32
      %cond3A_77 = arith.constant 0 : i32
      %cond3A_78 = arith.cmpi ne, %convert_element_type3A_76, %cond3A_77 : i32
      scf.if %cond3A_78 {
        %add3A_131 = arith.constant 3 : i32
        %add3A_132 = arith.addi %scan3A_60, %add3A_131 : i32
        %mul3A_133 = arith.constant 1 : i32
        %mul3A_134 = arith.muli %add3A_132, %mul3A_133 : i32
        %add3A_135 = arith.constant 0 : i32
        %add3A_136 = arith.addi %mul3A_134, %add3A_135 : i32
        %jit3A_137 = arith.constant 4 : i32
        %eq3A_138 = arith.constant 0 : i32
        %eq3A_139 = arith.cmpi eq, %jit3A_137, %eq3A_138 : i32
        %jit3A_140 = arith.constant 1 : i32
        %select_n3A_141 = arith.select %eq3A_139, %jit3A_140, %jit3A_137 : i32
        %rem3A_142 = arith.remsi %add3A_132, %select_n3A_141 : i32
        %ne3A_143 = arith.constant 0 : i32
        %ne3A_144 = arith.cmpi ne, %rem3A_142, %ne3A_143 : i32
        %lt3A_145 = arith.constant 0 : i32
        %lt3A_146 = arith.cmpi slt, %rem3A_142, %lt3A_145 : i32
        %lt3A_147 = arith.constant 0 : i32
        %lt3A_148 = arith.cmpi slt, %select_n3A_141, %lt3A_147 : i32
        %ne3A_149 = arith.xori %lt3A_146, %lt3A_148 : i1
        %and3A_150 = arith.andi %ne3A_149, %ne3A_144 : i1
        %add3A_151 = arith.addi %rem3A_142, %select_n3A_141 : i32
        %select_n3A_152 = arith.select %and3A_150, %add3A_151, %rem3A_142 : i32
        %mul3A_153 = arith.constant 128 : i32
        %mul3A_154 = arith.muli %select_n3A_152, %mul3A_153 : i32
        %add3A_155 = arith.constant 0 : i32
        %add3A_156 = arith.addi %mul3A_154, %add3A_155 : i32
        %dma_start3A_157 = arith.constant 0 : i32
        %dma_start3A_158 = tpu.memref_slice %arg11[%add3A_156, %dma_start3A_157] : memref<512x128xf32, #tpu.memory_space<vmem>> -> memref<128x128xf32, #tpu.memory_space<vmem>>
        %dma_start3A_159 = arith.constant 0 : i32
        %dma_start3A_160 = tpu.memref_slice %arg9[%add3A_136, %dma_start3A_159] : memref<64x128xi32, #tpu.memory_space<vmem>> -> memref<1x128xi32, #tpu.memory_space<vmem>>
        %dma_start3A_161 = tpu.memref_squeeze %dma_start3A_160 : memref<1x128xi32, #tpu.memory_space<vmem>> -> memref<128xi32, #tpu.memory_space<vmem>>
        %dma_start3A_162 = arith.constant 0 : i32
        %dma_start3A_163 = arith.constant 0 : i32
        %dma_start3A_164 = tpu.memref_slice %arg2[%dma_start3A_162, %dma_start3A_163] : memref<100000x128xf32, #tpu.memory_space<hbm>> -> memref<100000x128xf32, #tpu.memory_space<hbm>>
        tpu.enqueue_indirect_dma source(%dma_start3A_164 : memref<100000x128xf32, #tpu.memory_space<hbm>>) target(%dma_start3A_158 : memref<128x128xf32, #tpu.memory_space<vmem>>) offsets(%dma_start3A_161 : memref<128xi32, #tpu.memory_space<vmem>>) semaphore(%arg12 : memref<!tpu.dma_semaphore, #tpu.memory_space<semaphore_mem>>)
      } else {
      }
      %jit3A = arith.constant 4 : i32
      %eq3A = arith.constant 0 : i32
      %eq3A_79 = arith.cmpi eq, %jit3A, %eq3A : i32
      %jit3A_80 = arith.constant 1 : i32
      %select_n3A = arith.select %eq3A_79, %jit3A_80, %jit3A : i32
      %rem3A = arith.remsi %scan3A_60, %select_n3A : i32
      %ne3A = arith.constant 0 : i32
      %ne3A_81 = arith.cmpi ne, %rem3A, %ne3A : i32
      %lt3A_82 = arith.constant 0 : i32
      %lt3A_83 = arith.cmpi slt, %rem3A, %lt3A_82 : i32
      %lt3A_84 = arith.constant 0 : i32
      %lt3A_85 = arith.cmpi slt, %select_n3A, %lt3A_84 : i32
      %ne3A_86 = arith.xori %lt3A_83, %lt3A_85 : i1
      %and3A = arith.andi %ne3A_86, %ne3A_81 : i1
      %add3A_87 = arith.addi %rem3A, %select_n3A : i32
      %select_n3A_88 = arith.select %and3A, %add3A_87, %rem3A : i32
      %mul3A_89 = arith.constant 128 : i32
      %mul3A_90 = arith.muli %select_n3A_88, %mul3A_89 : i32
      %scan3A_91 = arith.constant 0 : i32
      %scan3A_92 = arith.constant 0 : i32
      %scan3A_93 = arith.constant 8 : i32
      %scan3A_94 = arith.addi %scan3A_92, %scan3A_93 : i32
      %scan3A_95 = arith.constant 1 : i32
      %scan3A_96 = scf.for %scan3A_131 = %scan3A_92 to %scan3A_94 step %scan3A_95 iter_args(%scan3A_132 = %scan3A_91) -> (i32)  : i32 {
        %mul3A_133 = arith.constant 128 : i32
        %mul3A_134 = arith.muli %scan3A_60, %mul3A_133 : i32
        %mul3A_135 = arith.constant 16 : i32
        %mul3A_136 = arith.muli %scan3A_131, %mul3A_135 : i32
        %add3A_137 = arith.addi %mul3A_134, %mul3A_136 : i32
        %get3A = arith.index_cast %add3A_137 : i32 to index
        %get3A_138 = tpu.vector_load %arg10[%get3A] {strides = array<i32>} : memref<8192xf32, #tpu.memory_space<vmem>>, vector<16xf32>,
        %get3A_139 = vector.shape_cast %get3A_138 : vector<16xf32> to vector<16xf32>
        %sub3A = arith.constant 6.000000e+00 : f32
        %sub3A_140 = vector.broadcast %sub3A : f32 to vector<16xf32>
        %sub3A_141 = arith.subf %get3A_139, %sub3A_140 : vector<16xf32>
        %slice3A = vector.extract_strided_slice %sub3A_141 {offsets = [0], sizes = [1], strides = [1]} : vector<16xf32> to vector<1xf32>
        %squeeze3A = vector.extract %slice3A[0] : f32 from vector<1xf32>
        %broadcast_in_dim3A_142 = vector.broadcast %squeeze3A : f32 to vector<16xf32>
        %mul3A_143 = arith.constant 16 : i32
        %mul3A_144 = arith.muli %scan3A_131, %mul3A_143 : i32
        %add3A_145 = arith.addi %mul3A_90, %mul3A_144 : i32
        %add3A_146 = arith.constant 0 : i32
        %add3A_147 = arith.addi %add3A_145, %add3A_146 : i32
        %get3A_148 = arith.index_cast %add3A_147 : i32 to index
        %get3A_149 = arith.constant 0 : index
        %get3A_150 = tpu.vector_load %arg11[%get3A_148, %get3A_149] {strides = array<i32>} : memref<512x128xf32, #tpu.memory_space<vmem>>, vector<1x16xf32>,
        %get3A_151 = vector.shape_cast %get3A_150 : vector<1x16xf32> to vector<16xf32>
        %mul3A_152 = arith.mulf %get3A_151, %broadcast_in_dim3A_142 : vector<16xf32>
        %swap3A = arith.index_cast %add3A_147 : i32 to index
        %swap3A_153 = arith.constant 0 : index
        %swap3A_154 = tpu.vector_load %arg11[%swap3A, %swap3A_153] {strides = array<i32>} : memref<512x128xf32, #tpu.memory_space<vmem>>, vector<1x16xf32>,
        %swap3A_155 = vector.shape_cast %swap3A_154 : vector<1x16xf32> to vector<16xf32>
        %swap3A_156 = vector.shape_cast %mul3A_152 : vector<16xf32> to vector<1x16xf32>
        tpu.vector_store %arg11[%swap3A, %swap3A_153], %swap3A_156 {strides = array<i32>} : memref<512x128xf32, #tpu.memory_space<vmem>>, vector<1x16xf32>,
        %get3A_157 = arith.index_cast %add3A_147 : i32 to index
        %get3A_158 = arith.constant 16 : index
        %get3A_159 = tpu.vector_load %arg11[%get3A_157, %get3A_158] {strides = array<i32>} : memref<512x128xf32, #tpu.memory_space<vmem>>, vector<1x16xf32>,
        %get3A_160 = vector.shape_cast %get3A_159 : vector<1x16xf32> to vector<16xf32>
        %mul3A_161 = arith.mulf %get3A_160, %broadcast_in_dim3A_142 : vector<16xf32>
        %swap3A_162 = arith.index_cast %add3A_147 : i32 to index
        %swap3A_163 = arith.constant 16 : index
        %swap3A_164 = tpu.vector_load %arg11[%swap3A_162, %swap3A_163] {strides = array<i32>} : memref<512x128xf32, #tpu.memory_space<vmem>>, vector<1x16xf32>,
        %swap3A_165 = vector.shape_cast %swap3A_164 : vector<1x16xf32> to vector<16xf32>
        %swap3A_166 = vector.shape_cast %mul3A_161 : vector<16xf32> to vector<1x16xf32>
        tpu.vector_store %arg11[%swap3A_162, %swap3A_163], %swap3A_166 {strides = array<i32>} : memref<512x128xf32, #tpu.memory_space<vmem>>, vector<1x16xf32>,
        %get3A_167 = arith.index_cast %add3A_147 : i32 to index
        %get3A_168 = arith.constant 32 : index
        %get3A_169 = tpu.vector_load %arg11[%get3A_167, %get3A_168] {strides = array<i32>} : memref<512x128xf32, #tpu.memory_space<vmem>>, vector<1x16xf32>,
        %get3A_170 = vector.shape_cast %get3A_169 : vector<1x16xf32> to vector<16xf32>
        %mul3A_171 = arith.mulf %get3A_170, %broadcast_in_dim3A_142 : vector<16xf32>
        %swap3A_172 = arith.index_cast %add3A_147 : i32 to index
        %swap3A_173 = arith.constant 32 : index
        %swap3A_174 = tpu.vector_load %arg11[%swap3A_172, %swap3A_173] {strides = array<i32>} : memref<512x128xf32, #tpu.memory_space<vmem>>, vector<1x16xf32>,
        %swap3A_175 = vector.shape_cast %swap3A_174 : vector<1x16xf32> to vector<16xf32>
        %swap3A_176 = vector.shape_cast %mul3A_171 : vector<16xf32> to vector<1x16xf32>
        tpu.vector_store %arg11[%swap3A_172, %swap3A_173], %swap3A_176 {strides = array<i32>} : memref<512x128xf32, #tpu.memory_space<vmem>>, vector<1x16xf32>,
        %get3A_177 = arith.index_cast %add3A_147 : i32 to index
        %get3A_178 = arith.constant 48 : index
        %get3A_179 = tpu.vector_load %arg11[%get3A_177, %get3A_178] {strides = array<i32>} : memref<512x128xf32, #tpu.memory_space<vmem>>, vector<1x16xf32>,
        %get3A_180 = vector.shape_cast %get3A_179 : vector<1x16xf32> to vector<16xf32>
        %mul3A_181 = arith.mulf %get3A_180, %broadcast_in_dim3A_142 : vector<16xf32>
        %swap3A_182 = arith.index_cast %add3A_147 : i32 to index
        %swap3A_183 = arith.constant 48 : index
        %swap3A_184 = tpu.vector_load %arg11[%swap3A_182, %swap3A_183] {strides = array<i32>} : memref<512x128xf32, #tpu.memory_space<vmem>>, vector<1x16xf32>,
        %swap3A_185 = vector.shape_cast %swap3A_184 : vector<1x16xf32> to vector<16xf32>
        %swap3A_186 = vector.shape_cast %mul3A_181 : vector<16xf32> to vector<1x16xf32>
        tpu.vector_store %arg11[%swap3A_182, %swap3A_183], %swap3A_186 {strides = array<i32>} : memref<512x128xf32, #tpu.memory_space<vmem>>, vector<1x16xf32>,
        %get3A_187 = arith.index_cast %add3A_147 : i32 to index
        %get3A_188 = arith.constant 64 : index
        %get3A_189 = tpu.vector_load %arg11[%get3A_187, %get3A_188] {strides = array<i32>} : memref<512x128xf32, #tpu.memory_space<vmem>>, vector<1x16xf32>,
        %get3A_190 = vector.shape_cast %get3A_189 : vector<1x16xf32> to vector<16xf32>
        %mul3A_191 = arith.mulf %get3A_190, %broadcast_in_dim3A_142 : vector<16xf32>
        %swap3A_192 = arith.index_cast %add3A_147 : i32 to index
        %swap3A_193 = arith.constant 64 : index
        %swap3A_194 = tpu.vector_load %arg11[%swap3A_192, %swap3A_193] {strides = array<i32>} : memref<512x128xf32, #tpu.memory_space<vmem>>, vector<1x16xf32>,
        %swap3A_195 = vector.shape_cast %swap3A_194 : vector<1x16xf32> to vector<16xf32>
        %swap3A_196 = vector.shape_cast %mul3A_191 : vector<16xf32> to vector<1x16xf32>
        tpu.vector_store %arg11[%swap3A_192, %swap3A_193], %swap3A_196 {strides = array<i32>} : memref<512x128xf32, #tpu.memory_space<vmem>>, vector<1x16xf32>,
        %get3A_197 = arith.index_cast %add3A_147 : i32 to index
        %get3A_198 = arith.constant 80 : index
        %get3A_199 = tpu.vector_load %arg11[%get3A_197, %get3A_198] {strides = array<i32>} : memref<512x128xf32, #tpu.memory_space<vmem>>, vector<1x16xf32>,
        %get3A_200 = vector.shape_cast %get3A_199 : vector<1x16xf32> to vector<16xf32>
        %mul3A_201 = arith.mulf %get3A_200, %broadcast_in_dim3A_142 : vector<16xf32>
        %swap3A_202 = arith.index_cast %add3A_147 : i32 to index
        %swap3A_203 = arith.constant 80 : index
        %swap3A_204 = tpu.vector_load %arg11[%swap3A_202, %swap3A_203] {strides = array<i32>} : memref<512x128xf32, #tpu.memory_space<vmem>>, vector<1x16xf32>,
        %swap3A_205 = vector.shape_cast %swap3A_204 : vector<1x16xf32> to vector<16xf32>
        %swap3A_206 = vector.shape_cast %mul3A_201 : vector<16xf32> to vector<1x16xf32>
        tpu.vector_store %arg11[%swap3A_202, %swap3A_203], %swap3A_206 {strides = array<i32>} : memref<512x128xf32, #tpu.memory_space<vmem>>, vector<1x16xf32>,
        %get3A_207 = arith.index_cast %add3A_147 : i32 to index
        %get3A_208 = arith.constant 96 : index
        %get3A_209 = tpu.vector_load %arg11[%get3A_207, %get3A_208] {strides = array<i32>} : memref<512x128xf32, #tpu.memory_space<vmem>>, vector<1x16xf32>,
        %get3A_210 = vector.shape_cast %get3A_209 : vector<1x16xf32> to vector<16xf32>
        %mul3A_211 = arith.mulf %get3A_210, %broadcast_in_dim3A_142 : vector<16xf32>
        %swap3A_212 = arith.index_cast %add3A_147 : i32 to index
        %swap3A_213 = arith.constant 96 : index
        %swap3A_214 = tpu.vector_load %arg11[%swap3A_212, %swap3A_213] {strides = array<i32>} : memref<512x128xf32, #tpu.memory_space<vmem>>, vector<1x16xf32>,
        %swap3A_215 = vector.shape_cast %swap3A_214 : vector<1x16xf32> to vector<16xf32>
        %swap3A_216 = vector.shape_cast %mul3A_211 : vector<16xf32> to vector<1x16xf32>
        tpu.vector_store %arg11[%swap3A_212, %swap3A_213], %swap3A_216 {strides = array<i32>} : memref<512x128xf32, #tpu.memory_space<vmem>>, vector<1x16xf32>,
        %get3A_217 = arith.index_cast %add3A_147 : i32 to index
        %get3A_218 = arith.constant 112 : index
        %get3A_219 = tpu.vector_load %arg11[%get3A_217, %get3A_218] {strides = array<i32>} : memref<512x128xf32, #tpu.memory_space<vmem>>, vector<1x16xf32>,
        %get3A_220 = vector.shape_cast %get3A_219 : vector<1x16xf32> to vector<16xf32>
        %mul3A_221 = arith.mulf %get3A_220, %broadcast_in_dim3A_142 : vector<16xf32>
        %swap3A_222 = arith.index_cast %add3A_147 : i32 to index
        %swap3A_223 = arith.constant 112 : index
        %swap3A_224 = tpu.vector_load %arg11[%swap3A_222, %swap3A_223] {strides = array<i32>} : memref<512x128xf32, #tpu.memory_space<vmem>>, vector<1x16xf32>,
        %swap3A_225 = vector.shape_cast %swap3A_224 : vector<1x16xf32> to vector<16xf32>
        %swap3A_226 = vector.shape_cast %mul3A_221 : vector<16xf32> to vector<1x16xf32>
        tpu.vector_store %arg11[%swap3A_222, %swap3A_223], %swap3A_226 {strides = array<i32>} : memref<512x128xf32, #tpu.memory_space<vmem>>, vector<1x16xf32>,
        %slice3A_227 = vector.extract_strided_slice %sub3A_141 {offsets = [1], sizes = [1], strides = [1]} : vector<16xf32> to vector<1xf32>
        %squeeze3A_228 = vector.extract %slice3A_227[0] : f32 from vector<1xf32>
        %broadcast_in_dim3A_229 = vector.broadcast %squeeze3A_228 : f32 to vector<16xf32>
        %mul3A_230 = arith.constant 16 : i32
        %mul3A_231 = arith.muli %scan3A_131, %mul3A_230 : i32
        %add3A_232 = arith.addi %mul3A_90, %mul3A_231 : i32
        %add3A_233 = arith.constant 1 : i32
        %add3A_234 = arith.addi %add3A_232, %add3A_233 : i32
        %get3A_235 = arith.index_cast %add3A_234 : i32 to index
        %get3A_236 = arith.constant 0 : index
        %get3A_237 = tpu.vector_load %arg11[%get3A_235, %get3A_236] {strides = array<i32>} : memref<512x128xf32, #tpu.memory_space<vmem>>, vector<1x16xf32>,
        %get3A_238 = vector.shape_cast %get3A_237 : vector<1x16xf32> to vector<16xf32>
        %mul3A_239 = arith.mulf %get3A_238, %broadcast_in_dim3A_229 : vector<16xf32>
        %swap3A_240 = arith.index_cast %add3A_234 : i32 to index
        %swap3A_241 = arith.constant 0 : index
        %swap3A_242 = tpu.vector_load %arg11[%swap3A_240, %swap3A_241] {strides = array<i32>} : memref<512x128xf32, #tpu.memory_space<vmem>>, vector<1x16xf32>,
        %swap3A_243 = vector.shape_cast %swap3A_242 : vector<1x16xf32> to vector<16xf32>
        %swap3A_244 = vector.shape_cast %mul3A_239 : vector<16xf32> to vector<1x16xf32>
        tpu.vector_store %arg11[%swap3A_240, %swap3A_241], %swap3A_244 {strides = array<i32>} : memref<512x128xf32, #tpu.memory_space<vmem>>, vector<1x16xf32>,
        %get3A_245 = arith.index_cast %add3A_234 : i32 to index
        %get3A_246 = arith.constant 16 : index
        %get3A_247 = tpu.vector_load %arg11[%get3A_245, %get3A_246] {strides = array<i32>} : memref<512x128xf32, #tpu.memory_space<vmem>>, vector<1x16xf32>,
        %get3A_248 = vector.shape_cast %get3A_247 : vector<1x16xf32> to vector<16xf32>
        %mul3A_249 = arith.mulf %get3A_248, %broadcast_in_dim3A_229 : vector<16xf32>
        %swap3A_250 = arith.index_cast %add3A_234 : i32 to index
        %swap3A_251 = arith.constant 16 : index
        %swap3A_252 = tpu.vector_load %arg11[%swap3A_250, %swap3A_251] {strides = array<i32>} : memref<512x128xf32, #tpu.memory_space<vmem>>, vector<1x16xf32>,
        %swap3A_253 = vector.shape_cast %swap3A_252 : vector<1x16xf32> to vector<16xf32>
        %swap3A_254 = vector.shape_cast %mul3A_249 : vector<16xf32> to vector<1x16xf32>
        tpu.vector_store %arg11[%swap3A_250, %swap3A_251], %swap3A_254 {strides = array<i32>} : memref<512x128xf32, #tpu.memory_space<vmem>>, vector<1x16xf32>,
        %get3A_255 = arith.index_cast %add3A_234 : i32 to index
        %get3A_256 = arith.constant 32 : index
        %get3A_257 = tpu.vector_load %arg11[%get3A_255, %get3A_256] {strides = array<i32>} : memref<512x128xf32, #tpu.memory_space<vmem>>, vector<1x16xf32>,
        %get3A_258 = vector.shape_cast %get3A_257 : vector<1x16xf32> to vector<16xf32>
        %mul3A_259 = arith.mulf %get3A_258, %broadcast_in_dim3A_229 : vector<16xf32>
        %swap3A_260 = arith.index_cast %add3A_234 : i32 to index
        %swap3A_261 = arith.constant 32 : index
        %swap3A_262 = tpu.vector_load %arg11[%swap3A_260, %swap3A_261] {strides = array<i32>} : memref<512x128xf32, #tpu.memory_space<vmem>>, vector<1x16xf32>,
        %swap3A_263 = vector.shape_cast %swap3A_262 : vector<1x16xf32> to vector<16xf32>
        %swap3A_264 = vector.shape_cast %mul3A_259 : vector<16xf32> to vector<1x16xf32>
        tpu.vector_store %arg11[%swap3A_260, %swap3A_261], %swap3A_264 {strides = array<i32>} : memref<512x128xf32, #tpu.memory_space<vmem>>, vector<1x16xf32>,
        %get3A_265 = arith.index_cast %add3A_234 : i32 to index
        %get3A_266 = arith.constant 48 : index
        %get3A_267 = tpu.vector_load %arg11[%get3A_265, %get3A_266] {strides = array<i32>} : memref<512x128xf32, #tpu.memory_space<vmem>>, vector<1x16xf32>,
        %get3A_268 = vector.shape_cast %get3A_267 : vector<1x16xf32> to vector<16xf32>
        %mul3A_269 = arith.mulf %get3A_268, %broadcast_in_dim3A_229 : vector<16xf32>
        %swap3A_270 = arith.index_cast %add3A_234 : i32 to index
        %swap3A_271 = arith.constant 48 : index
        %swap3A_272 = tpu.vector_load %arg11[%swap3A_270, %swap3A_271] {strides = array<i32>} : memref<512x128xf32, #tpu.memory_space<vmem>>, vector<1x16xf32>,
        %swap3A_273 = vector.shape_cast %swap3A_272 : vector<1x16xf32> to vector<16xf32>
        %swap3A_274 = vector.shape_cast %mul3A_269 : vector<16xf32> to vector<1x16xf32>
        tpu.vector_store %arg11[%swap3A_270, %swap3A_271], %swap3A_274 {strides = array<i32>} : memref<512x128xf32, #tpu.memory_space<vmem>>, vector<1x16xf32>,
        %get3A_275 = arith.index_cast %add3A_234 : i32 to index
        %get3A_276 = arith.constant 64 : index
        %get3A_277 = tpu.vector_load %arg11[%get3A_275, %get3A_276] {strides = array<i32>} : memref<512x128xf32, #tpu.memory_space<vmem>>, vector<1x16xf32>,
        %get3A_278 = vector.shape_cast %get3A_277 : vector<1x16xf32> to vector<16xf32>
        %mul3A_279 = arith.mulf %get3A_278, %broadcast_in_dim3A_229 : vector<16xf32>
        %swap3A_280 = arith.index_cast %add3A_234 : i32 to index
        %swap3A_281 = arith.constant 64 : index
        %swap3A_282 = tpu.vector_load %arg11[%swap3A_280, %swap3A_281] {strides = array<i32>} : memref<512x128xf32, #tpu.memory_space<vmem>>, vector<1x16xf32>,
        %swap3A_283 = vector.shape_cast %swap3A_282 : vector<1x16xf32> to vector<16xf32>
        %swap3A_284 = vector.shape_cast %mul3A_279 : vector<16xf32> to vector<1x16xf32>
        tpu.vector_store %arg11[%swap3A_280, %swap3A_281], %swap3A_284 {strides = array<i32>} : memref<512x128xf32, #tpu.memory_space<vmem>>, vector<1x16xf32>,
        %get3A_285 = arith.index_cast %add3A_234 : i32 to index
        %get3A_286 = arith.constant 80 : index
        %get3A_287 = tpu.vector_load %arg11[%get3A_285, %get3A_286] {strides = array<i32>} : memref<512x128xf32, #tpu.memory_space<vmem>>, vector<1x16xf32>,
        %get3A_288 = vector.shape_cast %get3A_287 : vector<1x16xf32> to vector<16xf32>
        %mul3A_289 = arith.mulf %get3A_288, %broadcast_in_dim3A_229 : vector<16xf32>
        %swap3A_290 = arith.index_cast %add3A_234 : i32 to index
        %swap3A_291 = arith.constant 80 : index
        %swap3A_292 = tpu.vector_load %arg11[%swap3A_290, %swap3A_291] {strides = array<i32>} : memref<512x128xf32, #tpu.memory_space<vmem>>, vector<1x16xf32>,
        %swap3A_293 = vector.shape_cast %swap3A_292 : vector<1x16xf32> to vector<16xf32>
        %swap3A_294 = vector.shape_cast %mul3A_289 : vector<16xf32> to vector<1x16xf32>
        tpu.vector_store %arg11[%swap3A_290, %swap3A_291], %swap3A_294 {strides = array<i32>} : memref<512x128xf32, #tpu.memory_space<vmem>>, vector<1x16xf32>,
        %get3A_295 = arith.index_cast %add3A_234 : i32 to index
        %get3A_296 = arith.constant 96 : index
        %get3A_297 = tpu.vector_load %arg11[%get3A_295, %get3A_296] {strides = array<i32>} : memref<512x128xf32, #tpu.memory_space<vmem>>, vector<1x16xf32>,
        %get3A_298 = vector.shape_cast %get3A_297 : vector<1x16xf32> to vector<16xf32>
        %mul3A_299 = arith.mulf %get3A_298, %broadcast_in_dim3A_229 : vector<16xf32>
        %swap3A_300 = arith.index_cast %add3A_234 : i32 to index
        %swap3A_301 = arith.constant 96 : index
        %swap3A_302 = tpu.vector_load %arg11[%swap3A_300, %swap3A_301] {strides = array<i32>} : memref<512x128xf32, #tpu.memory_space<vmem>>, vector<1x16xf32>,
        %swap3A_303 = vector.shape_cast %swap3A_302 : vector<1x16xf32> to vector<16xf32>
        %swap3A_304 = vector.shape_cast %mul3A_299 : vector<16xf32> to vector<1x16xf32>
        tpu.vector_store %arg11[%swap3A_300, %swap3A_301], %swap3A_304 {strides = array<i32>} : memref<512x128xf32, #tpu.memory_space<vmem>>, vector<1x16xf32>,
        %get3A_305 = arith.index_cast %add3A_234 : i32 to index
        %get3A_306 = arith.constant 112 : index
        %get3A_307 = tpu.vector_load %arg11[%get3A_305, %get3A_306] {strides = array<i32>} : memref<512x128xf32, #tpu.memory_space<vmem>>, vector<1x16xf32>,
        %get3A_308 = vector.shape_cast %get3A_307 : vector<1x16xf32> to vector<16xf32>
        %mul3A_309 = arith.mulf %get3A_308, %broadcast_in_dim3A_229 : vector<16xf32>
        %swap3A_310 = arith.index_cast %add3A_234 : i32 to index
        %swap3A_311 = arith.constant 112 : index
        %swap3A_312 = tpu.vector_load %arg11[%swap3A_310, %swap3A_311] {strides = array<i32>} : memref<512x128xf32, #tpu.memory_space<vmem>>, vector<1x16xf32>,
        %swap3A_313 = vector.shape_cast %swap3A_312 : vector<1x16xf32> to vector<16xf32>
        %swap3A_314 = vector.shape_cast %mul3A_309 : vector<16xf32> to vector<1x16xf32>
        tpu.vector_store %arg11[%swap3A_310, %swap3A_311], %swap3A_314 {strides = array<i32>} : memref<512x128xf32, #tpu.memory_space<vmem>>, vector<1x16xf32>,
        %slice3A_315 = vector.extract_strided_slice %sub3A_141 {offsets = [2], sizes = [1], strides = [1]} : vector<16xf32> to vector<1xf32>
        %squeeze3A_316 = vector.extract %slice3A_315[0] : f32 from vector<1xf32>
        %broadcast_in_dim3A_317 = vector.broadcast %squeeze3A_316 : f32 to vector<16xf32>
        %mul3A_318 = arith.constant 16 : i32
        %mul3A_319 = arith.muli %scan3A_131, %mul3A_318 : i32
        %add3A_320 = arith.addi %mul3A_90, %mul3A_319 : i32
        %add3A_321 = arith.constant 2 : i32
        %add3A_322 = arith.addi %add3A_320, %add3A_321 : i32
        %get3A_323 = arith.index_cast %add3A_322 : i32 to index
        %get3A_324 = arith.constant 0 : index
        %get3A_325 = tpu.vector_load %arg11[%get3A_323, %get3A_324] {strides = array<i32>} : memref<512x128xf32, #tpu.memory_space<vmem>>, vector<1x16xf32>,
        %get3A_326 = vector.shape_cast %get3A_325 : vector<1x16xf32> to vector<16xf32>
        %mul3A_327 = arith.mulf %get3A_326, %broadcast_in_dim3A_317 : vector<16xf32>
        %swap3A_328 = arith.index_cast %add3A_322 : i32 to index
        %swap3A_329 = arith.constant 0 : index
        %swap3A_330 = tpu.vector_load %arg11[%swap3A_328, %swap3A_329] {strides = array<i32>} : memref<512x128xf32, #tpu.memory_space<vmem>>, vector<1x16xf32>,
        %swap3A_331 = vector.shape_cast %swap3A_330 : vector<1x16xf32> to vector<16xf32>
        %swap3A_332 = vector.shape_cast %mul3A_327 : vector<16xf32> to vector<1x16xf32>
        tpu.vector_store %arg11[%swap3A_328, %swap3A_329], %swap3A_332 {strides = array<i32>} : memref<512x128xf32, #tpu.memory_space<vmem>>, vector<1x16xf32>,
        %get3A_333 = arith.index_cast %add3A_322 : i32 to index
        %get3A_334 = arith.constant 16 : index
        %get3A_335 = tpu.vector_load %arg11[%get3A_333, %get3A_334] {strides = array<i32>} : memref<512x128xf32, #tpu.memory_space<vmem>>, vector<1x16xf32>,
        %get3A_336 = vector.shape_cast %get3A_335 : vector<1x16xf32> to vector<16xf32>
        %mul3A_337 = arith.mulf %get3A_336, %broadcast_in_dim3A_317 : vector<16xf32>
        %swap3A_338 = arith.index_cast %add3A_322 : i32 to index
        %swap3A_339 = arith.constant 16 : index
        %swap3A_340 = tpu.vector_load %arg11[%swap3A_338, %swap3A_339] {strides = array<i32>} : memref<512x128xf32, #tpu.memory_space<vmem>>, vector<1x16xf32>,
        %swap3A_341 = vector.shape_cast %swap3A_340 : vector<1x16xf32> to vector<16xf32>
        %swap3A_342 = vector.shape_cast %mul3A_337 : vector<16xf32> to vector<1x16xf32>
        tpu.vector_store %arg11[%swap3A_338, %swap3A_339], %swap3A_342 {strides = array<i32>} : memref<512x128xf32, #tpu.memory_space<vmem>>, vector<1x16xf32>,
        %get3A_343 = arith.index_cast %add3A_322 : i32 to index
        %get3A_344 = arith.constant 32 : index
        %get3A_345 = tpu.vector_load %arg11[%get3A_343, %get3A_344] {strides = array<i32>} : memref<512x128xf32, #tpu.memory_space<vmem>>, vector<1x16xf32>,
        %get3A_346 = vector.shape_cast %get3A_345 : vector<1x16xf32> to vector<16xf32>
        %mul3A_347 = arith.mulf %get3A_346, %broadcast_in_dim3A_317 : vector<16xf32>
        %swap3A_348 = arith.index_cast %add3A_322 : i32 to index
        %swap3A_349 = arith.constant 32 : index
        %swap3A_350 = tpu.vector_load %arg11[%swap3A_348, %swap3A_349] {strides = array<i32>} : memref<512x128xf32, #tpu.memory_space<vmem>>, vector<1x16xf32>,
        %swap3A_351 = vector.shape_cast %swap3A_350 : vector<1x16xf32> to vector<16xf32>
        %swap3A_352 = vector.shape_cast %mul3A_347 : vector<16xf32> to vector<1x16xf32>
        tpu.vector_store %arg11[%swap3A_348, %swap3A_349], %swap3A_352 {strides = array<i32>} : memref<512x128xf32, #tpu.memory_space<vmem>>, vector<1x16xf32>,
        %get3A_353 = arith.index_cast %add3A_322 : i32 to index
        %get3A_354 = arith.constant 48 : index
        %get3A_355 = tpu.vector_load %arg11[%get3A_353, %get3A_354] {strides = array<i32>} : memref<512x128xf32, #tpu.memory_space<vmem>>, vector<1x16xf32>,
        %get3A_356 = vector.shape_cast %get3A_355 : vector<1x16xf32> to vector<16xf32>
        %mul3A_357 = arith.mulf %get3A_356, %broadcast_in_dim3A_317 : vector<16xf32>
        %swap3A_358 = arith.index_cast %add3A_322 : i32 to index
        %swap3A_359 = arith.constant 48 : index
        %swap3A_360 = tpu.vector_load %arg11[%swap3A_358, %swap3A_359] {strides = array<i32>} : memref<512x128xf32, #tpu.memory_space<vmem>>, vector<1x16xf32>,
        %swap3A_361 = vector.shape_cast %swap3A_360 : vector<1x16xf32> to vector<16xf32>
        %swap3A_362 = vector.shape_cast %mul3A_357 : vector<16xf32> to vector<1x16xf32>
        tpu.vector_store %arg11[%swap3A_358, %swap3A_359], %swap3A_362 {strides = array<i32>} : memref<512x128xf32, #tpu.memory_space<vmem>>, vector<1x16xf32>,
        %get3A_363 = arith.index_cast %add3A_322 : i32 to index
        %get3A_364 = arith.constant 64 : index
        %get3A_365 = tpu.vector_load %arg11[%get3A_363, %get3A_364] {strides = array<i32>} : memref<512x128xf32, #tpu.memory_space<vmem>>, vector<1x16xf32>,
        %get3A_366 = vector.shape_cast %get3A_365 : vector<1x16xf32> to vector<16xf32>
        %mul3A_367 = arith.mulf %get3A_366, %broadcast_in_dim3A_317 : vector<16xf32>
        %swap3A_368 = arith.index_cast %add3A_322 : i32 to index
        %swap3A_369 = arith.constant 64 : index
        %swap3A_370 = tpu.vector_load %arg11[%swap3A_368, %swap3A_369] {strides = array<i32>} : memref<512x128xf32, #tpu.memory_space<vmem>>, vector<1x16xf32>,
        %swap3A_371 = vector.shape_cast %swap3A_370 : vector<1x16xf32> to vector<16xf32>
        %swap3A_372 = vector.shape_cast %mul3A_367 : vector<16xf32> to vector<1x16xf32>
        tpu.vector_store %arg11[%swap3A_368, %swap3A_369], %swap3A_372 {strides = array<i32>} : memref<512x128xf32, #tpu.memory_space<vmem>>, vector<1x16xf32>,
        %get3A_373 = arith.index_cast %add3A_322 : i32 to index
        %get3A_374 = arith.constant 80 : index
        %get3A_375 = tpu.vector_load %arg11[%get3A_373, %get3A_374] {strides = array<i32>} : memref<512x128xf32, #tpu.memory_space<vmem>>, vector<1x16xf32>,
        %get3A_376 = vector.shape_cast %get3A_375 : vector<1x16xf32> to vector<16xf32>
        %mul3A_377 = arith.mulf %get3A_376, %broadcast_in_dim3A_317 : vector<16xf32>
        %swap3A_378 = arith.index_cast %add3A_322 : i32 to index
        %swap3A_379 = arith.constant 80 : index
        %swap3A_380 = tpu.vector_load %arg11[%swap3A_378, %swap3A_379] {strides = array<i32>} : memref<512x128xf32, #tpu.memory_space<vmem>>, vector<1x16xf32>,
        %swap3A_381 = vector.shape_cast %swap3A_380 : vector<1x16xf32> to vector<16xf32>
        %swap3A_382 = vector.shape_cast %mul3A_377 : vector<16xf32> to vector<1x16xf32>
        tpu.vector_store %arg11[%swap3A_378, %swap3A_379], %swap3A_382 {strides = array<i32>} : memref<512x128xf32, #tpu.memory_space<vmem>>, vector<1x16xf32>,
        %get3A_383 = arith.index_cast %add3A_322 : i32 to index
        %get3A_384 = arith.constant 96 : index
        %get3A_385 = tpu.vector_load %arg11[%get3A_383, %get3A_384] {strides = array<i32>} : memref<512x128xf32, #tpu.memory_space<vmem>>, vector<1x16xf32>,
        %get3A_386 = vector.shape_cast %get3A_385 : vector<1x16xf32> to vector<16xf32>
        %mul3A_387 = arith.mulf %get3A_386, %broadcast_in_dim3A_317 : vector<16xf32>
        %swap3A_388 = arith.index_cast %add3A_322 : i32 to index
        %swap3A_389 = arith.constant 96 : index
        %swap3A_390 = tpu.vector_load %arg11[%swap3A_388, %swap3A_389] {strides = array<i32>} : memref<512x128xf32, #tpu.memory_space<vmem>>, vector<1x16xf32>,
        %swap3A_391 = vector.shape_cast %swap3A_390 : vector<1x16xf32> to vector<16xf32>
        %swap3A_392 = vector.shape_cast %mul3A_387 : vector<16xf32> to vector<1x16xf32>
        tpu.vector_store %arg11[%swap3A_388, %swap3A_389], %swap3A_392 {strides = array<i32>} : memref<512x128xf32, #tpu.memory_space<vmem>>, vector<1x16xf32>,
        %get3A_393 = arith.index_cast %add3A_322 : i32 to index
        %get3A_394 = arith.constant 112 : index
        %get3A_395 = tpu.vector_load %arg11[%get3A_393, %get3A_394] {strides = array<i32>} : memref<512x128xf32, #tpu.memory_space<vmem>>, vector<1x16xf32>,
        %get3A_396 = vector.shape_cast %get3A_395 : vector<1x16xf32> to vector<16xf32>
        %mul3A_397 = arith.mulf %get3A_396, %broadcast_in_dim3A_317 : vector<16xf32>
        %swap3A_398 = arith.index_cast %add3A_322 : i32 to index
        %swap3A_399 = arith.constant 112 : index
        %swap3A_400 = tpu.vector_load %arg11[%swap3A_398, %swap3A_399] {strides = array<i32>} : memref<512x128xf32, #tpu.memory_space<vmem>>, vector<1x16xf32>,
        %swap3A_401 = vector.shape_cast %swap3A_400 : vector<1x16xf32> to vector<16xf32>
        %swap3A_402 = vector.shape_cast %mul3A_397 : vector<16xf32> to vector<1x16xf32>
        tpu.vector_store %arg11[%swap3A_398, %swap3A_399], %swap3A_402 {strides = array<i32>} : memref<512x128xf32, #tpu.memory_space<vmem>>, vector<1x16xf32>,
        %slice3A_403 = vector.extract_strided_slice %sub3A_141 {offsets = [3], sizes = [1], strides = [1]} : vector<16xf32> to vector<1xf32>
        %squeeze3A_404 = vector.extract %slice3A_403[0] : f32 from vector<1xf32>
        %broadcast_in_dim3A_405 = vector.broadcast %squeeze3A_404 : f32 to vector<16xf32>
        %mul3A_406 = arith.constant 16 : i32
        %mul3A_407 = arith.muli %scan3A_131, %mul3A_406 : i32
        %add3A_408 = arith.addi %mul3A_90, %mul3A_407 : i32
        %add3A_409 = arith.constant 3 : i32
        %add3A_410 = arith.addi %add3A_408, %add3A_409 : i32
        %get3A_411 = arith.index_cast %add3A_410 : i32 to index
        %get3A_412 = arith.constant 0 : index
        %get3A_413 = tpu.vector_load %arg11[%get3A_411, %get3A_412] {strides = array<i32>} : memref<512x128xf32, #tpu.memory_space<vmem>>, vector<1x16xf32>,
        %get3A_414 = vector.shape_cast %get3A_413 : vector<1x16xf32> to vector<16xf32>
        %mul3A_415 = arith.mulf %get3A_414, %broadcast_in_dim3A_405 : vector<16xf32>
        %swap3A_416 = arith.index_cast %add3A_410 : i32 to index
        %swap3A_417 = arith.constant 0 : index
        %swap3A_418 = tpu.vector_load %arg11[%swap3A_416, %swap3A_417] {strides = array<i32>} : memref<512x128xf32, #tpu.memory_space<vmem>>, vector<1x16xf32>,
        %swap3A_419 = vector.shape_cast %swap3A_418 : vector<1x16xf32> to vector<16xf32>
        %swap3A_420 = vector.shape_cast %mul3A_415 : vector<16xf32> to vector<1x16xf32>
        tpu.vector_store %arg11[%swap3A_416, %swap3A_417], %swap3A_420 {strides = array<i32>} : memref<512x128xf32, #tpu.memory_space<vmem>>, vector<1x16xf32>,
        %get3A_421 = arith.index_cast %add3A_410 : i32 to index
        %get3A_422 = arith.constant 16 : index
        %get3A_423 = tpu.vector_load %arg11[%get3A_421, %get3A_422] {strides = array<i32>} : memref<512x128xf32, #tpu.memory_space<vmem>>, vector<1x16xf32>,
        %get3A_424 = vector.shape_cast %get3A_423 : vector<1x16xf32> to vector<16xf32>
        %mul3A_425 = arith.mulf %get3A_424, %broadcast_in_dim3A_405 : vector<16xf32>
        %swap3A_426 = arith.index_cast %add3A_410 : i32 to index
        %swap3A_427 = arith.constant 16 : index
        %swap3A_428 = tpu.vector_load %arg11[%swap3A_426, %swap3A_427] {strides = array<i32>} : memref<512x128xf32, #tpu.memory_space<vmem>>, vector<1x16xf32>,
        %swap3A_429 = vector.shape_cast %swap3A_428 : vector<1x16xf32> to vector<16xf32>
        %swap3A_430 = vector.shape_cast %mul3A_425 : vector<16xf32> to vector<1x16xf32>
        tpu.vector_store %arg11[%swap3A_426, %swap3A_427], %swap3A_430 {strides = array<i32>} : memref<512x128xf32, #tpu.memory_space<vmem>>, vector<1x16xf32>,
        %get3A_431 = arith.index_cast %add3A_410 : i32 to index
        %get3A_432 = arith.constant 32 : index
        %get3A_433 = tpu.vector_load %arg11[%get3A_431, %get3A_432] {strides = array<i32>} : memref<512x128xf32, #tpu.memory_space<vmem>>, vector<1x16xf32>,
        %get3A_434 = vector.shape_cast %get3A_433 : vector<1x16xf32> to vector<16xf32>
        %mul3A_435 = arith.mulf %get3A_434, %broadcast_in_dim3A_405 : vector<16xf32>
        %swap3A_436 = arith.index_cast %add3A_410 : i32 to index
        %swap3A_437 = arith.constant 32 : index
        %swap3A_438 = tpu.vector_load %arg11[%swap3A_436, %swap3A_437] {strides = array<i32>} : memref<512x128xf32, #tpu.memory_space<vmem>>, vector<1x16xf32>,
        %swap3A_439 = vector.shape_cast %swap3A_438 : vector<1x16xf32> to vector<16xf32>
        %swap3A_440 = vector.shape_cast %mul3A_435 : vector<16xf32> to vector<1x16xf32>
        tpu.vector_store %arg11[%swap3A_436, %swap3A_437], %swap3A_440 {strides = array<i32>} : memref<512x128xf32, #tpu.memory_space<vmem>>, vector<1x16xf32>,
        %get3A_441 = arith.index_cast %add3A_410 : i32 to index
        %get3A_442 = arith.constant 48 : index
        %get3A_443 = tpu.vector_load %arg11[%get3A_441, %get3A_442] {strides = array<i32>} : memref<512x128xf32, #tpu.memory_space<vmem>>, vector<1x16xf32>,
        %get3A_444 = vector.shape_cast %get3A_443 : vector<1x16xf32> to vector<16xf32>
        %mul3A_445 = arith.mulf %get3A_444, %broadcast_in_dim3A_405 : vector<16xf32>
        %swap3A_446 = arith.index_cast %add3A_410 : i32 to index
        %swap3A_447 = arith.constant 48 : index
        %swap3A_448 = tpu.vector_load %arg11[%swap3A_446, %swap3A_447] {strides = array<i32>} : memref<512x128xf32, #tpu.memory_space<vmem>>, vector<1x16xf32>,
        %swap3A_449 = vector.shape_cast %swap3A_448 : vector<1x16xf32> to vector<16xf32>
        %swap3A_450 = vector.shape_cast %mul3A_445 : vector<16xf32> to vector<1x16xf32>
        tpu.vector_store %arg11[%swap3A_446, %swap3A_447], %swap3A_450 {strides = array<i32>} : memref<512x128xf32, #tpu.memory_space<vmem>>, vector<1x16xf32>,
        %get3A_451 = arith.index_cast %add3A_410 : i32 to index
        %get3A_452 = arith.constant 64 : index
        %get3A_453 = tpu.vector_load %arg11[%get3A_451, %get3A_452] {strides = array<i32>} : memref<512x128xf32, #tpu.memory_space<vmem>>, vector<1x16xf32>,
        %get3A_454 = vector.shape_cast %get3A_453 : vector<1x16xf32> to vector<16xf32>
        %mul3A_455 = arith.mulf %get3A_454, %broadcast_in_dim3A_405 : vector<16xf32>
        %swap3A_456 = arith.index_cast %add3A_410 : i32 to index
        %swap3A_457 = arith.constant 64 : index
        %swap3A_458 = tpu.vector_load %arg11[%swap3A_456, %swap3A_457] {strides = array<i32>} : memref<512x128xf32, #tpu.memory_space<vmem>>, vector<1x16xf32>,
        %swap3A_459 = vector.shape_cast %swap3A_458 : vector<1x16xf32> to vector<16xf32>
        %swap3A_460 = vector.shape_cast %mul3A_455 : vector<16xf32> to vector<1x16xf32>
        tpu.vector_store %arg11[%swap3A_456, %swap3A_457], %swap3A_460 {strides = array<i32>} : memref<512x128xf32, #tpu.memory_space<vmem>>, vector<1x16xf32>,
        %get3A_461 = arith.index_cast %add3A_410 : i32 to index
        %get3A_462 = arith.constant 80 : index
        %get3A_463 = tpu.vector_load %arg11[%get3A_461, %get3A_462] {strides = array<i32>} : memref<512x128xf32, #tpu.memory_space<vmem>>, vector<1x16xf32>,
        %get3A_464 = vector.shape_cast %get3A_463 : vector<1x16xf32> to vector<16xf32>
        %mul3A_465 = arith.mulf %get3A_464, %broadcast_in_dim3A_405 : vector<16xf32>
        %swap3A_466 = arith.index_cast %add3A_410 : i32 to index
        %swap3A_467 = arith.constant 80 : index
        %swap3A_468 = tpu.vector_load %arg11[%swap3A_466, %swap3A_467] {strides = array<i32>} : memref<512x128xf32, #tpu.memory_space<vmem>>, vector<1x16xf32>,
        %swap3A_469 = vector.shape_cast %swap3A_468 : vector<1x16xf32> to vector<16xf32>
        %swap3A_470 = vector.shape_cast %mul3A_465 : vector<16xf32> to vector<1x16xf32>
        tpu.vector_store %arg11[%swap3A_466, %swap3A_467], %swap3A_470 {strides = array<i32>} : memref<512x128xf32, #tpu.memory_space<vmem>>, vector<1x16xf32>,
        %get3A_471 = arith.index_cast %add3A_410 : i32 to index
        %get3A_472 = arith.constant 96 : index
        %get3A_473 = tpu.vector_load %arg11[%get3A_471, %get3A_472] {strides = array<i32>} : memref<512x128xf32, #tpu.memory_space<vmem>>, vector<1x16xf32>,
        %get3A_474 = vector.shape_cast %get3A_473 : vector<1x16xf32> to vector<16xf32>
        %mul3A_475 = arith.mulf %get3A_474, %broadcast_in_dim3A_405 : vector<16xf32>
        %swap3A_476 = arith.index_cast %add3A_410 : i32 to index
        %swap3A_477 = arith.constant 96 : index
        %swap3A_478 = tpu.vector_load %arg11[%swap3A_476, %swap3A_477] {strides = array<i32>} : memref<512x128xf32, #tpu.memory_space<vmem>>, vector<1x16xf32>,
        %swap3A_479 = vector.shape_cast %swap3A_478 : vector<1x16xf32> to vector<16xf32>
        %swap3A_480 = vector.shape_cast %mul3A_475 : vector<16xf32> to vector<1x16xf32>
        tpu.vector_store %arg11[%swap3A_476, %swap3A_477], %swap3A_480 {strides = array<i32>} : memref<512x128xf32, #tpu.memory_space<vmem>>, vector<1x16xf32>,
        %get3A_481 = arith.index_cast %add3A_410 : i32 to index
        %get3A_482 = arith.constant 112 : index
        %get3A_483 = tpu.vector_load %arg11[%get3A_481, %get3A_482] {strides = array<i32>} : memref<512x128xf32, #tpu.memory_space<vmem>>, vector<1x16xf32>,
        %get3A_484 = vector.shape_cast %get3A_483 : vector<1x16xf32> to vector<16xf32>
        %mul3A_485 = arith.mulf %get3A_484, %broadcast_in_dim3A_405 : vector<16xf32>
        %swap3A_486 = arith.index_cast %add3A_410 : i32 to index
        %swap3A_487 = arith.constant 112 : index
        %swap3A_488 = tpu.vector_load %arg11[%swap3A_486, %swap3A_487] {strides = array<i32>} : memref<512x128xf32, #tpu.memory_space<vmem>>, vector<1x16xf32>,
        %swap3A_489 = vector.shape_cast %swap3A_488 : vector<1x16xf32> to vector<16xf32>
        %swap3A_490 = vector.shape_cast %mul3A_485 : vector<16xf32> to vector<1x16xf32>
        tpu.vector_store %arg11[%swap3A_486, %swap3A_487], %swap3A_490 {strides = array<i32>} : memref<512x128xf32, #tpu.memory_space<vmem>>, vector<1x16xf32>,
        %slice3A_491 = vector.extract_strided_slice %sub3A_141 {offsets = [4], sizes = [1], strides = [1]} : vector<16xf32> to vector<1xf32>
        %squeeze3A_492 = vector.extract %slice3A_491[0] : f32 from vector<1xf32>
        %broadcast_in_dim3A_493 = vector.broadcast %squeeze3A_492 : f32 to vector<16xf32>
        %mul3A_494 = arith.constant 16 : i32
        %mul3A_495 = arith.muli %scan3A_131, %mul3A_494 : i32
        %add3A_496 = arith.addi %mul3A_90, %mul3A_495 : i32
        %add3A_497 = arith.constant 4 : i32
        %add3A_498 = arith.addi %add3A_496, %add3A_497 : i32
        %get3A_499 = arith.index_cast %add3A_498 : i32 to index
        %get3A_500 = arith.constant 0 : index
        %get3A_501 = tpu.vector_load %arg11[%get3A_499, %get3A_500] {strides = array<i32>} : memref<512x128xf32, #tpu.memory_space<vmem>>, vector<1x16xf32>,
        %get3A_502 = vector.shape_cast %get3A_501 : vector<1x16xf32> to vector<16xf32>
        %mul3A_503 = arith.mulf %get3A_502, %broadcast_in_dim3A_493 : vector<16xf32>
        %swap3A_504 = arith.index_cast %add3A_498 : i32 to index
        %swap3A_505 = arith.constant 0 : index
        %swap3A_506 = tpu.vector_load %arg11[%swap3A_504, %swap3A_505] {strides = array<i32>} : memref<512x128xf32, #tpu.memory_space<vmem>>, vector<1x16xf32>,
        %swap3A_507 = vector.shape_cast %swap3A_506 : vector<1x16xf32> to vector<16xf32>
        %swap3A_508 = vector.shape_cast %mul3A_503 : vector<16xf32> to vector<1x16xf32>
        tpu.vector_store %arg11[%swap3A_504, %swap3A_505], %swap3A_508 {strides = array<i32>} : memref<512x128xf32, #tpu.memory_space<vmem>>, vector<1x16xf32>,
        %get3A_509 = arith.index_cast %add3A_498 : i32 to index
        %get3A_510 = arith.constant 16 : index
        %get3A_511 = tpu.vector_load %arg11[%get3A_509, %get3A_510] {strides = array<i32>} : memref<512x128xf32, #tpu.memory_space<vmem>>, vector<1x16xf32>,
        %get3A_512 = vector.shape_cast %get3A_511 : vector<1x16xf32> to vector<16xf32>
        %mul3A_513 = arith.mulf %get3A_512, %broadcast_in_dim3A_493 : vector<16xf32>
        %swap3A_514 = arith.index_cast %add3A_498 : i32 to index
        %swap3A_515 = arith.constant 16 : index
        %swap3A_516 = tpu.vector_load %arg11[%swap3A_514, %swap3A_515] {strides = array<i32>} : memref<512x128xf32, #tpu.memory_space<vmem>>, vector<1x16xf32>,
        %swap3A_517 = vector.shape_cast %swap3A_516 : vector<1x16xf32> to vector<16xf32>
        %swap3A_518 = vector.shape_cast %mul3A_513 : vector<16xf32> to vector<1x16xf32>
        tpu.vector_store %arg11[%swap3A_514, %swap3A_515], %swap3A_518 {strides = array<i32>} : memref<512x128xf32, #tpu.memory_space<vmem>>, vector<1x16xf32>,
        %get3A_519 = arith.index_cast %add3A_498 : i32 to index
        %get3A_520 = arith.constant 32 : index
        %get3A_521 = tpu.vector_load %arg11[%get3A_519, %get3A_520] {strides = array<i32>} : memref<512x128xf32, #tpu.memory_space<vmem>>, vector<1x16xf32>,
        %get3A_522 = vector.shape_cast %get3A_521 : vector<1x16xf32> to vector<16xf32>
        %mul3A_523 = arith.mulf %get3A_522, %broadcast_in_dim3A_493 : vector<16xf32>
        %swap3A_524 = arith.index_cast %add3A_498 : i32 to index
        %swap3A_525 = arith.constant 32 : index
        %swap3A_526 = tpu.vector_load %arg11[%swap3A_524, %swap3A_525] {strides = array<i32>} : memref<512x128xf32, #tpu.memory_space<vmem>>, vector<1x16xf32>,
        %swap3A_527 = vector.shape_cast %swap3A_526 : vector<1x16xf32> to vector<16xf32>
        %swap3A_528 = vector.shape_cast %mul3A_523 : vector<16xf32> to vector<1x16xf32>
        tpu.vector_store %arg11[%swap3A_524, %swap3A_525], %swap3A_528 {strides = array<i32>} : memref<512x128xf32, #tpu.memory_space<vmem>>, vector<1x16xf32>,
        %get3A_529 = arith.index_cast %add3A_498 : i32 to index
        %get3A_530 = arith.constant 48 : index
        %get3A_531 = tpu.vector_load %arg11[%get3A_529, %get3A_530] {strides = array<i32>} : memref<512x128xf32, #tpu.memory_space<vmem>>, vector<1x16xf32>,
        %get3A_532 = vector.shape_cast %get3A_531 : vector<1x16xf32> to vector<16xf32>
        %mul3A_533 = arith.mulf %get3A_532, %broadcast_in_dim3A_493 : vector<16xf32>
        %swap3A_534 = arith.index_cast %add3A_498 : i32 to index
        %swap3A_535 = arith.constant 48 : index
        %swap3A_536 = tpu.vector_load %arg11[%swap3A_534, %swap3A_535] {strides = array<i32>} : memref<512x128xf32, #tpu.memory_space<vmem>>, vector<1x16xf32>,
        %swap3A_537 = vector.shape_cast %swap3A_536 : vector<1x16xf32> to vector<16xf32>
        %swap3A_538 = vector.shape_cast %mul3A_533 : vector<16xf32> to vector<1x16xf32>
        tpu.vector_store %arg11[%swap3A_534, %swap3A_535], %swap3A_538 {strides = array<i32>} : memref<512x128xf32, #tpu.memory_space<vmem>>, vector<1x16xf32>,
        %get3A_539 = arith.index_cast %add3A_498 : i32 to index
        %get3A_540 = arith.constant 64 : index
        %get3A_541 = tpu.vector_load %arg11[%get3A_539, %get3A_540] {strides = array<i32>} : memref<512x128xf32, #tpu.memory_space<vmem>>, vector<1x16xf32>,
        %get3A_542 = vector.shape_cast %get3A_541 : vector<1x16xf32> to vector<16xf32>
        %mul3A_543 = arith.mulf %get3A_542, %broadcast_in_dim3A_493 : vector<16xf32>
        %swap3A_544 = arith.index_cast %add3A_498 : i32 to index
        %swap3A_545 = arith.constant 64 : index
        %swap3A_546 = tpu.vector_load %arg11[%swap3A_544, %swap3A_545] {strides = array<i32>} : memref<512x128xf32, #tpu.memory_space<vmem>>, vector<1x16xf32>,
        %swap3A_547 = vector.shape_cast %swap3A_546 : vector<1x16xf32> to vector<16xf32>
        %swap3A_548 = vector.shape_cast %mul3A_543 : vector<16xf32> to vector<1x16xf32>
        tpu.vector_store %arg11[%swap3A_544, %swap3A_545], %swap3A_548 {strides = array<i32>} : memref<512x128xf32, #tpu.memory_space<vmem>>, vector<1x16xf32>,
        %get3A_549 = arith.index_cast %add3A_498 : i32 to index
        %get3A_550 = arith.constant 80 : index
        %get3A_551 = tpu.vector_load %arg11[%get3A_549, %get3A_550] {strides = array<i32>} : memref<512x128xf32, #tpu.memory_space<vmem>>, vector<1x16xf32>,
        %get3A_552 = vector.shape_cast %get3A_551 : vector<1x16xf32> to vector<16xf32>
        %mul3A_553 = arith.mulf %get3A_552, %broadcast_in_dim3A_493 : vector<16xf32>
        %swap3A_554 = arith.index_cast %add3A_498 : i32 to index
        %swap3A_555 = arith.constant 80 : index
        %swap3A_556 = tpu.vector_load %arg11[%swap3A_554, %swap3A_555] {strides = array<i32>} : memref<512x128xf32, #tpu.memory_space<vmem>>, vector<1x16xf32>,
        %swap3A_557 = vector.shape_cast %swap3A_556 : vector<1x16xf32> to vector<16xf32>
        %swap3A_558 = vector.shape_cast %mul3A_553 : vector<16xf32> to vector<1x16xf32>
        tpu.vector_store %arg11[%swap3A_554, %swap3A_555], %swap3A_558 {strides = array<i32>} : memref<512x128xf32, #tpu.memory_space<vmem>>, vector<1x16xf32>,
        %get3A_559 = arith.index_cast %add3A_498 : i32 to index
        %get3A_560 = arith.constant 96 : index
        %get3A_561 = tpu.vector_load %arg11[%get3A_559, %get3A_560] {strides = array<i32>} : memref<512x128xf32, #tpu.memory_space<vmem>>, vector<1x16xf32>,
        %get3A_562 = vector.shape_cast %get3A_561 : vector<1x16xf32> to vector<16xf32>
        %mul3A_563 = arith.mulf %get3A_562, %broadcast_in_dim3A_493 : vector<16xf32>
        %swap3A_564 = arith.index_cast %add3A_498 : i32 to index
        %swap3A_565 = arith.constant 96 : index
        %swap3A_566 = tpu.vector_load %arg11[%swap3A_564, %swap3A_565] {strides = array<i32>} : memref<512x128xf32, #tpu.memory_space<vmem>>, vector<1x16xf32>,
        %swap3A_567 = vector.shape_cast %swap3A_566 : vector<1x16xf32> to vector<16xf32>
        %swap3A_568 = vector.shape_cast %mul3A_563 : vector<16xf32> to vector<1x16xf32>
        tpu.vector_store %arg11[%swap3A_564, %swap3A_565], %swap3A_568 {strides = array<i32>} : memref<512x128xf32, #tpu.memory_space<vmem>>, vector<1x16xf32>,
        %get3A_569 = arith.index_cast %add3A_498 : i32 to index
        %get3A_570 = arith.constant 112 : index
        %get3A_571 = tpu.vector_load %arg11[%get3A_569, %get3A_570] {strides = array<i32>} : memref<512x128xf32, #tpu.memory_space<vmem>>, vector<1x16xf32>,
        %get3A_572 = vector.shape_cast %get3A_571 : vector<1x16xf32> to vector<16xf32>
        %mul3A_573 = arith.mulf %get3A_572, %broadcast_in_dim3A_493 : vector<16xf32>
        %swap3A_574 = arith.index_cast %add3A_498 : i32 to index
        %swap3A_575 = arith.constant 112 : index
        %swap3A_576 = tpu.vector_load %arg11[%swap3A_574, %swap3A_575] {strides = array<i32>} : memref<512x128xf32, #tpu.memory_space<vmem>>, vector<1x16xf32>,
        %swap3A_577 = vector.shape_cast %swap3A_576 : vector<1x16xf32> to vector<16xf32>
        %swap3A_578 = vector.shape_cast %mul3A_573 : vector<16xf32> to vector<1x16xf32>
        tpu.vector_store %arg11[%swap3A_574, %swap3A_575], %swap3A_578 {strides = array<i32>} : memref<512x128xf32, #tpu.memory_space<vmem>>, vector<1x16xf32>,
        %slice3A_579 = vector.extract_strided_slice %sub3A_141 {offsets = [5], sizes = [1], strides = [1]} : vector<16xf32> to vector<1xf32>
        %squeeze3A_580 = vector.extract %slice3A_579[0] : f32 from vector<1xf32>
        %broadcast_in_dim3A_581 = vector.broadcast %squeeze3A_580 : f32 to vector<16xf32>
        %mul3A_582 = arith.constant 16 : i32
        %mul3A_583 = arith.muli %scan3A_131, %mul3A_582 : i32
        %add3A_584 = arith.addi %mul3A_90, %mul3A_583 : i32
        %add3A_585 = arith.constant 5 : i32
        %add3A_586 = arith.addi %add3A_584, %add3A_585 : i32
        %get3A_587 = arith.index_cast %add3A_586 : i32 to index
        %get3A_588 = arith.constant 0 : index
        %get3A_589 = tpu.vector_load %arg11[%get3A_587, %get3A_588] {strides = array<i32>} : memref<512x128xf32, #tpu.memory_space<vmem>>, vector<1x16xf32>,
        %get3A_590 = vector.shape_cast %get3A_589 : vector<1x16xf32> to vector<16xf32>
        %mul3A_591 = arith.mulf %get3A_590, %broadcast_in_dim3A_581 : vector<16xf32>
        %swap3A_592 = arith.index_cast %add3A_586 : i32 to index
        %swap3A_593 = arith.constant 0 : index
        %swap3A_594 = tpu.vector_load %arg11[%swap3A_592, %swap3A_593] {strides = array<i32>} : memref<512x128xf32, #tpu.memory_space<vmem>>, vector<1x16xf32>,
        %swap3A_595 = vector.shape_cast %swap3A_594 : vector<1x16xf32> to vector<16xf32>
        %swap3A_596 = vector.shape_cast %mul3A_591 : vector<16xf32> to vector<1x16xf32>
        tpu.vector_store %arg11[%swap3A_592, %swap3A_593], %swap3A_596 {strides = array<i32>} : memref<512x128xf32, #tpu.memory_space<vmem>>, vector<1x16xf32>,
        %get3A_597 = arith.index_cast %add3A_586 : i32 to index
        %get3A_598 = arith.constant 16 : index
        %get3A_599 = tpu.vector_load %arg11[%get3A_597, %get3A_598] {strides = array<i32>} : memref<512x128xf32, #tpu.memory_space<vmem>>, vector<1x16xf32>,
        %get3A_600 = vector.shape_cast %get3A_599 : vector<1x16xf32> to vector<16xf32>
        %mul3A_601 = arith.mulf %get3A_600, %broadcast_in_dim3A_581 : vector<16xf32>
        %swap3A_602 = arith.index_cast %add3A_586 : i32 to index
        %swap3A_603 = arith.constant 16 : index
        %swap3A_604 = tpu.vector_load %arg11[%swap3A_602, %swap3A_603] {strides = array<i32>} : memref<512x128xf32, #tpu.memory_space<vmem>>, vector<1x16xf32>,
        %swap3A_605 = vector.shape_cast %swap3A_604 : vector<1x16xf32> to vector<16xf32>
        %swap3A_606 = vector.shape_cast %mul3A_601 : vector<16xf32> to vector<1x16xf32>
        tpu.vector_store %arg11[%swap3A_602, %swap3A_603], %swap3A_606 {strides = array<i32>} : memref<512x128xf32, #tpu.memory_space<vmem>>, vector<1x16xf32>,
        %get3A_607 = arith.index_cast %add3A_586 : i32 to index
        %get3A_608 = arith.constant 32 : index
        %get3A_609 = tpu.vector_load %arg11[%get3A_607, %get3A_608] {strides = array<i32>} : memref<512x128xf32, #tpu.memory_space<vmem>>, vector<1x16xf32>,
        %get3A_610 = vector.shape_cast %get3A_609 : vector<1x16xf32> to vector<16xf32>
        %mul3A_611 = arith.mulf %get3A_610, %broadcast_in_dim3A_581 : vector<16xf32>
        %swap3A_612 = arith.index_cast %add3A_586 : i32 to index
        %swap3A_613 = arith.constant 32 : index
        %swap3A_614 = tpu.vector_load %arg11[%swap3A_612, %swap3A_613] {strides = array<i32>} : memref<512x128xf32, #tpu.memory_space<vmem>>, vector<1x16xf32>,
        %swap3A_615 = vector.shape_cast %swap3A_614 : vector<1x16xf32> to vector<16xf32>
        %swap3A_616 = vector.shape_cast %mul3A_611 : vector<16xf32> to vector<1x16xf32>
        tpu.vector_store %arg11[%swap3A_612, %swap3A_613], %swap3A_616 {strides = array<i32>} : memref<512x128xf32, #tpu.memory_space<vmem>>, vector<1x16xf32>,
        %get3A_617 = arith.index_cast %add3A_586 : i32 to index
        %get3A_618 = arith.constant 48 : index
        %get3A_619 = tpu.vector_load %arg11[%get3A_617, %get3A_618] {strides = array<i32>} : memref<512x128xf32, #tpu.memory_space<vmem>>, vector<1x16xf32>,
        %get3A_620 = vector.shape_cast %get3A_619 : vector<1x16xf32> to vector<16xf32>
        %mul3A_621 = arith.mulf %get3A_620, %broadcast_in_dim3A_581 : vector<16xf32>
        %swap3A_622 = arith.index_cast %add3A_586 : i32 to index
        %swap3A_623 = arith.constant 48 : index
        %swap3A_624 = tpu.vector_load %arg11[%swap3A_622, %swap3A_623] {strides = array<i32>} : memref<512x128xf32, #tpu.memory_space<vmem>>, vector<1x16xf32>,
        %swap3A_625 = vector.shape_cast %swap3A_624 : vector<1x16xf32> to vector<16xf32>
        %swap3A_626 = vector.shape_cast %mul3A_621 : vector<16xf32> to vector<1x16xf32>
        tpu.vector_store %arg11[%swap3A_622, %swap3A_623], %swap3A_626 {strides = array<i32>} : memref<512x128xf32, #tpu.memory_space<vmem>>, vector<1x16xf32>,
        %get3A_627 = arith.index_cast %add3A_586 : i32 to index
        %get3A_628 = arith.constant 64 : index
        %get3A_629 = tpu.vector_load %arg11[%get3A_627, %get3A_628] {strides = array<i32>} : memref<512x128xf32, #tpu.memory_space<vmem>>, vector<1x16xf32>,
        %get3A_630 = vector.shape_cast %get3A_629 : vector<1x16xf32> to vector<16xf32>
        %mul3A_631 = arith.mulf %get3A_630, %broadcast_in_dim3A_581 : vector<16xf32>
        %swap3A_632 = arith.index_cast %add3A_586 : i32 to index
        %swap3A_633 = arith.constant 64 : index
        %swap3A_634 = tpu.vector_load %arg11[%swap3A_632, %swap3A_633] {strides = array<i32>} : memref<512x128xf32, #tpu.memory_space<vmem>>, vector<1x16xf32>,
        %swap3A_635 = vector.shape_cast %swap3A_634 : vector<1x16xf32> to vector<16xf32>
        %swap3A_636 = vector.shape_cast %mul3A_631 : vector<16xf32> to vector<1x16xf32>
        tpu.vector_store %arg11[%swap3A_632, %swap3A_633], %swap3A_636 {strides = array<i32>} : memref<512x128xf32, #tpu.memory_space<vmem>>, vector<1x16xf32>,
        %get3A_637 = arith.index_cast %add3A_586 : i32 to index
        %get3A_638 = arith.constant 80 : index
        %get3A_639 = tpu.vector_load %arg11[%get3A_637, %get3A_638] {strides = array<i32>} : memref<512x128xf32, #tpu.memory_space<vmem>>, vector<1x16xf32>,
        %get3A_640 = vector.shape_cast %get3A_639 : vector<1x16xf32> to vector<16xf32>
        %mul3A_641 = arith.mulf %get3A_640, %broadcast_in_dim3A_581 : vector<16xf32>
        %swap3A_642 = arith.index_cast %add3A_586 : i32 to index
        %swap3A_643 = arith.constant 80 : index
        %swap3A_644 = tpu.vector_load %arg11[%swap3A_642, %swap3A_643] {strides = array<i32>} : memref<512x128xf32, #tpu.memory_space<vmem>>, vector<1x16xf32>,
        %swap3A_645 = vector.shape_cast %swap3A_644 : vector<1x16xf32> to vector<16xf32>
        %swap3A_646 = vector.shape_cast %mul3A_641 : vector<16xf32> to vector<1x16xf32>
        tpu.vector_store %arg11[%swap3A_642, %swap3A_643], %swap3A_646 {strides = array<i32>} : memref<512x128xf32, #tpu.memory_space<vmem>>, vector<1x16xf32>,
        %get3A_647 = arith.index_cast %add3A_586 : i32 to index
        %get3A_648 = arith.constant 96 : index
        %get3A_649 = tpu.vector_load %arg11[%get3A_647, %get3A_648] {strides = array<i32>} : memref<512x128xf32, #tpu.memory_space<vmem>>, vector<1x16xf32>,
        %get3A_650 = vector.shape_cast %get3A_649 : vector<1x16xf32> to vector<16xf32>
        %mul3A_651 = arith.mulf %get3A_650, %broadcast_in_dim3A_581 : vector<16xf32>
        %swap3A_652 = arith.index_cast %add3A_586 : i32 to index
        %swap3A_653 = arith.constant 96 : index
        %swap3A_654 = tpu.vector_load %arg11[%swap3A_652, %swap3A_653] {strides = array<i32>} : memref<512x128xf32, #tpu.memory_space<vmem>>, vector<1x16xf32>,
        %swap3A_655 = vector.shape_cast %swap3A_654 : vector<1x16xf32> to vector<16xf32>
        %swap3A_656 = vector.shape_cast %mul3A_651 : vector<16xf32> to vector<1x16xf32>
        tpu.vector_store %arg11[%swap3A_652, %swap3A_653], %swap3A_656 {strides = array<i32>} : memref<512x128xf32, #tpu.memory_space<vmem>>, vector<1x16xf32>,
        %get3A_657 = arith.index_cast %add3A_586 : i32 to index
        %get3A_658 = arith.constant 112 : index
        %get3A_659 = tpu.vector_load %arg11[%get3A_657, %get3A_658] {strides = array<i32>} : memref<512x128xf32, #tpu.memory_space<vmem>>, vector<1x16xf32>,
        %get3A_660 = vector.shape_cast %get3A_659 : vector<1x16xf32> to vector<16xf32>
        %mul3A_661 = arith.mulf %get3A_660, %broadcast_in_dim3A_581 : vector<16xf32>
        %swap3A_662 = arith.index_cast %add3A_586 : i32 to index
        %swap3A_663 = arith.constant 112 : index
        %swap3A_664 = tpu.vector_load %arg11[%swap3A_662, %swap3A_663] {strides = array<i32>} : memref<512x128xf32, #tpu.memory_space<vmem>>, vector<1x16xf32>,
        %swap3A_665 = vector.shape_cast %swap3A_664 : vector<1x16xf32> to vector<16xf32>
        %swap3A_666 = vector.shape_cast %mul3A_661 : vector<16xf32> to vector<1x16xf32>
        tpu.vector_store %arg11[%swap3A_662, %swap3A_663], %swap3A_666 {strides = array<i32>} : memref<512x128xf32, #tpu.memory_space<vmem>>, vector<1x16xf32>,
        %slice3A_667 = vector.extract_strided_slice %sub3A_141 {offsets = [6], sizes = [1], strides = [1]} : vector<16xf32> to vector<1xf32>
        %squeeze3A_668 = vector.extract %slice3A_667[0] : f32 from vector<1xf32>
        %broadcast_in_dim3A_669 = vector.broadcast %squeeze3A_668 : f32 to vector<16xf32>
        %mul3A_670 = arith.constant 16 : i32
        %mul3A_671 = arith.muli %scan3A_131, %mul3A_670 : i32
        %add3A_672 = arith.addi %mul3A_90, %mul3A_671 : i32
        %add3A_673 = arith.constant 6 : i32
        %add3A_674 = arith.addi %add3A_672, %add3A_673 : i32
        %get3A_675 = arith.index_cast %add3A_674 : i32 to index
        %get3A_676 = arith.constant 0 : index
        %get3A_677 = tpu.vector_load %arg11[%get3A_675, %get3A_676] {strides = array<i32>} : memref<512x128xf32, #tpu.memory_space<vmem>>, vector<1x16xf32>,
        %get3A_678 = vector.shape_cast %get3A_677 : vector<1x16xf32> to vector<16xf32>
        %mul3A_679 = arith.mulf %get3A_678, %broadcast_in_dim3A_669 : vector<16xf32>
        %swap3A_680 = arith.index_cast %add3A_674 : i32 to index
        %swap3A_681 = arith.constant 0 : index
        %swap3A_682 = tpu.vector_load %arg11[%swap3A_680, %swap3A_681] {strides = array<i32>} : memref<512x128xf32, #tpu.memory_space<vmem>>, vector<1x16xf32>,
        %swap3A_683 = vector.shape_cast %swap3A_682 : vector<1x16xf32> to vector<16xf32>
        %swap3A_684 = vector.shape_cast %mul3A_679 : vector<16xf32> to vector<1x16xf32>
        tpu.vector_store %arg11[%swap3A_680, %swap3A_681], %swap3A_684 {strides = array<i32>} : memref<512x128xf32, #tpu.memory_space<vmem>>, vector<1x16xf32>,
        %get3A_685 = arith.index_cast %add3A_674 : i32 to index
        %get3A_686 = arith.constant 16 : index
        %get3A_687 = tpu.vector_load %arg11[%get3A_685, %get3A_686] {strides = array<i32>} : memref<512x128xf32, #tpu.memory_space<vmem>>, vector<1x16xf32>,
        %get3A_688 = vector.shape_cast %get3A_687 : vector<1x16xf32> to vector<16xf32>
        %mul3A_689 = arith.mulf %get3A_688, %broadcast_in_dim3A_669 : vector<16xf32>
        %swap3A_690 = arith.index_cast %add3A_674 : i32 to index
        %swap3A_691 = arith.constant 16 : index
        %swap3A_692 = tpu.vector_load %arg11[%swap3A_690, %swap3A_691] {strides = array<i32>} : memref<512x128xf32, #tpu.memory_space<vmem>>, vector<1x16xf32>,
        %swap3A_693 = vector.shape_cast %swap3A_692 : vector<1x16xf32> to vector<16xf32>
        %swap3A_694 = vector.shape_cast %mul3A_689 : vector<16xf32> to vector<1x16xf32>
        tpu.vector_store %arg11[%swap3A_690, %swap3A_691], %swap3A_694 {strides = array<i32>} : memref<512x128xf32, #tpu.memory_space<vmem>>, vector<1x16xf32>,
        %get3A_695 = arith.index_cast %add3A_674 : i32 to index
        %get3A_696 = arith.constant 32 : index
        %get3A_697 = tpu.vector_load %arg11[%get3A_695, %get3A_696] {strides = array<i32>} : memref<512x128xf32, #tpu.memory_space<vmem>>, vector<1x16xf32>,
        %get3A_698 = vector.shape_cast %get3A_697 : vector<1x16xf32> to vector<16xf32>
        %mul3A_699 = arith.mulf %get3A_698, %broadcast_in_dim3A_669 : vector<16xf32>
        %swap3A_700 = arith.index_cast %add3A_674 : i32 to index
        %swap3A_701 = arith.constant 32 : index
        %swap3A_702 = tpu.vector_load %arg11[%swap3A_700, %swap3A_701] {strides = array<i32>} : memref<512x128xf32, #tpu.memory_space<vmem>>, vector<1x16xf32>,
        %swap3A_703 = vector.shape_cast %swap3A_702 : vector<1x16xf32> to vector<16xf32>
        %swap3A_704 = vector.shape_cast %mul3A_699 : vector<16xf32> to vector<1x16xf32>
        tpu.vector_store %arg11[%swap3A_700, %swap3A_701], %swap3A_704 {strides = array<i32>} : memref<512x128xf32, #tpu.memory_space<vmem>>, vector<1x16xf32>,
        %get3A_705 = arith.index_cast %add3A_674 : i32 to index
        %get3A_706 = arith.constant 48 : index
        %get3A_707 = tpu.vector_load %arg11[%get3A_705, %get3A_706] {strides = array<i32>} : memref<512x128xf32, #tpu.memory_space<vmem>>, vector<1x16xf32>,
        %get3A_708 = vector.shape_cast %get3A_707 : vector<1x16xf32> to vector<16xf32>
        %mul3A_709 = arith.mulf %get3A_708, %broadcast_in_dim3A_669 : vector<16xf32>
        %swap3A_710 = arith.index_cast %add3A_674 : i32 to index
        %swap3A_711 = arith.constant 48 : index
        %swap3A_712 = tpu.vector_load %arg11[%swap3A_710, %swap3A_711] {strides = array<i32>} : memref<512x128xf32, #tpu.memory_space<vmem>>, vector<1x16xf32>,
        %swap3A_713 = vector.shape_cast %swap3A_712 : vector<1x16xf32> to vector<16xf32>
        %swap3A_714 = vector.shape_cast %mul3A_709 : vector<16xf32> to vector<1x16xf32>
        tpu.vector_store %arg11[%swap3A_710, %swap3A_711], %swap3A_714 {strides = array<i32>} : memref<512x128xf32, #tpu.memory_space<vmem>>, vector<1x16xf32>,
        %get3A_715 = arith.index_cast %add3A_674 : i32 to index
        %get3A_716 = arith.constant 64 : index
        %get3A_717 = tpu.vector_load %arg11[%get3A_715, %get3A_716] {strides = array<i32>} : memref<512x128xf32, #tpu.memory_space<vmem>>, vector<1x16xf32>,
        %get3A_718 = vector.shape_cast %get3A_717 : vector<1x16xf32> to vector<16xf32>
        %mul3A_719 = arith.mulf %get3A_718, %broadcast_in_dim3A_669 : vector<16xf32>
        %swap3A_720 = arith.index_cast %add3A_674 : i32 to index
        %swap3A_721 = arith.constant 64 : index
        %swap3A_722 = tpu.vector_load %arg11[%swap3A_720, %swap3A_721] {strides = array<i32>} : memref<512x128xf32, #tpu.memory_space<vmem>>, vector<1x16xf32>,
        %swap3A_723 = vector.shape_cast %swap3A_722 : vector<1x16xf32> to vector<16xf32>
        %swap3A_724 = vector.shape_cast %mul3A_719 : vector<16xf32> to vector<1x16xf32>
        tpu.vector_store %arg11[%swap3A_720, %swap3A_721], %swap3A_724 {strides = array<i32>} : memref<512x128xf32, #tpu.memory_space<vmem>>, vector<1x16xf32>,
        %get3A_725 = arith.index_cast %add3A_674 : i32 to index
        %get3A_726 = arith.constant 80 : index
        %get3A_727 = tpu.vector_load %arg11[%get3A_725, %get3A_726] {strides = array<i32>} : memref<512x128xf32, #tpu.memory_space<vmem>>, vector<1x16xf32>,
        %get3A_728 = vector.shape_cast %get3A_727 : vector<1x16xf32> to vector<16xf32>
        %mul3A_729 = arith.mulf %get3A_728, %broadcast_in_dim3A_669 : vector<16xf32>
        %swap3A_730 = arith.index_cast %add3A_674 : i32 to index
        %swap3A_731 = arith.constant 80 : index
        %swap3A_732 = tpu.vector_load %arg11[%swap3A_730, %swap3A_731] {strides = array<i32>} : memref<512x128xf32, #tpu.memory_space<vmem>>, vector<1x16xf32>,
        %swap3A_733 = vector.shape_cast %swap3A_732 : vector<1x16xf32> to vector<16xf32>
        %swap3A_734 = vector.shape_cast %mul3A_729 : vector<16xf32> to vector<1x16xf32>
        tpu.vector_store %arg11[%swap3A_730, %swap3A_731], %swap3A_734 {strides = array<i32>} : memref<512x128xf32, #tpu.memory_space<vmem>>, vector<1x16xf32>,
        %get3A_735 = arith.index_cast %add3A_674 : i32 to index
        %get3A_736 = arith.constant 96 : index
        %get3A_737 = tpu.vector_load %arg11[%get3A_735, %get3A_736] {strides = array<i32>} : memref<512x128xf32, #tpu.memory_space<vmem>>, vector<1x16xf32>,
        %get3A_738 = vector.shape_cast %get3A_737 : vector<1x16xf32> to vector<16xf32>
        %mul3A_739 = arith.mulf %get3A_738, %broadcast_in_dim3A_669 : vector<16xf32>
        %swap3A_740 = arith.index_cast %add3A_674 : i32 to index
        %swap3A_741 = arith.constant 96 : index
        %swap3A_742 = tpu.vector_load %arg11[%swap3A_740, %swap3A_741] {strides = array<i32>} : memref<512x128xf32, #tpu.memory_space<vmem>>, vector<1x16xf32>,
        %swap3A_743 = vector.shape_cast %swap3A_742 : vector<1x16xf32> to vector<16xf32>
        %swap3A_744 = vector.shape_cast %mul3A_739 : vector<16xf32> to vector<1x16xf32>
        tpu.vector_store %arg11[%swap3A_740, %swap3A_741], %swap3A_744 {strides = array<i32>} : memref<512x128xf32, #tpu.memory_space<vmem>>, vector<1x16xf32>,
        %get3A_745 = arith.index_cast %add3A_674 : i32 to index
        %get3A_746 = arith.constant 112 : index
        %get3A_747 = tpu.vector_load %arg11[%get3A_745, %get3A_746] {strides = array<i32>} : memref<512x128xf32, #tpu.memory_space<vmem>>, vector<1x16xf32>,
        %get3A_748 = vector.shape_cast %get3A_747 : vector<1x16xf32> to vector<16xf32>
        %mul3A_749 = arith.mulf %get3A_748, %broadcast_in_dim3A_669 : vector<16xf32>
        %swap3A_750 = arith.index_cast %add3A_674 : i32 to index
        %swap3A_751 = arith.constant 112 : index
        %swap3A_752 = tpu.vector_load %arg11[%swap3A_750, %swap3A_751] {strides = array<i32>} : memref<512x128xf32, #tpu.memory_space<vmem>>, vector<1x16xf32>,
        %swap3A_753 = vector.shape_cast %swap3A_752 : vector<1x16xf32> to vector<16xf32>
        %swap3A_754 = vector.shape_cast %mul3A_749 : vector<16xf32> to vector<1x16xf32>
        tpu.vector_store %arg11[%swap3A_750, %swap3A_751], %swap3A_754 {strides = array<i32>} : memref<512x128xf32, #tpu.memory_space<vmem>>, vector<1x16xf32>,
        %slice3A_755 = vector.extract_strided_slice %sub3A_141 {offsets = [7], sizes = [1], strides = [1]} : vector<16xf32> to vector<1xf32>
        %squeeze3A_756 = vector.extract %slice3A_755[0] : f32 from vector<1xf32>
        %broadcast_in_dim3A_757 = vector.broadcast %squeeze3A_756 : f32 to vector<16xf32>
        %mul3A_758 = arith.constant 16 : i32
        %mul3A_759 = arith.muli %scan3A_131, %mul3A_758 : i32
        %add3A_760 = arith.addi %mul3A_90, %mul3A_759 : i32
        %add3A_761 = arith.constant 7 : i32
        %add3A_762 = arith.addi %add3A_760, %add3A_761 : i32
        %get3A_763 = arith.index_cast %add3A_762 : i32 to index
        %get3A_764 = arith.constant 0 : index
        %get3A_765 = tpu.vector_load %arg11[%get3A_763, %get3A_764] {strides = array<i32>} : memref<512x128xf32, #tpu.memory_space<vmem>>, vector<1x16xf32>,
        %get3A_766 = vector.shape_cast %get3A_765 : vector<1x16xf32> to vector<16xf32>
        %mul3A_767 = arith.mulf %get3A_766, %broadcast_in_dim3A_757 : vector<16xf32>
        %swap3A_768 = arith.index_cast %add3A_762 : i32 to index
        %swap3A_769 = arith.constant 0 : index
        %swap3A_770 = tpu.vector_load %arg11[%swap3A_768, %swap3A_769] {strides = array<i32>} : memref<512x128xf32, #tpu.memory_space<vmem>>, vector<1x16xf32>,
        %swap3A_771 = vector.shape_cast %swap3A_770 : vector<1x16xf32> to vector<16xf32>
        %swap3A_772 = vector.shape_cast %mul3A_767 : vector<16xf32> to vector<1x16xf32>
        tpu.vector_store %arg11[%swap3A_768, %swap3A_769], %swap3A_772 {strides = array<i32>} : memref<512x128xf32, #tpu.memory_space<vmem>>, vector<1x16xf32>,
        %get3A_773 = arith.index_cast %add3A_762 : i32 to index
        %get3A_774 = arith.constant 16 : index
        %get3A_775 = tpu.vector_load %arg11[%get3A_773, %get3A_774] {strides = array<i32>} : memref<512x128xf32, #tpu.memory_space<vmem>>, vector<1x16xf32>,
        %get3A_776 = vector.shape_cast %get3A_775 : vector<1x16xf32> to vector<16xf32>
        %mul3A_777 = arith.mulf %get3A_776, %broadcast_in_dim3A_757 : vector<16xf32>
        %swap3A_778 = arith.index_cast %add3A_762 : i32 to index
        %swap3A_779 = arith.constant 16 : index
        %swap3A_780 = tpu.vector_load %arg11[%swap3A_778, %swap3A_779] {strides = array<i32>} : memref<512x128xf32, #tpu.memory_space<vmem>>, vector<1x16xf32>,
        %swap3A_781 = vector.shape_cast %swap3A_780 : vector<1x16xf32> to vector<16xf32>
        %swap3A_782 = vector.shape_cast %mul3A_777 : vector<16xf32> to vector<1x16xf32>
        tpu.vector_store %arg11[%swap3A_778, %swap3A_779], %swap3A_782 {strides = array<i32>} : memref<512x128xf32, #tpu.memory_space<vmem>>, vector<1x16xf32>,
        %get3A_783 = arith.index_cast %add3A_762 : i32 to index
        %get3A_784 = arith.constant 32 : index
        %get3A_785 = tpu.vector_load %arg11[%get3A_783, %get3A_784] {strides = array<i32>} : memref<512x128xf32, #tpu.memory_space<vmem>>, vector<1x16xf32>,
        %get3A_786 = vector.shape_cast %get3A_785 : vector<1x16xf32> to vector<16xf32>
        %mul3A_787 = arith.mulf %get3A_786, %broadcast_in_dim3A_757 : vector<16xf32>
        %swap3A_788 = arith.index_cast %add3A_762 : i32 to index
        %swap3A_789 = arith.constant 32 : index
        %swap3A_790 = tpu.vector_load %arg11[%swap3A_788, %swap3A_789] {strides = array<i32>} : memref<512x128xf32, #tpu.memory_space<vmem>>, vector<1x16xf32>,
        %swap3A_791 = vector.shape_cast %swap3A_790 : vector<1x16xf32> to vector<16xf32>
        %swap3A_792 = vector.shape_cast %mul3A_787 : vector<16xf32> to vector<1x16xf32>
        tpu.vector_store %arg11[%swap3A_788, %swap3A_789], %swap3A_792 {strides = array<i32>} : memref<512x128xf32, #tpu.memory_space<vmem>>, vector<1x16xf32>,
        %get3A_793 = arith.index_cast %add3A_762 : i32 to index
        %get3A_794 = arith.constant 48 : index
        %get3A_795 = tpu.vector_load %arg11[%get3A_793, %get3A_794] {strides = array<i32>} : memref<512x128xf32, #tpu.memory_space<vmem>>, vector<1x16xf32>,
        %get3A_796 = vector.shape_cast %get3A_795 : vector<1x16xf32> to vector<16xf32>
        %mul3A_797 = arith.mulf %get3A_796, %broadcast_in_dim3A_757 : vector<16xf32>
        %swap3A_798 = arith.index_cast %add3A_762 : i32 to index
        %swap3A_799 = arith.constant 48 : index
        %swap3A_800 = tpu.vector_load %arg11[%swap3A_798, %swap3A_799] {strides = array<i32>} : memref<512x128xf32, #tpu.memory_space<vmem>>, vector<1x16xf32>,
        %swap3A_801 = vector.shape_cast %swap3A_800 : vector<1x16xf32> to vector<16xf32>
        %swap3A_802 = vector.shape_cast %mul3A_797 : vector<16xf32> to vector<1x16xf32>
        tpu.vector_store %arg11[%swap3A_798, %swap3A_799], %swap3A_802 {strides = array<i32>} : memref<512x128xf32, #tpu.memory_space<vmem>>, vector<1x16xf32>,
        %get3A_803 = arith.index_cast %add3A_762 : i32 to index
        %get3A_804 = arith.constant 64 : index
        %get3A_805 = tpu.vector_load %arg11[%get3A_803, %get3A_804] {strides = array<i32>} : memref<512x128xf32, #tpu.memory_space<vmem>>, vector<1x16xf32>,
        %get3A_806 = vector.shape_cast %get3A_805 : vector<1x16xf32> to vector<16xf32>
        %mul3A_807 = arith.mulf %get3A_806, %broadcast_in_dim3A_757 : vector<16xf32>
        %swap3A_808 = arith.index_cast %add3A_762 : i32 to index
        %swap3A_809 = arith.constant 64 : index
        %swap3A_810 = tpu.vector_load %arg11[%swap3A_808, %swap3A_809] {strides = array<i32>} : memref<512x128xf32, #tpu.memory_space<vmem>>, vector<1x16xf32>,
        %swap3A_811 = vector.shape_cast %swap3A_810 : vector<1x16xf32> to vector<16xf32>
        %swap3A_812 = vector.shape_cast %mul3A_807 : vector<16xf32> to vector<1x16xf32>
        tpu.vector_store %arg11[%swap3A_808, %swap3A_809], %swap3A_812 {strides = array<i32>} : memref<512x128xf32, #tpu.memory_space<vmem>>, vector<1x16xf32>,
        %get3A_813 = arith.index_cast %add3A_762 : i32 to index
        %get3A_814 = arith.constant 80 : index
        %get3A_815 = tpu.vector_load %arg11[%get3A_813, %get3A_814] {strides = array<i32>} : memref<512x128xf32, #tpu.memory_space<vmem>>, vector<1x16xf32>,
        %get3A_816 = vector.shape_cast %get3A_815 : vector<1x16xf32> to vector<16xf32>
        %mul3A_817 = arith.mulf %get3A_816, %broadcast_in_dim3A_757 : vector<16xf32>
        %swap3A_818 = arith.index_cast %add3A_762 : i32 to index
        %swap3A_819 = arith.constant 80 : index
        %swap3A_820 = tpu.vector_load %arg11[%swap3A_818, %swap3A_819] {strides = array<i32>} : memref<512x128xf32, #tpu.memory_space<vmem>>, vector<1x16xf32>,
        %swap3A_821 = vector.shape_cast %swap3A_820 : vector<1x16xf32> to vector<16xf32>
        %swap3A_822 = vector.shape_cast %mul3A_817 : vector<16xf32> to vector<1x16xf32>
        tpu.vector_store %arg11[%swap3A_818, %swap3A_819], %swap3A_822 {strides = array<i32>} : memref<512x128xf32, #tpu.memory_space<vmem>>, vector<1x16xf32>,
        %get3A_823 = arith.index_cast %add3A_762 : i32 to index
        %get3A_824 = arith.constant 96 : index
        %get3A_825 = tpu.vector_load %arg11[%get3A_823, %get3A_824] {strides = array<i32>} : memref<512x128xf32, #tpu.memory_space<vmem>>, vector<1x16xf32>,
        %get3A_826 = vector.shape_cast %get3A_825 : vector<1x16xf32> to vector<16xf32>
        %mul3A_827 = arith.mulf %get3A_826, %broadcast_in_dim3A_757 : vector<16xf32>
        %swap3A_828 = arith.index_cast %add3A_762 : i32 to index
        %swap3A_829 = arith.constant 96 : index
        %swap3A_830 = tpu.vector_load %arg11[%swap3A_828, %swap3A_829] {strides = array<i32>} : memref<512x128xf32, #tpu.memory_space<vmem>>, vector<1x16xf32>,
        %swap3A_831 = vector.shape_cast %swap3A_830 : vector<1x16xf32> to vector<16xf32>
        %swap3A_832 = vector.shape_cast %mul3A_827 : vector<16xf32> to vector<1x16xf32>
        tpu.vector_store %arg11[%swap3A_828, %swap3A_829], %swap3A_832 {strides = array<i32>} : memref<512x128xf32, #tpu.memory_space<vmem>>, vector<1x16xf32>,
        %get3A_833 = arith.index_cast %add3A_762 : i32 to index
        %get3A_834 = arith.constant 112 : index
        %get3A_835 = tpu.vector_load %arg11[%get3A_833, %get3A_834] {strides = array<i32>} : memref<512x128xf32, #tpu.memory_space<vmem>>, vector<1x16xf32>,
        %get3A_836 = vector.shape_cast %get3A_835 : vector<1x16xf32> to vector<16xf32>
        %mul3A_837 = arith.mulf %get3A_836, %broadcast_in_dim3A_757 : vector<16xf32>
        %swap3A_838 = arith.index_cast %add3A_762 : i32 to index
        %swap3A_839 = arith.constant 112 : index
        %swap3A_840 = tpu.vector_load %arg11[%swap3A_838, %swap3A_839] {strides = array<i32>} : memref<512x128xf32, #tpu.memory_space<vmem>>, vector<1x16xf32>,
        %swap3A_841 = vector.shape_cast %swap3A_840 : vector<1x16xf32> to vector<16xf32>
        %swap3A_842 = vector.shape_cast %mul3A_837 : vector<16xf32> to vector<1x16xf32>
        tpu.vector_store %arg11[%swap3A_838, %swap3A_839], %swap3A_842 {strides = array<i32>} : memref<512x128xf32, #tpu.memory_space<vmem>>, vector<1x16xf32>,
        %slice3A_843 = vector.extract_strided_slice %sub3A_141 {offsets = [8], sizes = [1], strides = [1]} : vector<16xf32> to vector<1xf32>
        %squeeze3A_844 = vector.extract %slice3A_843[0] : f32 from vector<1xf32>
        %broadcast_in_dim3A_845 = vector.broadcast %squeeze3A_844 : f32 to vector<16xf32>
        %mul3A_846 = arith.constant 16 : i32
        %mul3A_847 = arith.muli %scan3A_131, %mul3A_846 : i32
        %add3A_848 = arith.addi %mul3A_90, %mul3A_847 : i32
        %add3A_849 = arith.constant 8 : i32
        %add3A_850 = arith.addi %add3A_848, %add3A_849 : i32
        %get3A_851 = arith.index_cast %add3A_850 : i32 to index
        %get3A_852 = arith.constant 0 : index
        %get3A_853 = tpu.vector_load %arg11[%get3A_851, %get3A_852] {strides = array<i32>} : memref<512x128xf32, #tpu.memory_space<vmem>>, vector<1x16xf32>,
        %get3A_854 = vector.shape_cast %get3A_853 : vector<1x16xf32> to vector<16xf32>
        %mul3A_855 = arith.mulf %get3A_854, %broadcast_in_dim3A_845 : vector<16xf32>
        %swap3A_856 = arith.index_cast %add3A_850 : i32 to index
        %swap3A_857 = arith.constant 0 : index
        %swap3A_858 = tpu.vector_load %arg11[%swap3A_856, %swap3A_857] {strides = array<i32>} : memref<512x128xf32, #tpu.memory_space<vmem>>, vector<1x16xf32>,
        %swap3A_859 = vector.shape_cast %swap3A_858 : vector<1x16xf32> to vector<16xf32>
        %swap3A_860 = vector.shape_cast %mul3A_855 : vector<16xf32> to vector<1x16xf32>
        tpu.vector_store %arg11[%swap3A_856, %swap3A_857], %swap3A_860 {strides = array<i32>} : memref<512x128xf32, #tpu.memory_space<vmem>>, vector<1x16xf32>,
        %get3A_861 = arith.index_cast %add3A_850 : i32 to index
        %get3A_862 = arith.constant 16 : index
        %get3A_863 = tpu.vector_load %arg11[%get3A_861, %get3A_862] {strides = array<i32>} : memref<512x128xf32, #tpu.memory_space<vmem>>, vector<1x16xf32>,
        %get3A_864 = vector.shape_cast %get3A_863 : vector<1x16xf32> to vector<16xf32>
        %mul3A_865 = arith.mulf %get3A_864, %broadcast_in_dim3A_845 : vector<16xf32>
        %swap3A_866 = arith.index_cast %add3A_850 : i32 to index
        %swap3A_867 = arith.constant 16 : index
        %swap3A_868 = tpu.vector_load %arg11[%swap3A_866, %swap3A_867] {strides = array<i32>} : memref<512x128xf32, #tpu.memory_space<vmem>>, vector<1x16xf32>,
        %swap3A_869 = vector.shape_cast %swap3A_868 : vector<1x16xf32> to vector<16xf32>
        %swap3A_870 = vector.shape_cast %mul3A_865 : vector<16xf32> to vector<1x16xf32>
        tpu.vector_store %arg11[%swap3A_866, %swap3A_867], %swap3A_870 {strides = array<i32>} : memref<512x128xf32, #tpu.memory_space<vmem>>, vector<1x16xf32>,
        %get3A_871 = arith.index_cast %add3A_850 : i32 to index
        %get3A_872 = arith.constant 32 : index
        %get3A_873 = tpu.vector_load %arg11[%get3A_871, %get3A_872] {strides = array<i32>} : memref<512x128xf32, #tpu.memory_space<vmem>>, vector<1x16xf32>,
        %get3A_874 = vector.shape_cast %get3A_873 : vector<1x16xf32> to vector<16xf32>
        %mul3A_875 = arith.mulf %get3A_874, %broadcast_in_dim3A_845 : vector<16xf32>
        %swap3A_876 = arith.index_cast %add3A_850 : i32 to index
        %swap3A_877 = arith.constant 32 : index
        %swap3A_878 = tpu.vector_load %arg11[%swap3A_876, %swap3A_877] {strides = array<i32>} : memref<512x128xf32, #tpu.memory_space<vmem>>, vector<1x16xf32>,
        %swap3A_879 = vector.shape_cast %swap3A_878 : vector<1x16xf32> to vector<16xf32>
        %swap3A_880 = vector.shape_cast %mul3A_875 : vector<16xf32> to vector<1x16xf32>
        tpu.vector_store %arg11[%swap3A_876, %swap3A_877], %swap3A_880 {strides = array<i32>} : memref<512x128xf32, #tpu.memory_space<vmem>>, vector<1x16xf32>,
        %get3A_881 = arith.index_cast %add3A_850 : i32 to index
        %get3A_882 = arith.constant 48 : index
        %get3A_883 = tpu.vector_load %arg11[%get3A_881, %get3A_882] {strides = array<i32>} : memref<512x128xf32, #tpu.memory_space<vmem>>, vector<1x16xf32>,
        %get3A_884 = vector.shape_cast %get3A_883 : vector<1x16xf32> to vector<16xf32>
        %mul3A_885 = arith.mulf %get3A_884, %broadcast_in_dim3A_845 : vector<16xf32>
        %swap3A_886 = arith.index_cast %add3A_850 : i32 to index
        %swap3A_887 = arith.constant 48 : index
        %swap3A_888 = tpu.vector_load %arg11[%swap3A_886, %swap3A_887] {strides = array<i32>} : memref<512x128xf32, #tpu.memory_space<vmem>>, vector<1x16xf32>,
        %swap3A_889 = vector.shape_cast %swap3A_888 : vector<1x16xf32> to vector<16xf32>
        %swap3A_890 = vector.shape_cast %mul3A_885 : vector<16xf32> to vector<1x16xf32>
        tpu.vector_store %arg11[%swap3A_886, %swap3A_887], %swap3A_890 {strides = array<i32>} : memref<512x128xf32, #tpu.memory_space<vmem>>, vector<1x16xf32>,
        %get3A_891 = arith.index_cast %add3A_850 : i32 to index
        %get3A_892 = arith.constant 64 : index
        %get3A_893 = tpu.vector_load %arg11[%get3A_891, %get3A_892] {strides = array<i32>} : memref<512x128xf32, #tpu.memory_space<vmem>>, vector<1x16xf32>,
        %get3A_894 = vector.shape_cast %get3A_893 : vector<1x16xf32> to vector<16xf32>
        %mul3A_895 = arith.mulf %get3A_894, %broadcast_in_dim3A_845 : vector<16xf32>
        %swap3A_896 = arith.index_cast %add3A_850 : i32 to index
        %swap3A_897 = arith.constant 64 : index
        %swap3A_898 = tpu.vector_load %arg11[%swap3A_896, %swap3A_897] {strides = array<i32>} : memref<512x128xf32, #tpu.memory_space<vmem>>, vector<1x16xf32>,
        %swap3A_899 = vector.shape_cast %swap3A_898 : vector<1x16xf32> to vector<16xf32>
        %swap3A_900 = vector.shape_cast %mul3A_895 : vector<16xf32> to vector<1x16xf32>
        tpu.vector_store %arg11[%swap3A_896, %swap3A_897], %swap3A_900 {strides = array<i32>} : memref<512x128xf32, #tpu.memory_space<vmem>>, vector<1x16xf32>,
        %get3A_901 = arith.index_cast %add3A_850 : i32 to index
        %get3A_902 = arith.constant 80 : index
        %get3A_903 = tpu.vector_load %arg11[%get3A_901, %get3A_902] {strides = array<i32>} : memref<512x128xf32, #tpu.memory_space<vmem>>, vector<1x16xf32>,
        %get3A_904 = vector.shape_cast %get3A_903 : vector<1x16xf32> to vector<16xf32>
        %mul3A_905 = arith.mulf %get3A_904, %broadcast_in_dim3A_845 : vector<16xf32>
        %swap3A_906 = arith.index_cast %add3A_850 : i32 to index
        %swap3A_907 = arith.constant 80 : index
        %swap3A_908 = tpu.vector_load %arg11[%swap3A_906, %swap3A_907] {strides = array<i32>} : memref<512x128xf32, #tpu.memory_space<vmem>>, vector<1x16xf32>,
        %swap3A_909 = vector.shape_cast %swap3A_908 : vector<1x16xf32> to vector<16xf32>
        %swap3A_910 = vector.shape_cast %mul3A_905 : vector<16xf32> to vector<1x16xf32>
        tpu.vector_store %arg11[%swap3A_906, %swap3A_907], %swap3A_910 {strides = array<i32>} : memref<512x128xf32, #tpu.memory_space<vmem>>, vector<1x16xf32>,
        %get3A_911 = arith.index_cast %add3A_850 : i32 to index
        %get3A_912 = arith.constant 96 : index
        %get3A_913 = tpu.vector_load %arg11[%get3A_911, %get3A_912] {strides = array<i32>} : memref<512x128xf32, #tpu.memory_space<vmem>>, vector<1x16xf32>,
        %get3A_914 = vector.shape_cast %get3A_913 : vector<1x16xf32> to vector<16xf32>
        %mul3A_915 = arith.mulf %get3A_914, %broadcast_in_dim3A_845 : vector<16xf32>
        %swap3A_916 = arith.index_cast %add3A_850 : i32 to index
        %swap3A_917 = arith.constant 96 : index
        %swap3A_918 = tpu.vector_load %arg11[%swap3A_916, %swap3A_917] {strides = array<i32>} : memref<512x128xf32, #tpu.memory_space<vmem>>, vector<1x16xf32>,
        %swap3A_919 = vector.shape_cast %swap3A_918 : vector<1x16xf32> to vector<16xf32>
        %swap3A_920 = vector.shape_cast %mul3A_915 : vector<16xf32> to vector<1x16xf32>
        tpu.vector_store %arg11[%swap3A_916, %swap3A_917], %swap3A_920 {strides = array<i32>} : memref<512x128xf32, #tpu.memory_space<vmem>>, vector<1x16xf32>,
        %get3A_921 = arith.index_cast %add3A_850 : i32 to index
        %get3A_922 = arith.constant 112 : index
        %get3A_923 = tpu.vector_load %arg11[%get3A_921, %get3A_922] {strides = array<i32>} : memref<512x128xf32, #tpu.memory_space<vmem>>, vector<1x16xf32>,
        %get3A_924 = vector.shape_cast %get3A_923 : vector<1x16xf32> to vector<16xf32>
        %mul3A_925 = arith.mulf %get3A_924, %broadcast_in_dim3A_845 : vector<16xf32>
        %swap3A_926 = arith.index_cast %add3A_850 : i32 to index
        %swap3A_927 = arith.constant 112 : index
        %swap3A_928 = tpu.vector_load %arg11[%swap3A_926, %swap3A_927] {strides = array<i32>} : memref<512x128xf32, #tpu.memory_space<vmem>>, vector<1x16xf32>,
        %swap3A_929 = vector.shape_cast %swap3A_928 : vector<1x16xf32> to vector<16xf32>
        %swap3A_930 = vector.shape_cast %mul3A_925 : vector<16xf32> to vector<1x16xf32>
        tpu.vector_store %arg11[%swap3A_926, %swap3A_927], %swap3A_930 {strides = array<i32>} : memref<512x128xf32, #tpu.memory_space<vmem>>, vector<1x16xf32>,
        %slice3A_931 = vector.extract_strided_slice %sub3A_141 {offsets = [9], sizes = [1], strides = [1]} : vector<16xf32> to vector<1xf32>
        %squeeze3A_932 = vector.extract %slice3A_931[0] : f32 from vector<1xf32>
        %broadcast_in_dim3A_933 = vector.broadcast %squeeze3A_932 : f32 to vector<16xf32>
        %mul3A_934 = arith.constant 16 : i32
        %mul3A_935 = arith.muli %scan3A_131, %mul3A_934 : i32
        %add3A_936 = arith.addi %mul3A_90, %mul3A_935 : i32
        %add3A_937 = arith.constant 9 : i32
        %add3A_938 = arith.addi %add3A_936, %add3A_937 : i32
        %get3A_939 = arith.index_cast %add3A_938 : i32 to index
        %get3A_940 = arith.constant 0 : index
        %get3A_941 = tpu.vector_load %arg11[%get3A_939, %get3A_940] {strides = array<i32>} : memref<512x128xf32, #tpu.memory_space<vmem>>, vector<1x16xf32>,
        %get3A_942 = vector.shape_cast %get3A_941 : vector<1x16xf32> to vector<16xf32>
        %mul3A_943 = arith.mulf %get3A_942, %broadcast_in_dim3A_933 : vector<16xf32>
        %swap3A_944 = arith.index_cast %add3A_938 : i32 to index
        %swap3A_945 = arith.constant 0 : index
        %swap3A_946 = tpu.vector_load %arg11[%swap3A_944, %swap3A_945] {strides = array<i32>} : memref<512x128xf32, #tpu.memory_space<vmem>>, vector<1x16xf32>,
        %swap3A_947 = vector.shape_cast %swap3A_946 : vector<1x16xf32> to vector<16xf32>
        %swap3A_948 = vector.shape_cast %mul3A_943 : vector<16xf32> to vector<1x16xf32>
        tpu.vector_store %arg11[%swap3A_944, %swap3A_945], %swap3A_948 {strides = array<i32>} : memref<512x128xf32, #tpu.memory_space<vmem>>, vector<1x16xf32>,
        %get3A_949 = arith.index_cast %add3A_938 : i32 to index
        %get3A_950 = arith.constant 16 : index
        %get3A_951 = tpu.vector_load %arg11[%get3A_949, %get3A_950] {strides = array<i32>} : memref<512x128xf32, #tpu.memory_space<vmem>>, vector<1x16xf32>,
        %get3A_952 = vector.shape_cast %get3A_951 : vector<1x16xf32> to vector<16xf32>
        %mul3A_953 = arith.mulf %get3A_952, %broadcast_in_dim3A_933 : vector<16xf32>
        %swap3A_954 = arith.index_cast %add3A_938 : i32 to index
        %swap3A_955 = arith.constant 16 : index
        %swap3A_956 = tpu.vector_load %arg11[%swap3A_954, %swap3A_955] {strides = array<i32>} : memref<512x128xf32, #tpu.memory_space<vmem>>, vector<1x16xf32>,
        %swap3A_957 = vector.shape_cast %swap3A_956 : vector<1x16xf32> to vector<16xf32>
        %swap3A_958 = vector.shape_cast %mul3A_953 : vector<16xf32> to vector<1x16xf32>
        tpu.vector_store %arg11[%swap3A_954, %swap3A_955], %swap3A_958 {strides = array<i32>} : memref<512x128xf32, #tpu.memory_space<vmem>>, vector<1x16xf32>,
        %get3A_959 = arith.index_cast %add3A_938 : i32 to index
        %get3A_960 = arith.constant 32 : index
        %get3A_961 = tpu.vector_load %arg11[%get3A_959, %get3A_960] {strides = array<i32>} : memref<512x128xf32, #tpu.memory_space<vmem>>, vector<1x16xf32>,
        %get3A_962 = vector.shape_cast %get3A_961 : vector<1x16xf32> to vector<16xf32>
        %mul3A_963 = arith.mulf %get3A_962, %broadcast_in_dim3A_933 : vector<16xf32>
        %swap3A_964 = arith.index_cast %add3A_938 : i32 to index
        %swap3A_965 = arith.constant 32 : index
        %swap3A_966 = tpu.vector_load %arg11[%swap3A_964, %swap3A_965] {strides = array<i32>} : memref<512x128xf32, #tpu.memory_space<vmem>>, vector<1x16xf32>,
        %swap3A_967 = vector.shape_cast %swap3A_966 : vector<1x16xf32> to vector<16xf32>
        %swap3A_968 = vector.shape_cast %mul3A_963 : vector<16xf32> to vector<1x16xf32>
        tpu.vector_store %arg11[%swap3A_964, %swap3A_965], %swap3A_968 {strides = array<i32>} : memref<512x128xf32, #tpu.memory_space<vmem>>, vector<1x16xf32>,
        %get3A_969 = arith.index_cast %add3A_938 : i32 to index
        %get3A_970 = arith.constant 48 : index
        %get3A_971 = tpu.vector_load %arg11[%get3A_969, %get3A_970] {strides = array<i32>} : memref<512x128xf32, #tpu.memory_space<vmem>>, vector<1x16xf32>,
        %get3A_972 = vector.shape_cast %get3A_971 : vector<1x16xf32> to vector<16xf32>
        %mul3A_973 = arith.mulf %get3A_972, %broadcast_in_dim3A_933 : vector<16xf32>
        %swap3A_974 = arith.index_cast %add3A_938 : i32 to index
        %swap3A_975 = arith.constant 48 : index
        %swap3A_976 = tpu.vector_load %arg11[%swap3A_974, %swap3A_975] {strides = array<i32>} : memref<512x128xf32, #tpu.memory_space<vmem>>, vector<1x16xf32>,
        %swap3A_977 = vector.shape_cast %swap3A_976 : vector<1x16xf32> to vector<16xf32>
        %swap3A_978 = vector.shape_cast %mul3A_973 : vector<16xf32> to vector<1x16xf32>
        tpu.vector_store %arg11[%swap3A_974, %swap3A_975], %swap3A_978 {strides = array<i32>} : memref<512x128xf32, #tpu.memory_space<vmem>>, vector<1x16xf32>,
        %get3A_979 = arith.index_cast %add3A_938 : i32 to index
        %get3A_980 = arith.constant 64 : index
        %get3A_981 = tpu.vector_load %arg11[%get3A_979, %get3A_980] {strides = array<i32>} : memref<512x128xf32, #tpu.memory_space<vmem>>, vector<1x16xf32>,
        %get3A_982 = vector.shape_cast %get3A_981 : vector<1x16xf32> to vector<16xf32>
        %mul3A_983 = arith.mulf %get3A_982, %broadcast_in_dim3A_933 : vector<16xf32>
        %swap3A_984 = arith.index_cast %add3A_938 : i32 to index
        %swap3A_985 = arith.constant 64 : index
        %swap3A_986 = tpu.vector_load %arg11[%swap3A_984, %swap3A_985] {strides = array<i32>} : memref<512x128xf32, #tpu.memory_space<vmem>>, vector<1x16xf32>,
        %swap3A_987 = vector.shape_cast %swap3A_986 : vector<1x16xf32> to vector<16xf32>
        %swap3A_988 = vector.shape_cast %mul3A_983 : vector<16xf32> to vector<1x16xf32>
        tpu.vector_store %arg11[%swap3A_984, %swap3A_985], %swap3A_988 {strides = array<i32>} : memref<512x128xf32, #tpu.memory_space<vmem>>, vector<1x16xf32>,
        %get3A_989 = arith.index_cast %add3A_938 : i32 to index
        %get3A_990 = arith.constant 80 : index
        %get3A_991 = tpu.vector_load %arg11[%get3A_989, %get3A_990] {strides = array<i32>} : memref<512x128xf32, #tpu.memory_space<vmem>>, vector<1x16xf32>,
        %get3A_992 = vector.shape_cast %get3A_991 : vector<1x16xf32> to vector<16xf32>
        %mul3A_993 = arith.mulf %get3A_992, %broadcast_in_dim3A_933 : vector<16xf32>
        %swap3A_994 = arith.index_cast %add3A_938 : i32 to index
        %swap3A_995 = arith.constant 80 : index
        %swap3A_996 = tpu.vector_load %arg11[%swap3A_994, %swap3A_995] {strides = array<i32>} : memref<512x128xf32, #tpu.memory_space<vmem>>, vector<1x16xf32>,
        %swap3A_997 = vector.shape_cast %swap3A_996 : vector<1x16xf32> to vector<16xf32>
        %swap3A_998 = vector.shape_cast %mul3A_993 : vector<16xf32> to vector<1x16xf32>
        tpu.vector_store %arg11[%swap3A_994, %swap3A_995], %swap3A_998 {strides = array<i32>} : memref<512x128xf32, #tpu.memory_space<vmem>>, vector<1x16xf32>,
        %get3A_999 = arith.index_cast %add3A_938 : i32 to index
        %get3A_1000 = arith.constant 96 : index
        %get3A_1001 = tpu.vector_load %arg11[%get3A_999, %get3A_1000] {strides = array<i32>} : memref<512x128xf32, #tpu.memory_space<vmem>>, vector<1x16xf32>,
        %get3A_1002 = vector.shape_cast %get3A_1001 : vector<1x16xf32> to vector<16xf32>
        %mul3A_1003 = arith.mulf %get3A_1002, %broadcast_in_dim3A_933 : vector<16xf32>
        %swap3A_1004 = arith.index_cast %add3A_938 : i32 to index
        %swap3A_1005 = arith.constant 96 : index
        %swap3A_1006 = tpu.vector_load %arg11[%swap3A_1004, %swap3A_1005] {strides = array<i32>} : memref<512x128xf32, #tpu.memory_space<vmem>>, vector<1x16xf32>,
        %swap3A_1007 = vector.shape_cast %swap3A_1006 : vector<1x16xf32> to vector<16xf32>
        %swap3A_1008 = vector.shape_cast %mul3A_1003 : vector<16xf32> to vector<1x16xf32>
        tpu.vector_store %arg11[%swap3A_1004, %swap3A_1005], %swap3A_1008 {strides = array<i32>} : memref<512x128xf32, #tpu.memory_space<vmem>>, vector<1x16xf32>,
        %get3A_1009 = arith.index_cast %add3A_938 : i32 to index
        %get3A_1010 = arith.constant 112 : index
        %get3A_1011 = tpu.vector_load %arg11[%get3A_1009, %get3A_1010] {strides = array<i32>} : memref<512x128xf32, #tpu.memory_space<vmem>>, vector<1x16xf32>,
        %get3A_1012 = vector.shape_cast %get3A_1011 : vector<1x16xf32> to vector<16xf32>
        %mul3A_1013 = arith.mulf %get3A_1012, %broadcast_in_dim3A_933 : vector<16xf32>
        %swap3A_1014 = arith.index_cast %add3A_938 : i32 to index
        %swap3A_1015 = arith.constant 112 : index
        %swap3A_1016 = tpu.vector_load %arg11[%swap3A_1014, %swap3A_1015] {strides = array<i32>} : memref<512x128xf32, #tpu.memory_space<vmem>>, vector<1x16xf32>,
        %swap3A_1017 = vector.shape_cast %swap3A_1016 : vector<1x16xf32> to vector<16xf32>
        %swap3A_1018 = vector.shape_cast %mul3A_1013 : vector<16xf32> to vector<1x16xf32>
        tpu.vector_store %arg11[%swap3A_1014, %swap3A_1015], %swap3A_1018 {strides = array<i32>} : memref<512x128xf32, #tpu.memory_space<vmem>>, vector<1x16xf32>,
        %slice3A_1019 = vector.extract_strided_slice %sub3A_141 {offsets = [10], sizes = [1], strides = [1]} : vector<16xf32> to vector<1xf32>
        %squeeze3A_1020 = vector.extract %slice3A_1019[0] : f32 from vector<1xf32>
        %broadcast_in_dim3A_1021 = vector.broadcast %squeeze3A_1020 : f32 to vector<16xf32>
        %mul3A_1022 = arith.constant 16 : i32
        %mul3A_1023 = arith.muli %scan3A_131, %mul3A_1022 : i32
        %add3A_1024 = arith.addi %mul3A_90, %mul3A_1023 : i32
        %add3A_1025 = arith.constant 10 : i32
        %add3A_1026 = arith.addi %add3A_1024, %add3A_1025 : i32
        %get3A_1027 = arith.index_cast %add3A_1026 : i32 to index
        %get3A_1028 = arith.constant 0 : index
        %get3A_1029 = tpu.vector_load %arg11[%get3A_1027, %get3A_1028] {strides = array<i32>} : memref<512x128xf32, #tpu.memory_space<vmem>>, vector<1x16xf32>,
        %get3A_1030 = vector.shape_cast %get3A_1029 : vector<1x16xf32> to vector<16xf32>
        %mul3A_1031 = arith.mulf %get3A_1030, %broadcast_in_dim3A_1021 : vector<16xf32>
        %swap3A_1032 = arith.index_cast %add3A_1026 : i32 to index
        %swap3A_1033 = arith.constant 0 : index
        %swap3A_1034 = tpu.vector_load %arg11[%swap3A_1032, %swap3A_1033] {strides = array<i32>} : memref<512x128xf32, #tpu.memory_space<vmem>>, vector<1x16xf32>,
        %swap3A_1035 = vector.shape_cast %swap3A_1034 : vector<1x16xf32> to vector<16xf32>
        %swap3A_1036 = vector.shape_cast %mul3A_1031 : vector<16xf32> to vector<1x16xf32>
        tpu.vector_store %arg11[%swap3A_1032, %swap3A_1033], %swap3A_1036 {strides = array<i32>} : memref<512x128xf32, #tpu.memory_space<vmem>>, vector<1x16xf32>,
        %get3A_1037 = arith.index_cast %add3A_1026 : i32 to index
        %get3A_1038 = arith.constant 16 : index
        %get3A_1039 = tpu.vector_load %arg11[%get3A_1037, %get3A_1038] {strides = array<i32>} : memref<512x128xf32, #tpu.memory_space<vmem>>, vector<1x16xf32>,
        %get3A_1040 = vector.shape_cast %get3A_1039 : vector<1x16xf32> to vector<16xf32>
        %mul3A_1041 = arith.mulf %get3A_1040, %broadcast_in_dim3A_1021 : vector<16xf32>
        %swap3A_1042 = arith.index_cast %add3A_1026 : i32 to index
        %swap3A_1043 = arith.constant 16 : index
        %swap3A_1044 = tpu.vector_load %arg11[%swap3A_1042, %swap3A_1043] {strides = array<i32>} : memref<512x128xf32, #tpu.memory_space<vmem>>, vector<1x16xf32>,
        %swap3A_1045 = vector.shape_cast %swap3A_1044 : vector<1x16xf32> to vector<16xf32>
        %swap3A_1046 = vector.shape_cast %mul3A_1041 : vector<16xf32> to vector<1x16xf32>
        tpu.vector_store %arg11[%swap3A_1042, %swap3A_1043], %swap3A_1046 {strides = array<i32>} : memref<512x128xf32, #tpu.memory_space<vmem>>, vector<1x16xf32>,
        %get3A_1047 = arith.index_cast %add3A_1026 : i32 to index
        %get3A_1048 = arith.constant 32 : index
        %get3A_1049 = tpu.vector_load %arg11[%get3A_1047, %get3A_1048] {strides = array<i32>} : memref<512x128xf32, #tpu.memory_space<vmem>>, vector<1x16xf32>,
        %get3A_1050 = vector.shape_cast %get3A_1049 : vector<1x16xf32> to vector<16xf32>
        %mul3A_1051 = arith.mulf %get3A_1050, %broadcast_in_dim3A_1021 : vector<16xf32>
        %swap3A_1052 = arith.index_cast %add3A_1026 : i32 to index
        %swap3A_1053 = arith.constant 32 : index
        %swap3A_1054 = tpu.vector_load %arg11[%swap3A_1052, %swap3A_1053] {strides = array<i32>} : memref<512x128xf32, #tpu.memory_space<vmem>>, vector<1x16xf32>,
        %swap3A_1055 = vector.shape_cast %swap3A_1054 : vector<1x16xf32> to vector<16xf32>
        %swap3A_1056 = vector.shape_cast %mul3A_1051 : vector<16xf32> to vector<1x16xf32>
        tpu.vector_store %arg11[%swap3A_1052, %swap3A_1053], %swap3A_1056 {strides = array<i32>} : memref<512x128xf32, #tpu.memory_space<vmem>>, vector<1x16xf32>,
        %get3A_1057 = arith.index_cast %add3A_1026 : i32 to index
        %get3A_1058 = arith.constant 48 : index
        %get3A_1059 = tpu.vector_load %arg11[%get3A_1057, %get3A_1058] {strides = array<i32>} : memref<512x128xf32, #tpu.memory_space<vmem>>, vector<1x16xf32>,
        %get3A_1060 = vector.shape_cast %get3A_1059 : vector<1x16xf32> to vector<16xf32>
        %mul3A_1061 = arith.mulf %get3A_1060, %broadcast_in_dim3A_1021 : vector<16xf32>
        %swap3A_1062 = arith.index_cast %add3A_1026 : i32 to index
        %swap3A_1063 = arith.constant 48 : index
        %swap3A_1064 = tpu.vector_load %arg11[%swap3A_1062, %swap3A_1063] {strides = array<i32>} : memref<512x128xf32, #tpu.memory_space<vmem>>, vector<1x16xf32>,
        %swap3A_1065 = vector.shape_cast %swap3A_1064 : vector<1x16xf32> to vector<16xf32>
        %swap3A_1066 = vector.shape_cast %mul3A_1061 : vector<16xf32> to vector<1x16xf32>
        tpu.vector_store %arg11[%swap3A_1062, %swap3A_1063], %swap3A_1066 {strides = array<i32>} : memref<512x128xf32, #tpu.memory_space<vmem>>, vector<1x16xf32>,
        %get3A_1067 = arith.index_cast %add3A_1026 : i32 to index
        %get3A_1068 = arith.constant 64 : index
        %get3A_1069 = tpu.vector_load %arg11[%get3A_1067, %get3A_1068] {strides = array<i32>} : memref<512x128xf32, #tpu.memory_space<vmem>>, vector<1x16xf32>,
        %get3A_1070 = vector.shape_cast %get3A_1069 : vector<1x16xf32> to vector<16xf32>
        %mul3A_1071 = arith.mulf %get3A_1070, %broadcast_in_dim3A_1021 : vector<16xf32>
        %swap3A_1072 = arith.index_cast %add3A_1026 : i32 to index
        %swap3A_1073 = arith.constant 64 : index
        %swap3A_1074 = tpu.vector_load %arg11[%swap3A_1072, %swap3A_1073] {strides = array<i32>} : memref<512x128xf32, #tpu.memory_space<vmem>>, vector<1x16xf32>,
        %swap3A_1075 = vector.shape_cast %swap3A_1074 : vector<1x16xf32> to vector<16xf32>
        %swap3A_1076 = vector.shape_cast %mul3A_1071 : vector<16xf32> to vector<1x16xf32>
        tpu.vector_store %arg11[%swap3A_1072, %swap3A_1073], %swap3A_1076 {strides = array<i32>} : memref<512x128xf32, #tpu.memory_space<vmem>>, vector<1x16xf32>,
        %get3A_1077 = arith.index_cast %add3A_1026 : i32 to index
        %get3A_1078 = arith.constant 80 : index
        %get3A_1079 = tpu.vector_load %arg11[%get3A_1077, %get3A_1078] {strides = array<i32>} : memref<512x128xf32, #tpu.memory_space<vmem>>, vector<1x16xf32>,
        %get3A_1080 = vector.shape_cast %get3A_1079 : vector<1x16xf32> to vector<16xf32>
        %mul3A_1081 = arith.mulf %get3A_1080, %broadcast_in_dim3A_1021 : vector<16xf32>
        %swap3A_1082 = arith.index_cast %add3A_1026 : i32 to index
        %swap3A_1083 = arith.constant 80 : index
        %swap3A_1084 = tpu.vector_load %arg11[%swap3A_1082, %swap3A_1083] {strides = array<i32>} : memref<512x128xf32, #tpu.memory_space<vmem>>, vector<1x16xf32>,
        %swap3A_1085 = vector.shape_cast %swap3A_1084 : vector<1x16xf32> to vector<16xf32>
        %swap3A_1086 = vector.shape_cast %mul3A_1081 : vector<16xf32> to vector<1x16xf32>
        tpu.vector_store %arg11[%swap3A_1082, %swap3A_1083], %swap3A_1086 {strides = array<i32>} : memref<512x128xf32, #tpu.memory_space<vmem>>, vector<1x16xf32>,
        %get3A_1087 = arith.index_cast %add3A_1026 : i32 to index
        %get3A_1088 = arith.constant 96 : index
        %get3A_1089 = tpu.vector_load %arg11[%get3A_1087, %get3A_1088] {strides = array<i32>} : memref<512x128xf32, #tpu.memory_space<vmem>>, vector<1x16xf32>,
        %get3A_1090 = vector.shape_cast %get3A_1089 : vector<1x16xf32> to vector<16xf32>
        %mul3A_1091 = arith.mulf %get3A_1090, %broadcast_in_dim3A_1021 : vector<16xf32>
        %swap3A_1092 = arith.index_cast %add3A_1026 : i32 to index
        %swap3A_1093 = arith.constant 96 : index
        %swap3A_1094 = tpu.vector_load %arg11[%swap3A_1092, %swap3A_1093] {strides = array<i32>} : memref<512x128xf32, #tpu.memory_space<vmem>>, vector<1x16xf32>,
        %swap3A_1095 = vector.shape_cast %swap3A_1094 : vector<1x16xf32> to vector<16xf32>
        %swap3A_1096 = vector.shape_cast %mul3A_1091 : vector<16xf32> to vector<1x16xf32>
        tpu.vector_store %arg11[%swap3A_1092, %swap3A_1093], %swap3A_1096 {strides = array<i32>} : memref<512x128xf32, #tpu.memory_space<vmem>>, vector<1x16xf32>,
        %get3A_1097 = arith.index_cast %add3A_1026 : i32 to index
        %get3A_1098 = arith.constant 112 : index
        %get3A_1099 = tpu.vector_load %arg11[%get3A_1097, %get3A_1098] {strides = array<i32>} : memref<512x128xf32, #tpu.memory_space<vmem>>, vector<1x16xf32>,
        %get3A_1100 = vector.shape_cast %get3A_1099 : vector<1x16xf32> to vector<16xf32>
        %mul3A_1101 = arith.mulf %get3A_1100, %broadcast_in_dim3A_1021 : vector<16xf32>
        %swap3A_1102 = arith.index_cast %add3A_1026 : i32 to index
        %swap3A_1103 = arith.constant 112 : index
        %swap3A_1104 = tpu.vector_load %arg11[%swap3A_1102, %swap3A_1103] {strides = array<i32>} : memref<512x128xf32, #tpu.memory_space<vmem>>, vector<1x16xf32>,
        %swap3A_1105 = vector.shape_cast %swap3A_1104 : vector<1x16xf32> to vector<16xf32>
        %swap3A_1106 = vector.shape_cast %mul3A_1101 : vector<16xf32> to vector<1x16xf32>
        tpu.vector_store %arg11[%swap3A_1102, %swap3A_1103], %swap3A_1106 {strides = array<i32>} : memref<512x128xf32, #tpu.memory_space<vmem>>, vector<1x16xf32>,
        %slice3A_1107 = vector.extract_strided_slice %sub3A_141 {offsets = [11], sizes = [1], strides = [1]} : vector<16xf32> to vector<1xf32>
        %squeeze3A_1108 = vector.extract %slice3A_1107[0] : f32 from vector<1xf32>
        %broadcast_in_dim3A_1109 = vector.broadcast %squeeze3A_1108 : f32 to vector<16xf32>
        %mul3A_1110 = arith.constant 16 : i32
        %mul3A_1111 = arith.muli %scan3A_131, %mul3A_1110 : i32
        %add3A_1112 = arith.addi %mul3A_90, %mul3A_1111 : i32
        %add3A_1113 = arith.constant 11 : i32
        %add3A_1114 = arith.addi %add3A_1112, %add3A_1113 : i32
        %get3A_1115 = arith.index_cast %add3A_1114 : i32 to index
        %get3A_1116 = arith.constant 0 : index
        %get3A_1117 = tpu.vector_load %arg11[%get3A_1115, %get3A_1116] {strides = array<i32>} : memref<512x128xf32, #tpu.memory_space<vmem>>, vector<1x16xf32>,
        %get3A_1118 = vector.shape_cast %get3A_1117 : vector<1x16xf32> to vector<16xf32>
        %mul3A_1119 = arith.mulf %get3A_1118, %broadcast_in_dim3A_1109 : vector<16xf32>
        %swap3A_1120 = arith.index_cast %add3A_1114 : i32 to index
        %swap3A_1121 = arith.constant 0 : index
        %swap3A_1122 = tpu.vector_load %arg11[%swap3A_1120, %swap3A_1121] {strides = array<i32>} : memref<512x128xf32, #tpu.memory_space<vmem>>, vector<1x16xf32>,
        %swap3A_1123 = vector.shape_cast %swap3A_1122 : vector<1x16xf32> to vector<16xf32>
        %swap3A_1124 = vector.shape_cast %mul3A_1119 : vector<16xf32> to vector<1x16xf32>
        tpu.vector_store %arg11[%swap3A_1120, %swap3A_1121], %swap3A_1124 {strides = array<i32>} : memref<512x128xf32, #tpu.memory_space<vmem>>, vector<1x16xf32>,
        %get3A_1125 = arith.index_cast %add3A_1114 : i32 to index
        %get3A_1126 = arith.constant 16 : index
        %get3A_1127 = tpu.vector_load %arg11[%get3A_1125, %get3A_1126] {strides = array<i32>} : memref<512x128xf32, #tpu.memory_space<vmem>>, vector<1x16xf32>,
        %get3A_1128 = vector.shape_cast %get3A_1127 : vector<1x16xf32> to vector<16xf32>
        %mul3A_1129 = arith.mulf %get3A_1128, %broadcast_in_dim3A_1109 : vector<16xf32>
        %swap3A_1130 = arith.index_cast %add3A_1114 : i32 to index
        %swap3A_1131 = arith.constant 16 : index
        %swap3A_1132 = tpu.vector_load %arg11[%swap3A_1130, %swap3A_1131] {strides = array<i32>} : memref<512x128xf32, #tpu.memory_space<vmem>>, vector<1x16xf32>,
        %swap3A_1133 = vector.shape_cast %swap3A_1132 : vector<1x16xf32> to vector<16xf32>
        %swap3A_1134 = vector.shape_cast %mul3A_1129 : vector<16xf32> to vector<1x16xf32>
        tpu.vector_store %arg11[%swap3A_1130, %swap3A_1131], %swap3A_1134 {strides = array<i32>} : memref<512x128xf32, #tpu.memory_space<vmem>>, vector<1x16xf32>,
        %get3A_1135 = arith.index_cast %add3A_1114 : i32 to index
        %get3A_1136 = arith.constant 32 : index
        %get3A_1137 = tpu.vector_load %arg11[%get3A_1135, %get3A_1136] {strides = array<i32>} : memref<512x128xf32, #tpu.memory_space<vmem>>, vector<1x16xf32>,
        %get3A_1138 = vector.shape_cast %get3A_1137 : vector<1x16xf32> to vector<16xf32>
        %mul3A_1139 = arith.mulf %get3A_1138, %broadcast_in_dim3A_1109 : vector<16xf32>
        %swap3A_1140 = arith.index_cast %add3A_1114 : i32 to index
        %swap3A_1141 = arith.constant 32 : index
        %swap3A_1142 = tpu.vector_load %arg11[%swap3A_1140, %swap3A_1141] {strides = array<i32>} : memref<512x128xf32, #tpu.memory_space<vmem>>, vector<1x16xf32>,
        %swap3A_1143 = vector.shape_cast %swap3A_1142 : vector<1x16xf32> to vector<16xf32>
        %swap3A_1144 = vector.shape_cast %mul3A_1139 : vector<16xf32> to vector<1x16xf32>
        tpu.vector_store %arg11[%swap3A_1140, %swap3A_1141], %swap3A_1144 {strides = array<i32>} : memref<512x128xf32, #tpu.memory_space<vmem>>, vector<1x16xf32>,
        %get3A_1145 = arith.index_cast %add3A_1114 : i32 to index
        %get3A_1146 = arith.constant 48 : index
        %get3A_1147 = tpu.vector_load %arg11[%get3A_1145, %get3A_1146] {strides = array<i32>} : memref<512x128xf32, #tpu.memory_space<vmem>>, vector<1x16xf32>,
        %get3A_1148 = vector.shape_cast %get3A_1147 : vector<1x16xf32> to vector<16xf32>
        %mul3A_1149 = arith.mulf %get3A_1148, %broadcast_in_dim3A_1109 : vector<16xf32>
        %swap3A_1150 = arith.index_cast %add3A_1114 : i32 to index
        %swap3A_1151 = arith.constant 48 : index
        %swap3A_1152 = tpu.vector_load %arg11[%swap3A_1150, %swap3A_1151] {strides = array<i32>} : memref<512x128xf32, #tpu.memory_space<vmem>>, vector<1x16xf32>,
        %swap3A_1153 = vector.shape_cast %swap3A_1152 : vector<1x16xf32> to vector<16xf32>
        %swap3A_1154 = vector.shape_cast %mul3A_1149 : vector<16xf32> to vector<1x16xf32>
        tpu.vector_store %arg11[%swap3A_1150, %swap3A_1151], %swap3A_1154 {strides = array<i32>} : memref<512x128xf32, #tpu.memory_space<vmem>>, vector<1x16xf32>,
        %get3A_1155 = arith.index_cast %add3A_1114 : i32 to index
        %get3A_1156 = arith.constant 64 : index
        %get3A_1157 = tpu.vector_load %arg11[%get3A_1155, %get3A_1156] {strides = array<i32>} : memref<512x128xf32, #tpu.memory_space<vmem>>, vector<1x16xf32>,
        %get3A_1158 = vector.shape_cast %get3A_1157 : vector<1x16xf32> to vector<16xf32>
        %mul3A_1159 = arith.mulf %get3A_1158, %broadcast_in_dim3A_1109 : vector<16xf32>
        %swap3A_1160 = arith.index_cast %add3A_1114 : i32 to index
        %swap3A_1161 = arith.constant 64 : index
        %swap3A_1162 = tpu.vector_load %arg11[%swap3A_1160, %swap3A_1161] {strides = array<i32>} : memref<512x128xf32, #tpu.memory_space<vmem>>, vector<1x16xf32>,
        %swap3A_1163 = vector.shape_cast %swap3A_1162 : vector<1x16xf32> to vector<16xf32>
        %swap3A_1164 = vector.shape_cast %mul3A_1159 : vector<16xf32> to vector<1x16xf32>
        tpu.vector_store %arg11[%swap3A_1160, %swap3A_1161], %swap3A_1164 {strides = array<i32>} : memref<512x128xf32, #tpu.memory_space<vmem>>, vector<1x16xf32>,
        %get3A_1165 = arith.index_cast %add3A_1114 : i32 to index
        %get3A_1166 = arith.constant 80 : index
        %get3A_1167 = tpu.vector_load %arg11[%get3A_1165, %get3A_1166] {strides = array<i32>} : memref<512x128xf32, #tpu.memory_space<vmem>>, vector<1x16xf32>,
        %get3A_1168 = vector.shape_cast %get3A_1167 : vector<1x16xf32> to vector<16xf32>
        %mul3A_1169 = arith.mulf %get3A_1168, %broadcast_in_dim3A_1109 : vector<16xf32>
        %swap3A_1170 = arith.index_cast %add3A_1114 : i32 to index
        %swap3A_1171 = arith.constant 80 : index
        %swap3A_1172 = tpu.vector_load %arg11[%swap3A_1170, %swap3A_1171] {strides = array<i32>} : memref<512x128xf32, #tpu.memory_space<vmem>>, vector<1x16xf32>,
        %swap3A_1173 = vector.shape_cast %swap3A_1172 : vector<1x16xf32> to vector<16xf32>
        %swap3A_1174 = vector.shape_cast %mul3A_1169 : vector<16xf32> to vector<1x16xf32>
        tpu.vector_store %arg11[%swap3A_1170, %swap3A_1171], %swap3A_1174 {strides = array<i32>} : memref<512x128xf32, #tpu.memory_space<vmem>>, vector<1x16xf32>,
        %get3A_1175 = arith.index_cast %add3A_1114 : i32 to index
        %get3A_1176 = arith.constant 96 : index
        %get3A_1177 = tpu.vector_load %arg11[%get3A_1175, %get3A_1176] {strides = array<i32>} : memref<512x128xf32, #tpu.memory_space<vmem>>, vector<1x16xf32>,
        %get3A_1178 = vector.shape_cast %get3A_1177 : vector<1x16xf32> to vector<16xf32>
        %mul3A_1179 = arith.mulf %get3A_1178, %broadcast_in_dim3A_1109 : vector<16xf32>
        %swap3A_1180 = arith.index_cast %add3A_1114 : i32 to index
        %swap3A_1181 = arith.constant 96 : index
        %swap3A_1182 = tpu.vector_load %arg11[%swap3A_1180, %swap3A_1181] {strides = array<i32>} : memref<512x128xf32, #tpu.memory_space<vmem>>, vector<1x16xf32>,
        %swap3A_1183 = vector.shape_cast %swap3A_1182 : vector<1x16xf32> to vector<16xf32>
        %swap3A_1184 = vector.shape_cast %mul3A_1179 : vector<16xf32> to vector<1x16xf32>
        tpu.vector_store %arg11[%swap3A_1180, %swap3A_1181], %swap3A_1184 {strides = array<i32>} : memref<512x128xf32, #tpu.memory_space<vmem>>, vector<1x16xf32>,
        %get3A_1185 = arith.index_cast %add3A_1114 : i32 to index
        %get3A_1186 = arith.constant 112 : index
        %get3A_1187 = tpu.vector_load %arg11[%get3A_1185, %get3A_1186] {strides = array<i32>} : memref<512x128xf32, #tpu.memory_space<vmem>>, vector<1x16xf32>,
        %get3A_1188 = vector.shape_cast %get3A_1187 : vector<1x16xf32> to vector<16xf32>
        %mul3A_1189 = arith.mulf %get3A_1188, %broadcast_in_dim3A_1109 : vector<16xf32>
        %swap3A_1190 = arith.index_cast %add3A_1114 : i32 to index
        %swap3A_1191 = arith.constant 112 : index
        %swap3A_1192 = tpu.vector_load %arg11[%swap3A_1190, %swap3A_1191] {strides = array<i32>} : memref<512x128xf32, #tpu.memory_space<vmem>>, vector<1x16xf32>,
        %swap3A_1193 = vector.shape_cast %swap3A_1192 : vector<1x16xf32> to vector<16xf32>
        %swap3A_1194 = vector.shape_cast %mul3A_1189 : vector<16xf32> to vector<1x16xf32>
        tpu.vector_store %arg11[%swap3A_1190, %swap3A_1191], %swap3A_1194 {strides = array<i32>} : memref<512x128xf32, #tpu.memory_space<vmem>>, vector<1x16xf32>,
        %slice3A_1195 = vector.extract_strided_slice %sub3A_141 {offsets = [12], sizes = [1], strides = [1]} : vector<16xf32> to vector<1xf32>
        %squeeze3A_1196 = vector.extract %slice3A_1195[0] : f32 from vector<1xf32>
        %broadcast_in_dim3A_1197 = vector.broadcast %squeeze3A_1196 : f32 to vector<16xf32>
        %mul3A_1198 = arith.constant 16 : i32
        %mul3A_1199 = arith.muli %scan3A_131, %mul3A_1198 : i32
        %add3A_1200 = arith.addi %mul3A_90, %mul3A_1199 : i32
        %add3A_1201 = arith.constant 12 : i32
        %add3A_1202 = arith.addi %add3A_1200, %add3A_1201 : i32
        %get3A_1203 = arith.index_cast %add3A_1202 : i32 to index
        %get3A_1204 = arith.constant 0 : index
        %get3A_1205 = tpu.vector_load %arg11[%get3A_1203, %get3A_1204] {strides = array<i32>} : memref<512x128xf32, #tpu.memory_space<vmem>>, vector<1x16xf32>,
        %get3A_1206 = vector.shape_cast %get3A_1205 : vector<1x16xf32> to vector<16xf32>
        %mul3A_1207 = arith.mulf %get3A_1206, %broadcast_in_dim3A_1197 : vector<16xf32>
        %swap3A_1208 = arith.index_cast %add3A_1202 : i32 to index
        %swap3A_1209 = arith.constant 0 : index
        %swap3A_1210 = tpu.vector_load %arg11[%swap3A_1208, %swap3A_1209] {strides = array<i32>} : memref<512x128xf32, #tpu.memory_space<vmem>>, vector<1x16xf32>,
        %swap3A_1211 = vector.shape_cast %swap3A_1210 : vector<1x16xf32> to vector<16xf32>
        %swap3A_1212 = vector.shape_cast %mul3A_1207 : vector<16xf32> to vector<1x16xf32>
        tpu.vector_store %arg11[%swap3A_1208, %swap3A_1209], %swap3A_1212 {strides = array<i32>} : memref<512x128xf32, #tpu.memory_space<vmem>>, vector<1x16xf32>,
        %get3A_1213 = arith.index_cast %add3A_1202 : i32 to index
        %get3A_1214 = arith.constant 16 : index
        %get3A_1215 = tpu.vector_load %arg11[%get3A_1213, %get3A_1214] {strides = array<i32>} : memref<512x128xf32, #tpu.memory_space<vmem>>, vector<1x16xf32>,
        %get3A_1216 = vector.shape_cast %get3A_1215 : vector<1x16xf32> to vector<16xf32>
        %mul3A_1217 = arith.mulf %get3A_1216, %broadcast_in_dim3A_1197 : vector<16xf32>
        %swap3A_1218 = arith.index_cast %add3A_1202 : i32 to index
        %swap3A_1219 = arith.constant 16 : index
        %swap3A_1220 = tpu.vector_load %arg11[%swap3A_1218, %swap3A_1219] {strides = array<i32>} : memref<512x128xf32, #tpu.memory_space<vmem>>, vector<1x16xf32>,
        %swap3A_1221 = vector.shape_cast %swap3A_1220 : vector<1x16xf32> to vector<16xf32>
        %swap3A_1222 = vector.shape_cast %mul3A_1217 : vector<16xf32> to vector<1x16xf32>
        tpu.vector_store %arg11[%swap3A_1218, %swap3A_1219], %swap3A_1222 {strides = array<i32>} : memref<512x128xf32, #tpu.memory_space<vmem>>, vector<1x16xf32>,
        %get3A_1223 = arith.index_cast %add3A_1202 : i32 to index
        %get3A_1224 = arith.constant 32 : index
        %get3A_1225 = tpu.vector_load %arg11[%get3A_1223, %get3A_1224] {strides = array<i32>} : memref<512x128xf32, #tpu.memory_space<vmem>>, vector<1x16xf32>,
        %get3A_1226 = vector.shape_cast %get3A_1225 : vector<1x16xf32> to vector<16xf32>
        %mul3A_1227 = arith.mulf %get3A_1226, %broadcast_in_dim3A_1197 : vector<16xf32>
        %swap3A_1228 = arith.index_cast %add3A_1202 : i32 to index
        %swap3A_1229 = arith.constant 32 : index
        %swap3A_1230 = tpu.vector_load %arg11[%swap3A_1228, %swap3A_1229] {strides = array<i32>} : memref<512x128xf32, #tpu.memory_space<vmem>>, vector<1x16xf32>,
        %swap3A_1231 = vector.shape_cast %swap3A_1230 : vector<1x16xf32> to vector<16xf32>
        %swap3A_1232 = vector.shape_cast %mul3A_1227 : vector<16xf32> to vector<1x16xf32>
        tpu.vector_store %arg11[%swap3A_1228, %swap3A_1229], %swap3A_1232 {strides = array<i32>} : memref<512x128xf32, #tpu.memory_space<vmem>>, vector<1x16xf32>,
        %get3A_1233 = arith.index_cast %add3A_1202 : i32 to index
        %get3A_1234 = arith.constant 48 : index
        %get3A_1235 = tpu.vector_load %arg11[%get3A_1233, %get3A_1234] {strides = array<i32>} : memref<512x128xf32, #tpu.memory_space<vmem>>, vector<1x16xf32>,
        %get3A_1236 = vector.shape_cast %get3A_1235 : vector<1x16xf32> to vector<16xf32>
        %mul3A_1237 = arith.mulf %get3A_1236, %broadcast_in_dim3A_1197 : vector<16xf32>
        %swap3A_1238 = arith.index_cast %add3A_1202 : i32 to index
        %swap3A_1239 = arith.constant 48 : index
        %swap3A_1240 = tpu.vector_load %arg11[%swap3A_1238, %swap3A_1239] {strides = array<i32>} : memref<512x128xf32, #tpu.memory_space<vmem>>, vector<1x16xf32>,
        %swap3A_1241 = vector.shape_cast %swap3A_1240 : vector<1x16xf32> to vector<16xf32>
        %swap3A_1242 = vector.shape_cast %mul3A_1237 : vector<16xf32> to vector<1x16xf32>
        tpu.vector_store %arg11[%swap3A_1238, %swap3A_1239], %swap3A_1242 {strides = array<i32>} : memref<512x128xf32, #tpu.memory_space<vmem>>, vector<1x16xf32>,
        %get3A_1243 = arith.index_cast %add3A_1202 : i32 to index
        %get3A_1244 = arith.constant 64 : index
        %get3A_1245 = tpu.vector_load %arg11[%get3A_1243, %get3A_1244] {strides = array<i32>} : memref<512x128xf32, #tpu.memory_space<vmem>>, vector<1x16xf32>,
        %get3A_1246 = vector.shape_cast %get3A_1245 : vector<1x16xf32> to vector<16xf32>
        %mul3A_1247 = arith.mulf %get3A_1246, %broadcast_in_dim3A_1197 : vector<16xf32>
        %swap3A_1248 = arith.index_cast %add3A_1202 : i32 to index
        %swap3A_1249 = arith.constant 64 : index
        %swap3A_1250 = tpu.vector_load %arg11[%swap3A_1248, %swap3A_1249] {strides = array<i32>} : memref<512x128xf32, #tpu.memory_space<vmem>>, vector<1x16xf32>,
        %swap3A_1251 = vector.shape_cast %swap3A_1250 : vector<1x16xf32> to vector<16xf32>
        %swap3A_1252 = vector.shape_cast %mul3A_1247 : vector<16xf32> to vector<1x16xf32>
        tpu.vector_store %arg11[%swap3A_1248, %swap3A_1249], %swap3A_1252 {strides = array<i32>} : memref<512x128xf32, #tpu.memory_space<vmem>>, vector<1x16xf32>,
        %get3A_1253 = arith.index_cast %add3A_1202 : i32 to index
        %get3A_1254 = arith.constant 80 : index
        %get3A_1255 = tpu.vector_load %arg11[%get3A_1253, %get3A_1254] {strides = array<i32>} : memref<512x128xf32, #tpu.memory_space<vmem>>, vector<1x16xf32>,
        %get3A_1256 = vector.shape_cast %get3A_1255 : vector<1x16xf32> to vector<16xf32>
        %mul3A_1257 = arith.mulf %get3A_1256, %broadcast_in_dim3A_1197 : vector<16xf32>
        %swap3A_1258 = arith.index_cast %add3A_1202 : i32 to index
        %swap3A_1259 = arith.constant 80 : index
        %swap3A_1260 = tpu.vector_load %arg11[%swap3A_1258, %swap3A_1259] {strides = array<i32>} : memref<512x128xf32, #tpu.memory_space<vmem>>, vector<1x16xf32>,
        %swap3A_1261 = vector.shape_cast %swap3A_1260 : vector<1x16xf32> to vector<16xf32>
        %swap3A_1262 = vector.shape_cast %mul3A_1257 : vector<16xf32> to vector<1x16xf32>
        tpu.vector_store %arg11[%swap3A_1258, %swap3A_1259], %swap3A_1262 {strides = array<i32>} : memref<512x128xf32, #tpu.memory_space<vmem>>, vector<1x16xf32>,
        %get3A_1263 = arith.index_cast %add3A_1202 : i32 to index
        %get3A_1264 = arith.constant 96 : index
        %get3A_1265 = tpu.vector_load %arg11[%get3A_1263, %get3A_1264] {strides = array<i32>} : memref<512x128xf32, #tpu.memory_space<vmem>>, vector<1x16xf32>,
        %get3A_1266 = vector.shape_cast %get3A_1265 : vector<1x16xf32> to vector<16xf32>
        %mul3A_1267 = arith.mulf %get3A_1266, %broadcast_in_dim3A_1197 : vector<16xf32>
        %swap3A_1268 = arith.index_cast %add3A_1202 : i32 to index
        %swap3A_1269 = arith.constant 96 : index
        %swap3A_1270 = tpu.vector_load %arg11[%swap3A_1268, %swap3A_1269] {strides = array<i32>} : memref<512x128xf32, #tpu.memory_space<vmem>>, vector<1x16xf32>,
        %swap3A_1271 = vector.shape_cast %swap3A_1270 : vector<1x16xf32> to vector<16xf32>
        %swap3A_1272 = vector.shape_cast %mul3A_1267 : vector<16xf32> to vector<1x16xf32>
        tpu.vector_store %arg11[%swap3A_1268, %swap3A_1269], %swap3A_1272 {strides = array<i32>} : memref<512x128xf32, #tpu.memory_space<vmem>>, vector<1x16xf32>,
        %get3A_1273 = arith.index_cast %add3A_1202 : i32 to index
        %get3A_1274 = arith.constant 112 : index
        %get3A_1275 = tpu.vector_load %arg11[%get3A_1273, %get3A_1274] {strides = array<i32>} : memref<512x128xf32, #tpu.memory_space<vmem>>, vector<1x16xf32>,
        %get3A_1276 = vector.shape_cast %get3A_1275 : vector<1x16xf32> to vector<16xf32>
        %mul3A_1277 = arith.mulf %get3A_1276, %broadcast_in_dim3A_1197 : vector<16xf32>
        %swap3A_1278 = arith.index_cast %add3A_1202 : i32 to index
        %swap3A_1279 = arith.constant 112 : index
        %swap3A_1280 = tpu.vector_load %arg11[%swap3A_1278, %swap3A_1279] {strides = array<i32>} : memref<512x128xf32, #tpu.memory_space<vmem>>, vector<1x16xf32>,
        %swap3A_1281 = vector.shape_cast %swap3A_1280 : vector<1x16xf32> to vector<16xf32>
        %swap3A_1282 = vector.shape_cast %mul3A_1277 : vector<16xf32> to vector<1x16xf32>
        tpu.vector_store %arg11[%swap3A_1278, %swap3A_1279], %swap3A_1282 {strides = array<i32>} : memref<512x128xf32, #tpu.memory_space<vmem>>, vector<1x16xf32>,
        %slice3A_1283 = vector.extract_strided_slice %sub3A_141 {offsets = [13], sizes = [1], strides = [1]} : vector<16xf32> to vector<1xf32>
        %squeeze3A_1284 = vector.extract %slice3A_1283[0] : f32 from vector<1xf32>
        %broadcast_in_dim3A_1285 = vector.broadcast %squeeze3A_1284 : f32 to vector<16xf32>
        %mul3A_1286 = arith.constant 16 : i32
        %mul3A_1287 = arith.muli %scan3A_131, %mul3A_1286 : i32
        %add3A_1288 = arith.addi %mul3A_90, %mul3A_1287 : i32
        %add3A_1289 = arith.constant 13 : i32
        %add3A_1290 = arith.addi %add3A_1288, %add3A_1289 : i32
        %get3A_1291 = arith.index_cast %add3A_1290 : i32 to index
        %get3A_1292 = arith.constant 0 : index
        %get3A_1293 = tpu.vector_load %arg11[%get3A_1291, %get3A_1292] {strides = array<i32>} : memref<512x128xf32, #tpu.memory_space<vmem>>, vector<1x16xf32>,
        %get3A_1294 = vector.shape_cast %get3A_1293 : vector<1x16xf32> to vector<16xf32>
        %mul3A_1295 = arith.mulf %get3A_1294, %broadcast_in_dim3A_1285 : vector<16xf32>
        %swap3A_1296 = arith.index_cast %add3A_1290 : i32 to index
        %swap3A_1297 = arith.constant 0 : index
        %swap3A_1298 = tpu.vector_load %arg11[%swap3A_1296, %swap3A_1297] {strides = array<i32>} : memref<512x128xf32, #tpu.memory_space<vmem>>, vector<1x16xf32>,
        %swap3A_1299 = vector.shape_cast %swap3A_1298 : vector<1x16xf32> to vector<16xf32>
        %swap3A_1300 = vector.shape_cast %mul3A_1295 : vector<16xf32> to vector<1x16xf32>
        tpu.vector_store %arg11[%swap3A_1296, %swap3A_1297], %swap3A_1300 {strides = array<i32>} : memref<512x128xf32, #tpu.memory_space<vmem>>, vector<1x16xf32>,
        %get3A_1301 = arith.index_cast %add3A_1290 : i32 to index
        %get3A_1302 = arith.constant 16 : index
        %get3A_1303 = tpu.vector_load %arg11[%get3A_1301, %get3A_1302] {strides = array<i32>} : memref<512x128xf32, #tpu.memory_space<vmem>>, vector<1x16xf32>,
        %get3A_1304 = vector.shape_cast %get3A_1303 : vector<1x16xf32> to vector<16xf32>
        %mul3A_1305 = arith.mulf %get3A_1304, %broadcast_in_dim3A_1285 : vector<16xf32>
        %swap3A_1306 = arith.index_cast %add3A_1290 : i32 to index
        %swap3A_1307 = arith.constant 16 : index
        %swap3A_1308 = tpu.vector_load %arg11[%swap3A_1306, %swap3A_1307] {strides = array<i32>} : memref<512x128xf32, #tpu.memory_space<vmem>>, vector<1x16xf32>,
        %swap3A_1309 = vector.shape_cast %swap3A_1308 : vector<1x16xf32> to vector<16xf32>
        %swap3A_1310 = vector.shape_cast %mul3A_1305 : vector<16xf32> to vector<1x16xf32>
        tpu.vector_store %arg11[%swap3A_1306, %swap3A_1307], %swap3A_1310 {strides = array<i32>} : memref<512x128xf32, #tpu.memory_space<vmem>>, vector<1x16xf32>,
        %get3A_1311 = arith.index_cast %add3A_1290 : i32 to index
        %get3A_1312 = arith.constant 32 : index
        %get3A_1313 = tpu.vector_load %arg11[%get3A_1311, %get3A_1312] {strides = array<i32>} : memref<512x128xf32, #tpu.memory_space<vmem>>, vector<1x16xf32>,
        %get3A_1314 = vector.shape_cast %get3A_1313 : vector<1x16xf32> to vector<16xf32>
        %mul3A_1315 = arith.mulf %get3A_1314, %broadcast_in_dim3A_1285 : vector<16xf32>
        %swap3A_1316 = arith.index_cast %add3A_1290 : i32 to index
        %swap3A_1317 = arith.constant 32 : index
        %swap3A_1318 = tpu.vector_load %arg11[%swap3A_1316, %swap3A_1317] {strides = array<i32>} : memref<512x128xf32, #tpu.memory_space<vmem>>, vector<1x16xf32>,
        %swap3A_1319 = vector.shape_cast %swap3A_1318 : vector<1x16xf32> to vector<16xf32>
        %swap3A_1320 = vector.shape_cast %mul3A_1315 : vector<16xf32> to vector<1x16xf32>
        tpu.vector_store %arg11[%swap3A_1316, %swap3A_1317], %swap3A_1320 {strides = array<i32>} : memref<512x128xf32, #tpu.memory_space<vmem>>, vector<1x16xf32>,
        %get3A_1321 = arith.index_cast %add3A_1290 : i32 to index
        %get3A_1322 = arith.constant 48 : index
        %get3A_1323 = tpu.vector_load %arg11[%get3A_1321, %get3A_1322] {strides = array<i32>} : memref<512x128xf32, #tpu.memory_space<vmem>>, vector<1x16xf32>,
        %get3A_1324 = vector.shape_cast %get3A_1323 : vector<1x16xf32> to vector<16xf32>
        %mul3A_1325 = arith.mulf %get3A_1324, %broadcast_in_dim3A_1285 : vector<16xf32>
        %swap3A_1326 = arith.index_cast %add3A_1290 : i32 to index
        %swap3A_1327 = arith.constant 48 : index
        %swap3A_1328 = tpu.vector_load %arg11[%swap3A_1326, %swap3A_1327] {strides = array<i32>} : memref<512x128xf32, #tpu.memory_space<vmem>>, vector<1x16xf32>,
        %swap3A_1329 = vector.shape_cast %swap3A_1328 : vector<1x16xf32> to vector<16xf32>
        %swap3A_1330 = vector.shape_cast %mul3A_1325 : vector<16xf32> to vector<1x16xf32>
        tpu.vector_store %arg11[%swap3A_1326, %swap3A_1327], %swap3A_1330 {strides = array<i32>} : memref<512x128xf32, #tpu.memory_space<vmem>>, vector<1x16xf32>,
        %get3A_1331 = arith.index_cast %add3A_1290 : i32 to index
        %get3A_1332 = arith.constant 64 : index
        %get3A_1333 = tpu.vector_load %arg11[%get3A_1331, %get3A_1332] {strides = array<i32>} : memref<512x128xf32, #tpu.memory_space<vmem>>, vector<1x16xf32>,
        %get3A_1334 = vector.shape_cast %get3A_1333 : vector<1x16xf32> to vector<16xf32>
        %mul3A_1335 = arith.mulf %get3A_1334, %broadcast_in_dim3A_1285 : vector<16xf32>
        %swap3A_1336 = arith.index_cast %add3A_1290 : i32 to index
        %swap3A_1337 = arith.constant 64 : index
        %swap3A_1338 = tpu.vector_load %arg11[%swap3A_1336, %swap3A_1337] {strides = array<i32>} : memref<512x128xf32, #tpu.memory_space<vmem>>, vector<1x16xf32>,
        %swap3A_1339 = vector.shape_cast %swap3A_1338 : vector<1x16xf32> to vector<16xf32>
        %swap3A_1340 = vector.shape_cast %mul3A_1335 : vector<16xf32> to vector<1x16xf32>
        tpu.vector_store %arg11[%swap3A_1336, %swap3A_1337], %swap3A_1340 {strides = array<i32>} : memref<512x128xf32, #tpu.memory_space<vmem>>, vector<1x16xf32>,
        %get3A_1341 = arith.index_cast %add3A_1290 : i32 to index
        %get3A_1342 = arith.constant 80 : index
        %get3A_1343 = tpu.vector_load %arg11[%get3A_1341, %get3A_1342] {strides = array<i32>} : memref<512x128xf32, #tpu.memory_space<vmem>>, vector<1x16xf32>,
        %get3A_1344 = vector.shape_cast %get3A_1343 : vector<1x16xf32> to vector<16xf32>
        %mul3A_1345 = arith.mulf %get3A_1344, %broadcast_in_dim3A_1285 : vector<16xf32>
        %swap3A_1346 = arith.index_cast %add3A_1290 : i32 to index
        %swap3A_1347 = arith.constant 80 : index
        %swap3A_1348 = tpu.vector_load %arg11[%swap3A_1346, %swap3A_1347] {strides = array<i32>} : memref<512x128xf32, #tpu.memory_space<vmem>>, vector<1x16xf32>,
        %swap3A_1349 = vector.shape_cast %swap3A_1348 : vector<1x16xf32> to vector<16xf32>
        %swap3A_1350 = vector.shape_cast %mul3A_1345 : vector<16xf32> to vector<1x16xf32>
        tpu.vector_store %arg11[%swap3A_1346, %swap3A_1347], %swap3A_1350 {strides = array<i32>} : memref<512x128xf32, #tpu.memory_space<vmem>>, vector<1x16xf32>,
        %get3A_1351 = arith.index_cast %add3A_1290 : i32 to index
        %get3A_1352 = arith.constant 96 : index
        %get3A_1353 = tpu.vector_load %arg11[%get3A_1351, %get3A_1352] {strides = array<i32>} : memref<512x128xf32, #tpu.memory_space<vmem>>, vector<1x16xf32>,
        %get3A_1354 = vector.shape_cast %get3A_1353 : vector<1x16xf32> to vector<16xf32>
        %mul3A_1355 = arith.mulf %get3A_1354, %broadcast_in_dim3A_1285 : vector<16xf32>
        %swap3A_1356 = arith.index_cast %add3A_1290 : i32 to index
        %swap3A_1357 = arith.constant 96 : index
        %swap3A_1358 = tpu.vector_load %arg11[%swap3A_1356, %swap3A_1357] {strides = array<i32>} : memref<512x128xf32, #tpu.memory_space<vmem>>, vector<1x16xf32>,
        %swap3A_1359 = vector.shape_cast %swap3A_1358 : vector<1x16xf32> to vector<16xf32>
        %swap3A_1360 = vector.shape_cast %mul3A_1355 : vector<16xf32> to vector<1x16xf32>
        tpu.vector_store %arg11[%swap3A_1356, %swap3A_1357], %swap3A_1360 {strides = array<i32>} : memref<512x128xf32, #tpu.memory_space<vmem>>, vector<1x16xf32>,
        %get3A_1361 = arith.index_cast %add3A_1290 : i32 to index
        %get3A_1362 = arith.constant 112 : index
        %get3A_1363 = tpu.vector_load %arg11[%get3A_1361, %get3A_1362] {strides = array<i32>} : memref<512x128xf32, #tpu.memory_space<vmem>>, vector<1x16xf32>,
        %get3A_1364 = vector.shape_cast %get3A_1363 : vector<1x16xf32> to vector<16xf32>
        %mul3A_1365 = arith.mulf %get3A_1364, %broadcast_in_dim3A_1285 : vector<16xf32>
        %swap3A_1366 = arith.index_cast %add3A_1290 : i32 to index
        %swap3A_1367 = arith.constant 112 : index
        %swap3A_1368 = tpu.vector_load %arg11[%swap3A_1366, %swap3A_1367] {strides = array<i32>} : memref<512x128xf32, #tpu.memory_space<vmem>>, vector<1x16xf32>,
        %swap3A_1369 = vector.shape_cast %swap3A_1368 : vector<1x16xf32> to vector<16xf32>
        %swap3A_1370 = vector.shape_cast %mul3A_1365 : vector<16xf32> to vector<1x16xf32>
        tpu.vector_store %arg11[%swap3A_1366, %swap3A_1367], %swap3A_1370 {strides = array<i32>} : memref<512x128xf32, #tpu.memory_space<vmem>>, vector<1x16xf32>,
        %slice3A_1371 = vector.extract_strided_slice %sub3A_141 {offsets = [14], sizes = [1], strides = [1]} : vector<16xf32> to vector<1xf32>
        %squeeze3A_1372 = vector.extract %slice3A_1371[0] : f32 from vector<1xf32>
        %broadcast_in_dim3A_1373 = vector.broadcast %squeeze3A_1372 : f32 to vector<16xf32>
        %mul3A_1374 = arith.constant 16 : i32
        %mul3A_1375 = arith.muli %scan3A_131, %mul3A_1374 : i32
        %add3A_1376 = arith.addi %mul3A_90, %mul3A_1375 : i32
        %add3A_1377 = arith.constant 14 : i32
        %add3A_1378 = arith.addi %add3A_1376, %add3A_1377 : i32
        %get3A_1379 = arith.index_cast %add3A_1378 : i32 to index
        %get3A_1380 = arith.constant 0 : index
        %get3A_1381 = tpu.vector_load %arg11[%get3A_1379, %get3A_1380] {strides = array<i32>} : memref<512x128xf32, #tpu.memory_space<vmem>>, vector<1x16xf32>,
        %get3A_1382 = vector.shape_cast %get3A_1381 : vector<1x16xf32> to vector<16xf32>
        %mul3A_1383 = arith.mulf %get3A_1382, %broadcast_in_dim3A_1373 : vector<16xf32>
        %swap3A_1384 = arith.index_cast %add3A_1378 : i32 to index
        %swap3A_1385 = arith.constant 0 : index
        %swap3A_1386 = tpu.vector_load %arg11[%swap3A_1384, %swap3A_1385] {strides = array<i32>} : memref<512x128xf32, #tpu.memory_space<vmem>>, vector<1x16xf32>,
        %swap3A_1387 = vector.shape_cast %swap3A_1386 : vector<1x16xf32> to vector<16xf32>
        %swap3A_1388 = vector.shape_cast %mul3A_1383 : vector<16xf32> to vector<1x16xf32>
        tpu.vector_store %arg11[%swap3A_1384, %swap3A_1385], %swap3A_1388 {strides = array<i32>} : memref<512x128xf32, #tpu.memory_space<vmem>>, vector<1x16xf32>,
        %get3A_1389 = arith.index_cast %add3A_1378 : i32 to index
        %get3A_1390 = arith.constant 16 : index
        %get3A_1391 = tpu.vector_load %arg11[%get3A_1389, %get3A_1390] {strides = array<i32>} : memref<512x128xf32, #tpu.memory_space<vmem>>, vector<1x16xf32>,
        %get3A_1392 = vector.shape_cast %get3A_1391 : vector<1x16xf32> to vector<16xf32>
        %mul3A_1393 = arith.mulf %get3A_1392, %broadcast_in_dim3A_1373 : vector<16xf32>
        %swap3A_1394 = arith.index_cast %add3A_1378 : i32 to index
        %swap3A_1395 = arith.constant 16 : index
        %swap3A_1396 = tpu.vector_load %arg11[%swap3A_1394, %swap3A_1395] {strides = array<i32>} : memref<512x128xf32, #tpu.memory_space<vmem>>, vector<1x16xf32>,
        %swap3A_1397 = vector.shape_cast %swap3A_1396 : vector<1x16xf32> to vector<16xf32>
        %swap3A_1398 = vector.shape_cast %mul3A_1393 : vector<16xf32> to vector<1x16xf32>
        tpu.vector_store %arg11[%swap3A_1394, %swap3A_1395], %swap3A_1398 {strides = array<i32>} : memref<512x128xf32, #tpu.memory_space<vmem>>, vector<1x16xf32>,
        %get3A_1399 = arith.index_cast %add3A_1378 : i32 to index
        %get3A_1400 = arith.constant 32 : index
        %get3A_1401 = tpu.vector_load %arg11[%get3A_1399, %get3A_1400] {strides = array<i32>} : memref<512x128xf32, #tpu.memory_space<vmem>>, vector<1x16xf32>,
        %get3A_1402 = vector.shape_cast %get3A_1401 : vector<1x16xf32> to vector<16xf32>
        %mul3A_1403 = arith.mulf %get3A_1402, %broadcast_in_dim3A_1373 : vector<16xf32>
        %swap3A_1404 = arith.index_cast %add3A_1378 : i32 to index
        %swap3A_1405 = arith.constant 32 : index
        %swap3A_1406 = tpu.vector_load %arg11[%swap3A_1404, %swap3A_1405] {strides = array<i32>} : memref<512x128xf32, #tpu.memory_space<vmem>>, vector<1x16xf32>,
        %swap3A_1407 = vector.shape_cast %swap3A_1406 : vector<1x16xf32> to vector<16xf32>
        %swap3A_1408 = vector.shape_cast %mul3A_1403 : vector<16xf32> to vector<1x16xf32>
        tpu.vector_store %arg11[%swap3A_1404, %swap3A_1405], %swap3A_1408 {strides = array<i32>} : memref<512x128xf32, #tpu.memory_space<vmem>>, vector<1x16xf32>,
        %get3A_1409 = arith.index_cast %add3A_1378 : i32 to index
        %get3A_1410 = arith.constant 48 : index
        %get3A_1411 = tpu.vector_load %arg11[%get3A_1409, %get3A_1410] {strides = array<i32>} : memref<512x128xf32, #tpu.memory_space<vmem>>, vector<1x16xf32>,
        %get3A_1412 = vector.shape_cast %get3A_1411 : vector<1x16xf32> to vector<16xf32>
        %mul3A_1413 = arith.mulf %get3A_1412, %broadcast_in_dim3A_1373 : vector<16xf32>
        %swap3A_1414 = arith.index_cast %add3A_1378 : i32 to index
        %swap3A_1415 = arith.constant 48 : index
        %swap3A_1416 = tpu.vector_load %arg11[%swap3A_1414, %swap3A_1415] {strides = array<i32>} : memref<512x128xf32, #tpu.memory_space<vmem>>, vector<1x16xf32>,
        %swap3A_1417 = vector.shape_cast %swap3A_1416 : vector<1x16xf32> to vector<16xf32>
        %swap3A_1418 = vector.shape_cast %mul3A_1413 : vector<16xf32> to vector<1x16xf32>
        tpu.vector_store %arg11[%swap3A_1414, %swap3A_1415], %swap3A_1418 {strides = array<i32>} : memref<512x128xf32, #tpu.memory_space<vmem>>, vector<1x16xf32>,
        %get3A_1419 = arith.index_cast %add3A_1378 : i32 to index
        %get3A_1420 = arith.constant 64 : index
        %get3A_1421 = tpu.vector_load %arg11[%get3A_1419, %get3A_1420] {strides = array<i32>} : memref<512x128xf32, #tpu.memory_space<vmem>>, vector<1x16xf32>,
        %get3A_1422 = vector.shape_cast %get3A_1421 : vector<1x16xf32> to vector<16xf32>
        %mul3A_1423 = arith.mulf %get3A_1422, %broadcast_in_dim3A_1373 : vector<16xf32>
        %swap3A_1424 = arith.index_cast %add3A_1378 : i32 to index
        %swap3A_1425 = arith.constant 64 : index
        %swap3A_1426 = tpu.vector_load %arg11[%swap3A_1424, %swap3A_1425] {strides = array<i32>} : memref<512x128xf32, #tpu.memory_space<vmem>>, vector<1x16xf32>,
        %swap3A_1427 = vector.shape_cast %swap3A_1426 : vector<1x16xf32> to vector<16xf32>
        %swap3A_1428 = vector.shape_cast %mul3A_1423 : vector<16xf32> to vector<1x16xf32>
        tpu.vector_store %arg11[%swap3A_1424, %swap3A_1425], %swap3A_1428 {strides = array<i32>} : memref<512x128xf32, #tpu.memory_space<vmem>>, vector<1x16xf32>,
        %get3A_1429 = arith.index_cast %add3A_1378 : i32 to index
        %get3A_1430 = arith.constant 80 : index
        %get3A_1431 = tpu.vector_load %arg11[%get3A_1429, %get3A_1430] {strides = array<i32>} : memref<512x128xf32, #tpu.memory_space<vmem>>, vector<1x16xf32>,
        %get3A_1432 = vector.shape_cast %get3A_1431 : vector<1x16xf32> to vector<16xf32>
        %mul3A_1433 = arith.mulf %get3A_1432, %broadcast_in_dim3A_1373 : vector<16xf32>
        %swap3A_1434 = arith.index_cast %add3A_1378 : i32 to index
        %swap3A_1435 = arith.constant 80 : index
        %swap3A_1436 = tpu.vector_load %arg11[%swap3A_1434, %swap3A_1435] {strides = array<i32>} : memref<512x128xf32, #tpu.memory_space<vmem>>, vector<1x16xf32>,
        %swap3A_1437 = vector.shape_cast %swap3A_1436 : vector<1x16xf32> to vector<16xf32>
        %swap3A_1438 = vector.shape_cast %mul3A_1433 : vector<16xf32> to vector<1x16xf32>
        tpu.vector_store %arg11[%swap3A_1434, %swap3A_1435], %swap3A_1438 {strides = array<i32>} : memref<512x128xf32, #tpu.memory_space<vmem>>, vector<1x16xf32>,
        %get3A_1439 = arith.index_cast %add3A_1378 : i32 to index
        %get3A_1440 = arith.constant 96 : index
        %get3A_1441 = tpu.vector_load %arg11[%get3A_1439, %get3A_1440] {strides = array<i32>} : memref<512x128xf32, #tpu.memory_space<vmem>>, vector<1x16xf32>,
        %get3A_1442 = vector.shape_cast %get3A_1441 : vector<1x16xf32> to vector<16xf32>
        %mul3A_1443 = arith.mulf %get3A_1442, %broadcast_in_dim3A_1373 : vector<16xf32>
        %swap3A_1444 = arith.index_cast %add3A_1378 : i32 to index
        %swap3A_1445 = arith.constant 96 : index
        %swap3A_1446 = tpu.vector_load %arg11[%swap3A_1444, %swap3A_1445] {strides = array<i32>} : memref<512x128xf32, #tpu.memory_space<vmem>>, vector<1x16xf32>,
        %swap3A_1447 = vector.shape_cast %swap3A_1446 : vector<1x16xf32> to vector<16xf32>
        %swap3A_1448 = vector.shape_cast %mul3A_1443 : vector<16xf32> to vector<1x16xf32>
        tpu.vector_store %arg11[%swap3A_1444, %swap3A_1445], %swap3A_1448 {strides = array<i32>} : memref<512x128xf32, #tpu.memory_space<vmem>>, vector<1x16xf32>,
        %get3A_1449 = arith.index_cast %add3A_1378 : i32 to index
        %get3A_1450 = arith.constant 112 : index
        %get3A_1451 = tpu.vector_load %arg11[%get3A_1449, %get3A_1450] {strides = array<i32>} : memref<512x128xf32, #tpu.memory_space<vmem>>, vector<1x16xf32>,
        %get3A_1452 = vector.shape_cast %get3A_1451 : vector<1x16xf32> to vector<16xf32>
        %mul3A_1453 = arith.mulf %get3A_1452, %broadcast_in_dim3A_1373 : vector<16xf32>
        %swap3A_1454 = arith.index_cast %add3A_1378 : i32 to index
        %swap3A_1455 = arith.constant 112 : index
        %swap3A_1456 = tpu.vector_load %arg11[%swap3A_1454, %swap3A_1455] {strides = array<i32>} : memref<512x128xf32, #tpu.memory_space<vmem>>, vector<1x16xf32>,
        %swap3A_1457 = vector.shape_cast %swap3A_1456 : vector<1x16xf32> to vector<16xf32>
        %swap3A_1458 = vector.shape_cast %mul3A_1453 : vector<16xf32> to vector<1x16xf32>
        tpu.vector_store %arg11[%swap3A_1454, %swap3A_1455], %swap3A_1458 {strides = array<i32>} : memref<512x128xf32, #tpu.memory_space<vmem>>, vector<1x16xf32>,
        %slice3A_1459 = vector.extract_strided_slice %sub3A_141 {offsets = [15], sizes = [1], strides = [1]} : vector<16xf32> to vector<1xf32>
        %squeeze3A_1460 = vector.extract %slice3A_1459[0] : f32 from vector<1xf32>
        %broadcast_in_dim3A_1461 = vector.broadcast %squeeze3A_1460 : f32 to vector<16xf32>
        %mul3A_1462 = arith.constant 16 : i32
        %mul3A_1463 = arith.muli %scan3A_131, %mul3A_1462 : i32
        %add3A_1464 = arith.addi %mul3A_90, %mul3A_1463 : i32
        %add3A_1465 = arith.constant 15 : i32
        %add3A_1466 = arith.addi %add3A_1464, %add3A_1465 : i32
        %get3A_1467 = arith.index_cast %add3A_1466 : i32 to index
        %get3A_1468 = arith.constant 0 : index
        %get3A_1469 = tpu.vector_load %arg11[%get3A_1467, %get3A_1468] {strides = array<i32>} : memref<512x128xf32, #tpu.memory_space<vmem>>, vector<1x16xf32>,
        %get3A_1470 = vector.shape_cast %get3A_1469 : vector<1x16xf32> to vector<16xf32>
        %mul3A_1471 = arith.mulf %get3A_1470, %broadcast_in_dim3A_1461 : vector<16xf32>
        %swap3A_1472 = arith.index_cast %add3A_1466 : i32 to index
        %swap3A_1473 = arith.constant 0 : index
        %swap3A_1474 = tpu.vector_load %arg11[%swap3A_1472, %swap3A_1473] {strides = array<i32>} : memref<512x128xf32, #tpu.memory_space<vmem>>, vector<1x16xf32>,
        %swap3A_1475 = vector.shape_cast %swap3A_1474 : vector<1x16xf32> to vector<16xf32>
        %swap3A_1476 = vector.shape_cast %mul3A_1471 : vector<16xf32> to vector<1x16xf32>
        tpu.vector_store %arg11[%swap3A_1472, %swap3A_1473], %swap3A_1476 {strides = array<i32>} : memref<512x128xf32, #tpu.memory_space<vmem>>, vector<1x16xf32>,
        %get3A_1477 = arith.index_cast %add3A_1466 : i32 to index
        %get3A_1478 = arith.constant 16 : index
        %get3A_1479 = tpu.vector_load %arg11[%get3A_1477, %get3A_1478] {strides = array<i32>} : memref<512x128xf32, #tpu.memory_space<vmem>>, vector<1x16xf32>,
        %get3A_1480 = vector.shape_cast %get3A_1479 : vector<1x16xf32> to vector<16xf32>
        %mul3A_1481 = arith.mulf %get3A_1480, %broadcast_in_dim3A_1461 : vector<16xf32>
        %swap3A_1482 = arith.index_cast %add3A_1466 : i32 to index
        %swap3A_1483 = arith.constant 16 : index
        %swap3A_1484 = tpu.vector_load %arg11[%swap3A_1482, %swap3A_1483] {strides = array<i32>} : memref<512x128xf32, #tpu.memory_space<vmem>>, vector<1x16xf32>,
        %swap3A_1485 = vector.shape_cast %swap3A_1484 : vector<1x16xf32> to vector<16xf32>
        %swap3A_1486 = vector.shape_cast %mul3A_1481 : vector<16xf32> to vector<1x16xf32>
        tpu.vector_store %arg11[%swap3A_1482, %swap3A_1483], %swap3A_1486 {strides = array<i32>} : memref<512x128xf32, #tpu.memory_space<vmem>>, vector<1x16xf32>,
        %get3A_1487 = arith.index_cast %add3A_1466 : i32 to index
        %get3A_1488 = arith.constant 32 : index
        %get3A_1489 = tpu.vector_load %arg11[%get3A_1487, %get3A_1488] {strides = array<i32>} : memref<512x128xf32, #tpu.memory_space<vmem>>, vector<1x16xf32>,
        %get3A_1490 = vector.shape_cast %get3A_1489 : vector<1x16xf32> to vector<16xf32>
        %mul3A_1491 = arith.mulf %get3A_1490, %broadcast_in_dim3A_1461 : vector<16xf32>
        %swap3A_1492 = arith.index_cast %add3A_1466 : i32 to index
        %swap3A_1493 = arith.constant 32 : index
        %swap3A_1494 = tpu.vector_load %arg11[%swap3A_1492, %swap3A_1493] {strides = array<i32>} : memref<512x128xf32, #tpu.memory_space<vmem>>, vector<1x16xf32>,
        %swap3A_1495 = vector.shape_cast %swap3A_1494 : vector<1x16xf32> to vector<16xf32>
        %swap3A_1496 = vector.shape_cast %mul3A_1491 : vector<16xf32> to vector<1x16xf32>
        tpu.vector_store %arg11[%swap3A_1492, %swap3A_1493], %swap3A_1496 {strides = array<i32>} : memref<512x128xf32, #tpu.memory_space<vmem>>, vector<1x16xf32>,
        %get3A_1497 = arith.index_cast %add3A_1466 : i32 to index
        %get3A_1498 = arith.constant 48 : index
        %get3A_1499 = tpu.vector_load %arg11[%get3A_1497, %get3A_1498] {strides = array<i32>} : memref<512x128xf32, #tpu.memory_space<vmem>>, vector<1x16xf32>,
        %get3A_1500 = vector.shape_cast %get3A_1499 : vector<1x16xf32> to vector<16xf32>
        %mul3A_1501 = arith.mulf %get3A_1500, %broadcast_in_dim3A_1461 : vector<16xf32>
        %swap3A_1502 = arith.index_cast %add3A_1466 : i32 to index
        %swap3A_1503 = arith.constant 48 : index
        %swap3A_1504 = tpu.vector_load %arg11[%swap3A_1502, %swap3A_1503] {strides = array<i32>} : memref<512x128xf32, #tpu.memory_space<vmem>>, vector<1x16xf32>,
        %swap3A_1505 = vector.shape_cast %swap3A_1504 : vector<1x16xf32> to vector<16xf32>
        %swap3A_1506 = vector.shape_cast %mul3A_1501 : vector<16xf32> to vector<1x16xf32>
        tpu.vector_store %arg11[%swap3A_1502, %swap3A_1503], %swap3A_1506 {strides = array<i32>} : memref<512x128xf32, #tpu.memory_space<vmem>>, vector<1x16xf32>,
        %get3A_1507 = arith.index_cast %add3A_1466 : i32 to index
        %get3A_1508 = arith.constant 64 : index
        %get3A_1509 = tpu.vector_load %arg11[%get3A_1507, %get3A_1508] {strides = array<i32>} : memref<512x128xf32, #tpu.memory_space<vmem>>, vector<1x16xf32>,
        %get3A_1510 = vector.shape_cast %get3A_1509 : vector<1x16xf32> to vector<16xf32>
        %mul3A_1511 = arith.mulf %get3A_1510, %broadcast_in_dim3A_1461 : vector<16xf32>
        %swap3A_1512 = arith.index_cast %add3A_1466 : i32 to index
        %swap3A_1513 = arith.constant 64 : index
        %swap3A_1514 = tpu.vector_load %arg11[%swap3A_1512, %swap3A_1513] {strides = array<i32>} : memref<512x128xf32, #tpu.memory_space<vmem>>, vector<1x16xf32>,
        %swap3A_1515 = vector.shape_cast %swap3A_1514 : vector<1x16xf32> to vector<16xf32>
        %swap3A_1516 = vector.shape_cast %mul3A_1511 : vector<16xf32> to vector<1x16xf32>
        tpu.vector_store %arg11[%swap3A_1512, %swap3A_1513], %swap3A_1516 {strides = array<i32>} : memref<512x128xf32, #tpu.memory_space<vmem>>, vector<1x16xf32>,
        %get3A_1517 = arith.index_cast %add3A_1466 : i32 to index
        %get3A_1518 = arith.constant 80 : index
        %get3A_1519 = tpu.vector_load %arg11[%get3A_1517, %get3A_1518] {strides = array<i32>} : memref<512x128xf32, #tpu.memory_space<vmem>>, vector<1x16xf32>,
        %get3A_1520 = vector.shape_cast %get3A_1519 : vector<1x16xf32> to vector<16xf32>
        %mul3A_1521 = arith.mulf %get3A_1520, %broadcast_in_dim3A_1461 : vector<16xf32>
        %swap3A_1522 = arith.index_cast %add3A_1466 : i32 to index
        %swap3A_1523 = arith.constant 80 : index
        %swap3A_1524 = tpu.vector_load %arg11[%swap3A_1522, %swap3A_1523] {strides = array<i32>} : memref<512x128xf32, #tpu.memory_space<vmem>>, vector<1x16xf32>,
        %swap3A_1525 = vector.shape_cast %swap3A_1524 : vector<1x16xf32> to vector<16xf32>
        %swap3A_1526 = vector.shape_cast %mul3A_1521 : vector<16xf32> to vector<1x16xf32>
        tpu.vector_store %arg11[%swap3A_1522, %swap3A_1523], %swap3A_1526 {strides = array<i32>} : memref<512x128xf32, #tpu.memory_space<vmem>>, vector<1x16xf32>,
        %get3A_1527 = arith.index_cast %add3A_1466 : i32 to index
        %get3A_1528 = arith.constant 96 : index
        %get3A_1529 = tpu.vector_load %arg11[%get3A_1527, %get3A_1528] {strides = array<i32>} : memref<512x128xf32, #tpu.memory_space<vmem>>, vector<1x16xf32>,
        %get3A_1530 = vector.shape_cast %get3A_1529 : vector<1x16xf32> to vector<16xf32>
        %mul3A_1531 = arith.mulf %get3A_1530, %broadcast_in_dim3A_1461 : vector<16xf32>
        %swap3A_1532 = arith.index_cast %add3A_1466 : i32 to index
        %swap3A_1533 = arith.constant 96 : index
        %swap3A_1534 = tpu.vector_load %arg11[%swap3A_1532, %swap3A_1533] {strides = array<i32>} : memref<512x128xf32, #tpu.memory_space<vmem>>, vector<1x16xf32>,
        %swap3A_1535 = vector.shape_cast %swap3A_1534 : vector<1x16xf32> to vector<16xf32>
        %swap3A_1536 = vector.shape_cast %mul3A_1531 : vector<16xf32> to vector<1x16xf32>
        tpu.vector_store %arg11[%swap3A_1532, %swap3A_1533], %swap3A_1536 {strides = array<i32>} : memref<512x128xf32, #tpu.memory_space<vmem>>, vector<1x16xf32>,
        %get3A_1537 = arith.index_cast %add3A_1466 : i32 to index
        %get3A_1538 = arith.constant 112 : index
        %get3A_1539 = tpu.vector_load %arg11[%get3A_1537, %get3A_1538] {strides = array<i32>} : memref<512x128xf32, #tpu.memory_space<vmem>>, vector<1x16xf32>,
        %get3A_1540 = vector.shape_cast %get3A_1539 : vector<1x16xf32> to vector<16xf32>
        %mul3A_1541 = arith.mulf %get3A_1540, %broadcast_in_dim3A_1461 : vector<16xf32>
        %swap3A_1542 = arith.index_cast %add3A_1466 : i32 to index
        %swap3A_1543 = arith.constant 112 : index
        %swap3A_1544 = tpu.vector_load %arg11[%swap3A_1542, %swap3A_1543] {strides = array<i32>} : memref<512x128xf32, #tpu.memory_space<vmem>>, vector<1x16xf32>,
        %swap3A_1545 = vector.shape_cast %swap3A_1544 : vector<1x16xf32> to vector<16xf32>
        %swap3A_1546 = vector.shape_cast %mul3A_1541 : vector<16xf32> to vector<1x16xf32>
        tpu.vector_store %arg11[%swap3A_1542, %swap3A_1543], %swap3A_1546 {strides = array<i32>} : memref<512x128xf32, #tpu.memory_space<vmem>>, vector<1x16xf32>,
        %scan3A_1547 = arith.constant 0 : i32
        scf.yield %scan3A_1547 : i32
      }
      %scan3A_97 = arith.constant 8 : i32
      %jit3A_98 = arith.constant 4 : i32
      %eq3A_99 = arith.constant 0 : i32
      %eq3A_100 = arith.cmpi eq, %jit3A_98, %eq3A_99 : i32
      %jit3A_101 = arith.constant 1 : i32
      %select_n3A_102 = arith.select %eq3A_100, %jit3A_101, %jit3A_98 : i32
      %rem3A_103 = arith.remsi %scan3A_60, %select_n3A_102 : i32
      %ne3A_104 = arith.constant 0 : i32
      %ne3A_105 = arith.cmpi ne, %rem3A_103, %ne3A_104 : i32
      %lt3A_106 = arith.constant 0 : i32
      %lt3A_107 = arith.cmpi slt, %rem3A_103, %lt3A_106 : i32
      %lt3A_108 = arith.constant 0 : i32
      %lt3A_109 = arith.cmpi slt, %select_n3A_102, %lt3A_108 : i32
      %ne3A_110 = arith.xori %lt3A_107, %lt3A_109 : i1
      %and3A_111 = arith.andi %ne3A_110, %ne3A_105 : i1
      %add3A_112 = arith.addi %rem3A_103, %select_n3A_102 : i32
      %select_n3A_113 = arith.select %and3A_111, %add3A_112, %rem3A_103 : i32
      %mul3A_114 = arith.constant 128 : i32
      %mul3A_115 = arith.muli %select_n3A_113, %mul3A_114 : i32
      %add3A_116 = arith.constant 0 : i32
      %add3A_117 = arith.addi %mul3A_115, %add3A_116 : i32
      %mul3A_118 = arith.constant 1 : i32
      %mul3A_119 = arith.muli %scan3A_60, %mul3A_118 : i32
      %add3A_120 = arith.constant 0 : i32
      %add3A_121 = arith.addi %mul3A_119, %add3A_120 : i32
      %dma_start3A_122 = arith.constant 0 : i32
      %dma_start3A_123 = tpu.memref_slice %arg11[%add3A_117, %dma_start3A_122] : memref<512x128xf32, #tpu.memory_space<vmem>> -> memref<128x128xf32, #tpu.memory_space<vmem>>
      %dma_start3A_124 = arith.constant 0 : i32
      %dma_start3A_125 = tpu.memref_slice %arg8[%add3A_121, %dma_start3A_124] : memref<64x128xi32, #tpu.memory_space<vmem>> -> memref<1x128xi32, #tpu.memory_space<vmem>>
      %dma_start3A_126 = tpu.memref_squeeze %dma_start3A_125 : memref<1x128xi32, #tpu.memory_space<vmem>> -> memref<128xi32, #tpu.memory_space<vmem>>
      %dma_start3A_127 = arith.constant 0 : i32
      %dma_start3A_128 = arith.constant 0 : i32
      %dma_start3A_129 = tpu.memref_slice %arg7[%dma_start3A_127, %dma_start3A_128] : memref<4096x128xf32, #tpu.memory_space<vmem_shared>> -> memref<4096x128xf32, #tpu.memory_space<vmem_shared>>
      tpu.enqueue_indirect_dma source(%dma_start3A_123 : memref<128x128xf32, #tpu.memory_space<vmem>>) target(%dma_start3A_129 : memref<4096x128xf32, #tpu.memory_space<vmem_shared>>) offsets(%dma_start3A_126 : memref<128xi32, #tpu.memory_space<vmem>>) semaphore(%arg13 : memref<!tpu.dma_semaphore, #tpu.memory_space<semaphore_mem>>) {add = true}
      %scan3A_130 = arith.constant 0 : i32
      scf.yield %scan3A_130 : i32
    }
    %scan3A_47 = arith.constant 64 : i32
    %dma_wait3A = arith.constant 0 : i32
    %dma_wait3A_48 = arith.constant 0 : i32
    %dma_wait3A_49 = arith.constant 0 : i32
    %dma_wait3A_50 = tpu.memref_slice %arg11[%dma_wait3A_48, %dma_wait3A_49] : memref<512x128xf32, #tpu.memory_space<vmem>> -> memref<128x128xf32, #tpu.memory_space<vmem>>
    %dma_wait3A_51 = arith.constant 0 : i32
    %dma_wait3A_52 = tpu.memref_slice %arg8[%dma_wait3A, %dma_wait3A_51] : memref<64x128xi32, #tpu.memory_space<vmem>> -> memref<1x128xi32, #tpu.memory_space<vmem>>
    %dma_wait3A_53 = tpu.memref_squeeze %dma_wait3A_52 : memref<1x128xi32, #tpu.memory_space<vmem>> -> memref<128xi32, #tpu.memory_space<vmem>>
    %dma_wait3A_54 = arith.constant 0 : i32
    %dma_wait3A_55 = arith.constant 0 : i32
    %dma_wait3A_56 = tpu.memref_slice %arg7[%dma_wait3A_54, %dma_wait3A_55] : memref<4096x128xf32, #tpu.memory_space<vmem_shared>> -> memref<4096x128xf32, #tpu.memory_space<vmem_shared>>
    tpu.wait_indirect_dma semaphore(%arg13 : memref<!tpu.dma_semaphore, #tpu.memory_space<semaphore_mem>>) src(%dma_wait3A_50 : memref<128x128xf32, #tpu.memory_space<vmem>>) dst(%dma_wait3A_56 : memref<4096x128xf32, #tpu.memory_space<vmem_shared>>)
    %barrier3A_57 = arith.constant 0 : index
    tpu.barrier barrier_id(%barrier3A_57)
    %mul3A_58 = arith.constant 256 : i32
    %mul3A_59 = arith.muli %arg1, %mul3A_58 : i32
    "tpu.region"() ({
      %run_scoped3A = tpu.sem_alloc : memref<!tpu.dma_semaphore, #tpu.memory_space<semaphore_mem>>
      %dma_start3A_60 = arith.constant 0 : i32
      %dma_start3A_61 = tpu.memref_slice %arg6[%arg0, %mul3A_59, %dma_start3A_60] : memref<2x4096x128xf32, #tpu.memory_space<hbm>> -> memref<1x256x128xf32, #tpu.memory_space<hbm>>
      %dma_start3A_62 = tpu.memref_squeeze %dma_start3A_61 : memref<1x256x128xf32, #tpu.memory_space<hbm>> -> memref<256x128xf32, #tpu.memory_space<hbm>>
      %dma_start3A_63 = arith.constant 0 : i32
      %dma_start3A_64 = tpu.memref_slice %arg7[%mul3A_59, %dma_start3A_63] : memref<4096x128xf32, #tpu.memory_space<vmem_shared>> -> memref<256x128xf32, #tpu.memory_space<vmem_shared>>
      tpu.enqueue_dma source(%dma_start3A_64 : memref<256x128xf32, #tpu.memory_space<vmem_shared>>) target(%dma_start3A_62 : memref<256x128xf32, #tpu.memory_space<hbm>>) target_semaphore(%run_scoped3A : memref<!tpu.dma_semaphore, #tpu.memory_space<semaphore_mem>>)
      %dma_wait3A_65 = arith.constant 0 : i32
      %dma_wait3A_66 = tpu.memref_slice %arg6[%arg0, %mul3A_59, %dma_wait3A_65] : memref<2x4096x128xf32, #tpu.memory_space<hbm>> -> memref<1x256x128xf32, #tpu.memory_space<hbm>>
      %dma_wait3A_67 = tpu.memref_squeeze %dma_wait3A_66 : memref<1x256x128xf32, #tpu.memory_space<hbm>> -> memref<256x128xf32, #tpu.memory_space<hbm>>
      %dma_wait3A_68 = arith.constant 0 : i32
      %dma_wait3A_69 = tpu.memref_slice %arg7[%mul3A_59, %dma_wait3A_68] : memref<4096x128xf32, #tpu.memory_space<vmem_shared>> -> memref<256x128xf32, #tpu.memory_space<vmem_shared>>
      tpu.wait_dma2 semaphore(%run_scoped3A : memref<!tpu.dma_semaphore, #tpu.memory_space<semaphore_mem>>) src(%dma_wait3A_69 : memref<256x128xf32, #tpu.memory_space<vmem_shared>>) dst(%dma_wait3A_67 : memref<256x128xf32, #tpu.memory_space<hbm>>)
      tpu.yield
    }) : () -> ()
    return
  }
}

module attributes {stable_mosaic.version = 14 : i64} {
  func.func @_attn_body(%arg0: memref<1x256xf32, #tpu.memory_space<vmem>>, %arg1: memref<4096x256xf32, #tpu.memory_space<vmem>>, %arg2: memref<4096x256xf32, #tpu.memory_space<vmem>>, %arg3: memref<2x16xf32, #tpu.memory_space<vmem>>, %arg4: memref<256x64xf32, #tpu.memory_space<vmem>>, %arg5: memref<256x64xf32, #tpu.memory_space<vmem>>, %arg6: memref<16x64xf32, #tpu.memory_space<vmem>>, %arg7: memref<1x64xf32, #tpu.memory_space<vmem>>, %arg8: memref<64x1xf32, #tpu.memory_space<vmem>>, %arg9: memref<1x1xf32, #tpu.memory_space<vmem>>, %arg10: memref<4096x1xf32, #tpu.memory_space<vmem>>, %arg11: memref<4096x1xf32, #tpu.memory_space<vmem>>, %arg12: memref<1x1xf32, #tpu.memory_space<vmem>>) attributes {dimension_semantics = [], scalar_prefetch = 0 : i64, scratch_operands = 0 : i64, tpu.core_type = #tpu.core_type<tc>} {
    %get3A = arith.constant 0 : index
    %get3A_0 = arith.constant 0 : index
    %get3A_1 = vector.load %arg0[%get3A, %get3A_0] : memref<1x256xf32, #tpu.memory_space<vmem>>, vector<1x256xf32>
    %get3A_2 = arith.constant 0 : index
    %get3A_3 = arith.constant 0 : index
    %get3A_4 = vector.load %arg3[%get3A_2, %get3A_3] : memref<2x16xf32, #tpu.memory_space<vmem>>, vector<2x16xf32>
    %get3A_5 = arith.constant 0 : index
    %get3A_6 = arith.constant 0 : index
    %get3A_7 = vector.load %arg5[%get3A_5, %get3A_6] : memref<256x64xf32, #tpu.memory_space<vmem>>, vector<256x64xf32>
    %get3A_8 = arith.constant 0 : index
    %get3A_9 = arith.constant 0 : index
    %get3A_10 = vector.load %arg9[%get3A_8, %get3A_9] : memref<1x1xf32, #tpu.memory_space<vmem>>, vector<1x1xf32>
    %get3A_11 = vector.extract %get3A_10[0, 0] : f32 from vector<1x1xf32>
    %get3A_12 = arith.constant 0 : index
    %get3A_13 = arith.constant 0 : index
    %get3A_14 = vector.load %arg4[%get3A_12, %get3A_13] : memref<256x64xf32, #tpu.memory_space<vmem>>, vector<256x64xf32>
    %dot_general3A = arith.constant dense<0.000000e+00> : vector<1x64xf32>
    %dot_general3A_15 = tpu.matmul %get3A_1, %get3A_14, %dot_general3A {dimension_numbers = #tpu.dot_dimension_numbers<[1], [0], [0], [1], [0, 0, 1, 1], [], []>, transpose_lhs_hint = false} : vector<1x256xf32>, vector<256x64xf32>, vector<1x64xf32> -> vector<1x64xf32>
    %get3A_16 = arith.constant 0 : index
    %get3A_17 = arith.constant 0 : index
    %get3A_18 = vector.load %arg7[%get3A_16, %get3A_17] : memref<1x64xf32, #tpu.memory_space<vmem>>, vector<1x64xf32>
    %add3A = arith.addf %dot_general3A_15, %get3A_18 : vector<1x64xf32>
    %slice3A = vector.extract_strided_slice %get3A_4 {offsets = [0, 0], sizes = [1, 16], strides = [1, 1]} : vector<2x16xf32> to vector<1x16xf32>
    %get3A_19 = arith.constant 0 : index
    %get3A_20 = arith.constant 0 : index
    %get3A_21 = vector.load %arg6[%get3A_19, %get3A_20] : memref<16x64xf32, #tpu.memory_space<vmem>>, vector<16x64xf32>
    %dot_general3A_22 = arith.constant dense<0.000000e+00> : vector<1x64xf32>
    %dot_general3A_23 = tpu.matmul %slice3A, %get3A_21, %dot_general3A_22 {dimension_numbers = #tpu.dot_dimension_numbers<[1], [0], [0], [1], [0, 0, 1, 1], [], []>, transpose_lhs_hint = false} : vector<1x16xf32>, vector<16x64xf32>, vector<1x64xf32> -> vector<1x64xf32>
    %add3A_24 = arith.addf %add3A, %dot_general3A_23 : vector<1x64xf32>
    %slice3A_25 = vector.extract_strided_slice %get3A_4 {offsets = [1, 0], sizes = [1, 16], strides = [1, 1]} : vector<2x16xf32> to vector<1x16xf32>
    %get3A_26 = arith.constant 0 : index
    %get3A_27 = arith.constant 0 : index
    %get3A_28 = vector.load %arg6[%get3A_26, %get3A_27] : memref<16x64xf32, #tpu.memory_space<vmem>>, vector<16x64xf32>
    %dot_general3A_29 = arith.constant dense<0.000000e+00> : vector<1x64xf32>
    %dot_general3A_30 = tpu.matmul %slice3A_25, %get3A_28, %dot_general3A_29 {dimension_numbers = #tpu.dot_dimension_numbers<[1], [0], [0], [1], [0, 0, 1, 1], [], []>, transpose_lhs_hint = false} : vector<1x16xf32>, vector<16x64xf32>, vector<1x64xf32> -> vector<1x64xf32>
    %add3A_31 = arith.addf %add3A, %dot_general3A_30 : vector<1x64xf32>
    %get3A_32 = arith.constant 0 : index
    %get3A_33 = arith.constant 0 : index
    %get3A_34 = vector.load %arg1[%get3A_32, %get3A_33] : memref<4096x256xf32, #tpu.memory_space<vmem>>, vector<4096x256xf32>
    %dot_general3A_35 = arith.constant dense<0.000000e+00> : vector<4096x64xf32>
    %dot_general3A_36 = tpu.matmul %get3A_34, %get3A_7, %dot_general3A_35 {dimension_numbers = #tpu.dot_dimension_numbers<[1], [0], [0], [1], [0, 0, 1, 1], [], []>, transpose_lhs_hint = false} : vector<4096x256xf32>, vector<256x64xf32>, vector<4096x64xf32> -> vector<4096x64xf32>
    %add3A_37 = vector.broadcast %add3A_24 : vector<1x64xf32> to vector<4096x64xf32>
    %add3A_38 = arith.addf %dot_general3A_36, %add3A_37 : vector<4096x64xf32>
    %ge3A = arith.constant 0.000000e+00 : f32
    %ge3A_39 = vector.broadcast %ge3A : f32 to vector<4096x64xf32>
    %ge3A_40 = arith.cmpf oge, %add3A_38, %ge3A_39 : vector<4096x64xf32>
    %mul3A = arith.constant 2.000000e-01 : f32
    %mul3A_41 = vector.broadcast %mul3A : f32 to vector<4096x64xf32>
    %mul3A_42 = arith.mulf %mul3A_41, %add3A_38 : vector<4096x64xf32>
    %select_n3A = arith.select %ge3A_40, %add3A_38, %mul3A_42 : vector<4096x64xi1>, vector<4096x64xf32>
    %get3A_43 = arith.constant 0 : index
    %get3A_44 = arith.constant 0 : index
    %get3A_45 = vector.load %arg8[%get3A_43, %get3A_44] : memref<64x1xf32, #tpu.memory_space<vmem>>, vector<64x1xf32>
    %dot_general3A_46 = arith.constant dense<0.000000e+00> : vector<4096x1xf32>
    %dot_general3A_47 = tpu.matmul %select_n3A, %get3A_45, %dot_general3A_46 {dimension_numbers = #tpu.dot_dimension_numbers<[1], [0], [0], [1], [0, 0, 1, 1], [], []>, transpose_lhs_hint = false} : vector<4096x64xf32>, vector<64x1xf32>, vector<4096x1xf32> -> vector<4096x1xf32>
    %add3A_48 = vector.broadcast %get3A_11 : f32 to vector<4096x1xf32>
    %add3A_49 = arith.addf %dot_general3A_47, %add3A_48 : vector<4096x1xf32>
    %get3A_50 = arith.constant 0 : index
    %get3A_51 = arith.constant 0 : index
    %get3A_52 = vector.load %arg2[%get3A_50, %get3A_51] : memref<4096x256xf32, #tpu.memory_space<vmem>>, vector<4096x256xf32>
    %dot_general3A_53 = arith.constant dense<0.000000e+00> : vector<4096x64xf32>
    %dot_general3A_54 = tpu.matmul %get3A_52, %get3A_7, %dot_general3A_53 {dimension_numbers = #tpu.dot_dimension_numbers<[1], [0], [0], [1], [0, 0, 1, 1], [], []>, transpose_lhs_hint = false} : vector<4096x256xf32>, vector<256x64xf32>, vector<4096x64xf32> -> vector<4096x64xf32>
    %add3A_55 = vector.broadcast %add3A_31 : vector<1x64xf32> to vector<4096x64xf32>
    %add3A_56 = arith.addf %dot_general3A_54, %add3A_55 : vector<4096x64xf32>
    %ge3A_57 = arith.constant 0.000000e+00 : f32
    %ge3A_58 = vector.broadcast %ge3A_57 : f32 to vector<4096x64xf32>
    %ge3A_59 = arith.cmpf oge, %add3A_56, %ge3A_58 : vector<4096x64xf32>
    %mul3A_60 = arith.constant 2.000000e-01 : f32
    %mul3A_61 = vector.broadcast %mul3A_60 : f32 to vector<4096x64xf32>
    %mul3A_62 = arith.mulf %mul3A_61, %add3A_56 : vector<4096x64xf32>
    %select_n3A_63 = arith.select %ge3A_59, %add3A_56, %mul3A_62 : vector<4096x64xi1>, vector<4096x64xf32>
    %get3A_64 = arith.constant 0 : index
    %get3A_65 = arith.constant 0 : index
    %get3A_66 = vector.load %arg8[%get3A_64, %get3A_65] : memref<64x1xf32, #tpu.memory_space<vmem>>, vector<64x1xf32>
    %dot_general3A_67 = arith.constant dense<0.000000e+00> : vector<4096x1xf32>
    %dot_general3A_68 = tpu.matmul %select_n3A_63, %get3A_66, %dot_general3A_67 {dimension_numbers = #tpu.dot_dimension_numbers<[1], [0], [0], [1], [0, 0, 1, 1], [], []>, transpose_lhs_hint = false} : vector<4096x64xf32>, vector<64x1xf32>, vector<4096x1xf32> -> vector<4096x1xf32>
    %add3A_69 = vector.broadcast %get3A_11 : f32 to vector<4096x1xf32>
    %add3A_70 = arith.addf %dot_general3A_68, %add3A_69 : vector<4096x1xf32>
    %reduce_max3A = vector.shape_cast %add3A_49 : vector<4096x1xf32> to vector<1x4096x1xf32>
    %reduce_max3A_71 = arith.constant dense<0xFF800000> : vector<1xf32>
    %reduce_max3A_72 = vector.multi_reduction <maximumf>, %reduce_max3A, %reduce_max3A_71 [1, 2] : vector<1x4096x1xf32> to vector<1xf32>
    %reduce_max3A_73 = vector.shape_cast %reduce_max3A_72 : vector<1xf32> to vector<1x1x1xf32>
    %reduce_max3A_74 = vector.extract %reduce_max3A_73[0, 0, 0] : f32 from vector<1x1x1xf32>
    %reduce_max3A_75 = vector.shape_cast %add3A_70 : vector<4096x1xf32> to vector<1x4096x1xf32>
    %reduce_max3A_76 = arith.constant dense<0xFF800000> : vector<1xf32>
    %reduce_max3A_77 = vector.multi_reduction <maximumf>, %reduce_max3A_75, %reduce_max3A_76 [1, 2] : vector<1x4096x1xf32> to vector<1xf32>
    %reduce_max3A_78 = vector.shape_cast %reduce_max3A_77 : vector<1xf32> to vector<1x1x1xf32>
    %reduce_max3A_79 = vector.extract %reduce_max3A_78[0, 0, 0] : f32 from vector<1x1x1xf32>
    %max3A = arith.maximumf %reduce_max3A_74, %reduce_max3A_79 : f32
    %sub3A = vector.broadcast %max3A : f32 to vector<4096x1xf32>
    %sub3A_80 = arith.subf %add3A_49, %sub3A : vector<4096x1xf32>
    %exp3A = math.exp %sub3A_80 : vector<4096x1xf32>
    %sub3A_81 = vector.broadcast %max3A : f32 to vector<4096x1xf32>
    %sub3A_82 = arith.subf %add3A_70, %sub3A_81 : vector<4096x1xf32>
    %exp3A_83 = math.exp %sub3A_82 : vector<4096x1xf32>
    %reduce_sum3A = vector.shape_cast %exp3A : vector<4096x1xf32> to vector<1x4096x1xf32>
    %reduce_sum3A_84 = arith.constant dense<0.000000e+00> : vector<1xf32>
    %reduce_sum3A_85 = vector.multi_reduction <add>, %reduce_sum3A, %reduce_sum3A_84 [1, 2] : vector<1x4096x1xf32> to vector<1xf32>
    %reduce_sum3A_86 = vector.shape_cast %reduce_sum3A_85 : vector<1xf32> to vector<1x1x1xf32>
    %reduce_sum3A_87 = vector.extract %reduce_sum3A_86[0, 0, 0] : f32 from vector<1x1x1xf32>
    %reduce_sum3A_88 = vector.shape_cast %exp3A_83 : vector<4096x1xf32> to vector<1x4096x1xf32>
    %reduce_sum3A_89 = arith.constant dense<0.000000e+00> : vector<1xf32>
    %reduce_sum3A_90 = vector.multi_reduction <add>, %reduce_sum3A_88, %reduce_sum3A_89 [1, 2] : vector<1x4096x1xf32> to vector<1xf32>
    %reduce_sum3A_91 = vector.shape_cast %reduce_sum3A_90 : vector<1xf32> to vector<1x1x1xf32>
    %reduce_sum3A_92 = vector.extract %reduce_sum3A_91[0, 0, 0] : f32 from vector<1x1x1xf32>
    %add3A_93 = arith.addf %reduce_sum3A_87, %reduce_sum3A_92 : f32
    %swap3A = arith.constant 0 : index
    %swap3A_94 = arith.constant 0 : index
    %swap3A_95 = vector.load %arg10[%swap3A, %swap3A_94] : memref<4096x1xf32, #tpu.memory_space<vmem>>, vector<4096x1xf32>
    tpu.vector_store %arg10[%swap3A, %swap3A_94], %exp3A {strides = array<i32>} : memref<4096x1xf32, #tpu.memory_space<vmem>>, vector<4096x1xf32>,
    %swap3A_96 = arith.constant 0 : index
    %swap3A_97 = arith.constant 0 : index
    %swap3A_98 = vector.load %arg11[%swap3A_96, %swap3A_97] : memref<4096x1xf32, #tpu.memory_space<vmem>>, vector<4096x1xf32>
    tpu.vector_store %arg11[%swap3A_96, %swap3A_97], %exp3A_83 {strides = array<i32>} : memref<4096x1xf32, #tpu.memory_space<vmem>>, vector<4096x1xf32>,
    %broadcast_in_dim3A = vector.broadcast %add3A_93 : f32 to vector<1x1xf32>
    %swap3A_99 = arith.constant 0 : index
    %swap3A_100 = arith.constant 0 : index
    %swap3A_101 = vector.load %arg12[%swap3A_99, %swap3A_100] : memref<1x1xf32, #tpu.memory_space<vmem>>, vector<1x1xf32>
    tpu.vector_store %arg12[%swap3A_99, %swap3A_100], %broadcast_in_dim3A {strides = array<i32>} : memref<1x1xf32, #tpu.memory_space<vmem>>, vector<1x1xf32>,
    return
  }
}

module attributes {stable_mosaic.version = 14 : i64} {
  func.func @_combine_body(%arg0: memref<1x256xf32, #tpu.memory_space<vmem>>, %arg1: memref<4096x1xf32, #tpu.memory_space<vmem>>, %arg2: memref<4096x1xf32, #tpu.memory_space<vmem>>, %arg3: memref<1x1xf32, #tpu.memory_space<vmem>>, %arg4: memref<2x4096x128xf32, #tpu.memory_space<vmem>>, %arg5: memref<128x256xf32, #tpu.memory_space<vmem>>, %arg6: memref<1x256xf32, #tpu.memory_space<vmem>>, %arg7: memref<1x1xf32, #tpu.memory_space<vmem>>, %arg8: memref<256x256xf32, #tpu.memory_space<vmem>>, %arg9: memref<1x256xf32, #tpu.memory_space<vmem>>, %arg10: memref<1x256xf32, #tpu.memory_space<vmem>>, %arg11: memref<1x256xf32, #tpu.memory_space<vmem>>, %arg12: memref<1x256xf32, #tpu.memory_space<vmem>>, %arg13: memref<4096x128xf32, #tpu.memory_space<vmem>>, %arg14: memref<4096x128xf32, #tpu.memory_space<vmem>>) attributes {dimension_semantics = [], scalar_prefetch = 0 : i64, scratch_operands = 0 : i64, tpu.core_type = #tpu.core_type<tc>} {
    %get3A = arith.constant 0 : index
    %get3A_0 = arith.constant 0 : index
    %get3A_1 = vector.load %arg0[%get3A, %get3A_0] : memref<1x256xf32, #tpu.memory_space<vmem>>, vector<1x256xf32>
    %get3A_2 = arith.constant 0 : index
    %get3A_3 = arith.constant 0 : index
    %get3A_4 = vector.load %arg3[%get3A_2, %get3A_3] : memref<1x1xf32, #tpu.memory_space<vmem>>, vector<1x1xf32>
    %get3A_5 = vector.extract %get3A_4[0, 0] : f32 from vector<1x1xf32>
    %get3A_6 = arith.constant 0 : index
    %get3A_7 = arith.constant 0 : index
    %get3A_8 = arith.constant 0 : index
    %get3A_9 = vector.load %arg4[%get3A_6, %get3A_7, %get3A_8] : memref<2x4096x128xf32, #tpu.memory_space<vmem>>, vector<1x4096x128xf32>
    %get3A_10 = vector.shape_cast %get3A_9 : vector<1x4096x128xf32> to vector<4096x128xf32>
    %get3A_11 = arith.constant 1 : index
    %get3A_12 = arith.constant 0 : index
    %get3A_13 = arith.constant 0 : index
    %get3A_14 = vector.load %arg4[%get3A_11, %get3A_12, %get3A_13] : memref<2x4096x128xf32, #tpu.memory_space<vmem>>, vector<1x4096x128xf32>
    %get3A_15 = vector.shape_cast %get3A_14 : vector<1x4096x128xf32> to vector<4096x128xf32>
    %swap3A = arith.constant 0 : index
    %swap3A_16 = arith.constant 0 : index
    %swap3A_17 = vector.load %arg13[%swap3A, %swap3A_16] : memref<4096x128xf32, #tpu.memory_space<vmem>>, vector<4096x128xf32>
    tpu.vector_store %arg13[%swap3A, %swap3A_16], %get3A_10 {strides = array<i32>} : memref<4096x128xf32, #tpu.memory_space<vmem>>, vector<4096x128xf32>,
    %swap3A_18 = arith.constant 0 : index
    %swap3A_19 = arith.constant 0 : index
    %swap3A_20 = vector.load %arg14[%swap3A_18, %swap3A_19] : memref<4096x128xf32, #tpu.memory_space<vmem>>, vector<4096x128xf32>
    tpu.vector_store %arg14[%swap3A_18, %swap3A_19], %get3A_15 {strides = array<i32>} : memref<4096x128xf32, #tpu.memory_space<vmem>>, vector<4096x128xf32>,
    %get3A_21 = arith.constant 0 : index
    %get3A_22 = arith.constant 0 : index
    %get3A_23 = vector.load %arg1[%get3A_21, %get3A_22] : memref<4096x1xf32, #tpu.memory_space<vmem>>, vector<4096x1xf32>
    %transpose3A = tpu.transpose %get3A_23, [1, 0] : vector<4096x1xf32> -> vector<1x4096xf32>
    %dot_general3A = arith.constant dense<0.000000e+00> : vector<1x128xf32>
    %dot_general3A_24 = tpu.matmul %transpose3A, %get3A_10, %dot_general3A {dimension_numbers = #tpu.dot_dimension_numbers<[1], [0], [0], [1], [0, 0, 1, 1], [], []>, transpose_lhs_hint = false} : vector<1x4096xf32>, vector<4096x128xf32>, vector<1x128xf32> -> vector<1x128xf32>
    %get3A_25 = arith.constant 0 : index
    %get3A_26 = arith.constant 0 : index
    %get3A_27 = vector.load %arg2[%get3A_25, %get3A_26] : memref<4096x1xf32, #tpu.memory_space<vmem>>, vector<4096x1xf32>
    %transpose3A_28 = tpu.transpose %get3A_27, [1, 0] : vector<4096x1xf32> -> vector<1x4096xf32>
    %dot_general3A_29 = arith.constant dense<0.000000e+00> : vector<1x128xf32>
    %dot_general3A_30 = tpu.matmul %transpose3A_28, %get3A_15, %dot_general3A_29 {dimension_numbers = #tpu.dot_dimension_numbers<[1], [0], [0], [1], [0, 0, 1, 1], [], []>, transpose_lhs_hint = false} : vector<1x4096xf32>, vector<4096x128xf32>, vector<1x128xf32> -> vector<1x128xf32>
    %add3A = arith.addf %dot_general3A_24, %dot_general3A_30 : vector<1x128xf32>
    %div3A = vector.broadcast %get3A_5 : f32 to vector<1x128xf32>
    %div3A_31 = arith.divf %add3A, %div3A : vector<1x128xf32>
    %get3A_32 = arith.constant 0 : index
    %get3A_33 = arith.constant 0 : index
    %get3A_34 = vector.load %arg5[%get3A_32, %get3A_33] : memref<128x256xf32, #tpu.memory_space<vmem>>, vector<128x256xf32>
    %dot_general3A_35 = arith.constant dense<0.000000e+00> : vector<1x256xf32>
    %dot_general3A_36 = tpu.matmul %div3A_31, %get3A_34, %dot_general3A_35 {dimension_numbers = #tpu.dot_dimension_numbers<[1], [0], [0], [1], [0, 0, 1, 1], [], []>, transpose_lhs_hint = false} : vector<1x128xf32>, vector<128x256xf32>, vector<1x256xf32> -> vector<1x256xf32>
    %get3A_37 = arith.constant 0 : index
    %get3A_38 = arith.constant 0 : index
    %get3A_39 = vector.load %arg6[%get3A_37, %get3A_38] : memref<1x256xf32, #tpu.memory_space<vmem>>, vector<1x256xf32>
    %add3A_40 = arith.addf %dot_general3A_36, %get3A_39 : vector<1x256xf32>
    %get3A_41 = arith.constant 0 : index
    %get3A_42 = arith.constant 0 : index
    %get3A_43 = vector.load %arg7[%get3A_41, %get3A_42] : memref<1x1xf32, #tpu.memory_space<vmem>>, vector<1x1xf32>
    %get3A_44 = vector.extract %get3A_43[0, 0] : f32 from vector<1x1xf32>
    %ge3A = arith.constant 0.000000e+00 : f32
    %ge3A_45 = vector.broadcast %ge3A : f32 to vector<1x256xf32>
    %ge3A_46 = arith.cmpf oge, %add3A_40, %ge3A_45 : vector<1x256xf32>
    %mul3A = vector.broadcast %get3A_44 : f32 to vector<1x256xf32>
    %mul3A_47 = arith.mulf %mul3A, %add3A_40 : vector<1x256xf32>
    %select_n3A = arith.select %ge3A_46, %add3A_40, %mul3A_47 : vector<1x256xi1>, vector<1x256xf32>
    %get3A_48 = arith.constant 0 : index
    %get3A_49 = arith.constant 0 : index
    %get3A_50 = vector.load %arg8[%get3A_48, %get3A_49] : memref<256x256xf32, #tpu.memory_space<vmem>>, vector<256x256xf32>
    %dot_general3A_51 = arith.constant dense<0.000000e+00> : vector<1x256xf32>
    %dot_general3A_52 = tpu.matmul %select_n3A, %get3A_50, %dot_general3A_51 {dimension_numbers = #tpu.dot_dimension_numbers<[1], [0], [0], [1], [0, 0, 1, 1], [], []>, transpose_lhs_hint = false} : vector<1x256xf32>, vector<256x256xf32>, vector<1x256xf32> -> vector<1x256xf32>
    %get3A_53 = arith.constant 0 : index
    %get3A_54 = arith.constant 0 : index
    %get3A_55 = vector.load %arg9[%get3A_53, %get3A_54] : memref<1x256xf32, #tpu.memory_space<vmem>>, vector<1x256xf32>
    %add3A_56 = arith.addf %dot_general3A_52, %get3A_55 : vector<1x256xf32>
    %add3A_57 = arith.addf %get3A_1, %add3A_56 : vector<1x256xf32>
    %reduce_sum3A = arith.constant dense<0.000000e+00> : vector<1xf32>
    %reduce_sum3A_58 = vector.multi_reduction <add>, %add3A_57, %reduce_sum3A [1] : vector<1x256xf32> to vector<1xf32>
    %broadcast_in_dim3A = vector.shape_cast %reduce_sum3A_58 : vector<1xf32> to vector<1x1xf32>
    %div3A_59 = arith.constant 2.560000e+02 : f32
    %div3A_60 = vector.broadcast %div3A_59 : f32 to vector<1x1xf32>
    %div3A_61 = arith.divf %broadcast_in_dim3A, %div3A_60 : vector<1x1xf32>
    %sub3A = vector.broadcast %div3A_61 : vector<1x1xf32> to vector<1x256xf32>
    %sub3A_62 = arith.subf %add3A_57, %sub3A : vector<1x256xf32>
    %integer_pow3A = arith.mulf %sub3A_62, %sub3A_62 : vector<1x256xf32>
    %reduce_sum3A_63 = arith.constant dense<0.000000e+00> : vector<1xf32>
    %reduce_sum3A_64 = vector.multi_reduction <add>, %integer_pow3A, %reduce_sum3A_63 [1] : vector<1x256xf32> to vector<1xf32>
    %broadcast_in_dim3A_65 = vector.shape_cast %reduce_sum3A_64 : vector<1xf32> to vector<1x1xf32>
    %div3A_66 = arith.constant 2.560000e+02 : f32
    %div3A_67 = vector.broadcast %div3A_66 : f32 to vector<1x1xf32>
    %div3A_68 = arith.divf %broadcast_in_dim3A_65, %div3A_67 : vector<1x1xf32>
    %sub3A_69 = vector.broadcast %div3A_61 : vector<1x1xf32> to vector<1x256xf32>
    %sub3A_70 = arith.subf %add3A_57, %sub3A_69 : vector<1x256xf32>
    %add3A_71 = arith.constant 9.99999974E-6 : f32
    %add3A_72 = vector.broadcast %add3A_71 : f32 to vector<1x1xf32>
    %add3A_73 = arith.addf %div3A_68, %add3A_72 : vector<1x1xf32>
    %sqrt3A = math.sqrt %add3A_73 : vector<1x1xf32>
    %div3A_74 = vector.broadcast %sqrt3A : vector<1x1xf32> to vector<1x256xf32>
    %div3A_75 = arith.divf %sub3A_70, %div3A_74 : vector<1x256xf32>
    %get3A_76 = arith.constant 0 : index
    %get3A_77 = arith.constant 0 : index
    %get3A_78 = vector.load %arg10[%get3A_76, %get3A_77] : memref<1x256xf32, #tpu.memory_space<vmem>>, vector<1x256xf32>
    %mul3A_79 = arith.mulf %div3A_75, %get3A_78 : vector<1x256xf32>
    %get3A_80 = arith.constant 0 : index
    %get3A_81 = arith.constant 0 : index
    %get3A_82 = vector.load %arg11[%get3A_80, %get3A_81] : memref<1x256xf32, #tpu.memory_space<vmem>>, vector<1x256xf32>
    %add3A_83 = arith.addf %mul3A_79, %get3A_82 : vector<1x256xf32>
    %swap3A_84 = arith.constant 0 : index
    %swap3A_85 = arith.constant 0 : index
    %swap3A_86 = vector.load %arg12[%swap3A_84, %swap3A_85] : memref<1x256xf32, #tpu.memory_space<vmem>>, vector<1x256xf32>
    tpu.vector_store %arg12[%swap3A_84, %swap3A_85], %add3A_83 {strides = array<i32>} : memref<1x256xf32, #tpu.memory_space<vmem>>, vector<1x256xf32>,
    return
  }
}

</mosaic_0001>

<sc_bundles>
// kernel: kernel.5.cloned.1.call-start
scs
__scs_entry_jumppad:
0x0: {  	(pc) =	sbr.rel $0x88, $3  }
0x1: {  	(tag) =	ssettag $0x0;
	lr =	simm.s32 $0x1  }
0x2: {  	[smem:$0x3F8D] =	sst lr;
	_ =	strace $0xD0000000  }
0x3: {  	_ = 	snop  }
0x4: {  	_ = 	snop  }
0x5: {  	_ = 	snop  }
0x6: {  	_ = 	snop  }
0x7: {  	_ = 	snop  }
__scs_overlays_trampoline_lowered:
0x8: {  	[smem:$0x3F9C] =	sst s0  }
0x9: {  	[smem:$0x3F9D] =	sst s1  }
0xa: {  	[smem:$0x3F9E] =	sst s2  }
0xb: {  	[smem:$0x3F9F] =	sst s3  }
0xc: {  	[smem:$0x3FA0] =	sst s4  }
0xd: {  	[smem:$0x3FA1] =	sst s5  }
0xe: {  	[smem:$0x3FA2] =	sst s6  }
0xf: {  	[smem:$0x3FA3] =	sst s7  }
0x10: {  	[smem:$0x3FA4] =	sst s8  }
0x11: {  	[smem:$0x3FA5] =	sst s9;
	s0 =	simm.s32 @!p0 $0x0  }
0x12: {  	s1 =	sld [smem:$0x3F8B];
	s0 =	simm.s32 @p0 $0x1  }
0x13: {  	[smem:$0x3FA6] =	sst s0;
	s0 =	simm.s32 @!p1 $0x0  }
0x14: {  	s2 =	sld [smem:$0x3F8A];
	s0 =	simm.s32 @p1 $0x1  }
0x15: {  	[smem:$0x3FA7] =	sst s0;
	s0 =	simm.s32 @!p2 $0x0  }
0x16: {  	s3 =	sld [smem:$0x3FDB];
	s0 =	simm.s32 @p2 $0x1  }
0x17: {  	s4 =	simm.s32 $0x1BF5;
	[smem:$0x3FA9] =	sst s0  }
0x18: {  	s0 =	sld [smem:$0x3F8C];
	_ =	swait.ge [sflag:s4], $0x0  }
0x19: {  	s7 =	sld [smem:$0x3F8D]  }
0x1a: {  	s8 =	sadd.s32 $0xFFFFE003, lr  }
0x1b: {  	s9 =	sadd.s32 $0xFFFFFEF7, lr;
	s5 =	simm.s32 $0xFFFFFFFF;
	p2 =	slt.u32 s8, $0xFFFFF086  }
0x1c: {  	p1 =	slt.u32 s9, $0xF7A;
	s5 =	simm.s32 @!p2 $0x0  }
0x1d: {  	s5 =	simm.s32 @p1 $0x1;
	p0 =	seq.s32 s7, s2  }
0x1e: {  	s7 =	smul.u32 @!p0 $0xF7A, s2;
	p2 =	seq.s32 @!p0 s5, $0x0  }
0x1f: {  	s9 =	smul.u32 $0xF7A, s1;
	s8 =	simm.s32 @!p0 $0x1BF5;
	p2 =	por !p2, p0  }
0x20: {  	[sflag:s8] =	ssyncset.s32 @!p0 $0xFFFFF086;
	s6 =	sadd.s32 @!p0 s3, s7;
	s7 =	simm.s32 @!p0 $0x108  }
0x21: {  	s3 =	sadd.s32 s3, s9;
	s6 =	sadd.s32 @!p0 $0x88, s6;
	s7 =	simm.s32 @p2 $0x1082  }
0x22: {  	[simem:s7], [sflag:s8] =	dma.local @!p0 [hbm:s6], $0xF7A  }
0x23: {  	s9 =	sor.u32 $0xD0000000, s2;
	s6 =	simm.s32 $0x108;
	_ =	swait.ge @!p0 [sflag:s8], $0x0  }
0x24: {  	s3 =	sadd.s32 $0x88, s3;
	s6 =	simm.s32 @!p1 $0x1082;
	[sflag:s4] =	ssyncset.s32 $0xFFFFF086  }
0x25: {  	[simem:s6], [sflag:s4] =	dma.local [hbm:s3], $0xF7A  }
0x26: {  	[smem:$0x3F8D] =	sst s1;
	(tag) =	ssettag s2;
	_ =	strace s9  }
0x27: {  	s1 =	sld [smem:$0x3F9D]  }
0x28: {  	s2 =	sld [smem:$0x3F9E]  }
0x29: {  	s4 =	sld [smem:$0x3FA0]  }
0x2a: {  	p0 =	seq.s32 s5, $0x0;
	s5 =	sld [smem:$0x3FA1]  }
0x2b: {  	s6 =	sld [smem:$0x3FA2]  }
0x2c: {  	s7 =	sld [smem:$0x3FA3]  }
0x2d: {  	s3 =	simm.s32 $0x108;
	s8 =	sld [smem:$0x3FA4]  }
0x2e: {  	s3 =	simm.s32 @!p0 $0x1082;
	s9 =	sld [smem:$0x3FA5]  }
0x2f: {  	lr =	sadd.s32 s0, s3;
	s0 =	sld [smem:$0x3F9C]  }
0x30: {  	s3 =	sld [smem:$0x3F9F]  }
0x31: {  	[smem:$0x3FA8] =	sst s10  }
0x32: {  	s10 =	sld [smem:$0x3FA6];
	_ =	sdelay $0x3  }
0x33: {  	p0 =	seq.s32 s10, $0x1;
	s10 =	sld [smem:$0x3FA8];
	_ =	sdelay $0x3  }
0x34: {  	[smem:$0x3FA8] =	sst s10  }
0x35: {  	s10 =	sld [smem:$0x3FA7];
	_ =	sdelay $0x3  }
0x36: {  	p1 =	seq.s32 s10, $0x1;
	s10 =	sld [smem:$0x3FA8];
	_ =	sdelay $0x3  }
0x37: {  	[smem:$0x3FA8] =	sst s10  }
0x38: {  	s10 =	sld [smem:$0x3FA9]  }
0x39: {  	_ = 	snop;
	(pc) =	sbr.ind lr, $3  }
0x3a: {  	_ = 	snop  }
0x3b: {  	_ = 	snop  }
0x3c: {  	p2 =	seq.s32 s10, $0x1;
	s10 =	sld [smem:$0x3FA8]  }
0x3d: {  	_ =	shalt  }
0x3e: {  	_ =	shalt  }
0x3f: {  	_ =	shalt  }
0x40: {  	_ =	shalt  }
0x41: {  	_ =	shalt  }
0x42: {  	_ =	shalt  }
0x43: {  	_ =	shalt  }
0x44: {  	_ =	shalt  }
0x45: {  	_ =	shalt  }
0x46: {  	_ =	shalt  }
0x47: {  	_ =	shalt  }
0x48: {  	_ =	shalt  }
0x49: {  	_ =	shalt  }
0x4a: {  	_ =	shalt  }
0x4b: {  	_ =	shalt  }
0x4c: {  	_ =	shalt  }
0x4d: {  	_ =	shalt  }
0x4e: {  	_ =	shalt  }
0x4f: {  	_ =	shalt  }
0x50: {  	_ =	shalt  }
0x51: {  	_ =	shalt  }
0x52: {  	_ =	shalt  }
0x53: {  	_ =	shalt  }
0x54: {  	_ =	shalt  }
0x55: {  	_ =	shalt  }
0x56: {  	_ =	shalt  }
0x57: {  	_ =	shalt  }
0x58: {  	_ =	shalt  }
0x59: {  	_ =	shalt  }
0x5a: {  	_ =	shalt  }
0x5b: {  	_ =	shalt  }
0x5c: {  	_ =	shalt  }
0x5d: {  	_ =	shalt  }
0x5e: {  	_ =	shalt  }
0x5f: {  	_ =	shalt  }
0x60: {  	_ =	shalt  }
0x61: {  	_ =	shalt  }
0x62: {  	_ =	shalt  }
0x63: {  	_ =	shalt  }
0x64: {  	_ =	shalt  }
0x65: {  	_ =	shalt  }
0x66: {  	_ =	shalt  }
0x67: {  	_ =	shalt  }
0x68: {  	_ =	shalt  }
0x69: {  	_ =	shalt  }
0x6a: {  	_ =	shalt  }
0x6b: {  	_ =	shalt  }
0x6c: {  	_ =	shalt  }
0x6d: {  	_ =	shalt  }
0x6e: {  	_ =	shalt  }
0x6f: {  	_ =	shalt  }
0x70: {  	_ =	shalt  }
0x71: {  	_ =	shalt  }
0x72: {  	_ =	shalt  }
0x73: {  	_ =	shalt  }
0x74: {  	_ =	shalt  }
0x75: {  	_ =	shalt  }
0x76: {  	_ =	shalt  }
0x77: {  	_ =	shalt  }
0x78: {  	_ =	shalt  }
0x79: {  	_ =	shalt  }
0x7a: {  	_ =	shalt  }
0x7b: {  	_ =	shalt  }
0x7c: {  	_ =	shalt  }
0x7d: {  	_ =	shalt  }
0x7e: {  	_ =	shalt  }
0x7f: {  	_ =	shalt  }
0x80: {  	_ =	shalt  }
0x81: {  	_ =	shalt  }
0x82: {  	_ =	shalt  }
0x83: {  	_ =	shalt  }
0x84: {  	_ =	shalt  }
0x85: {  	_ =	shalt  }
0x86: {  	_ =	shalt  }
0x87: {  	_ =	shalt  }
.Lfunc_end0:
.L_simem_size_0:
called_computation_lowered:
.L_overlay_start_0:
0x88: {  	s2 =	sld [smem:$0x3FD9]  }
0x89: {  	s3 =	sld [smem:$0x3FFE];
	_ =	sdelay $0x1  }
0x8a: {  	s1 =	srdreg.scid  }
0x8b: {  	s0 =	sand.u32 $0x1, s1  }
0x8c: {  	s14 =	sshll.u32 s0, $0xA;
	s2 =	sadd.s32 s3, s2  }
0x8d: {  	s2 =	sadd.s32 s2, s14  }
0x8e: {  	[smem:$0x3FB4] =	sst s2  }
0x8f: {  	_ = 	snop  }
0x90: {  	s2 =	sld [smem:$0x3FD0];
	_ =	sdelay $0x2  }
0x91: {  	s4 =	simm.s32 $0xA;
	s5 =	simm.s32 $0x10;
	s15 =	sld [smem:$0x3FC2]  }
0x92: {  	[smem:s5], [sflag:s4] =	dma.local [hbm:s2], $0x1  }
0x93: {  	_ =	swait.eq [sflag:s4], $0x1  }
0x94: {  	[sflag:s4] =	ssyncset.done $0x0  }
0x95: {  	s16 =	sld [smem:$0x11];
	[sflag:s4] =	ssyncadd.s32 $0xFFFFFFFF  }
0x96: {  	s17 =	sld [smem:$0x12];
	(tm) =	ssettm $0x1  }
0x97: {  	s18 =	sld [smem:$0x3FFB];
	_ =	sdelay $0x3  }
0x98: {  	_ =	strace s18  }
0x99: {  	s5 =	sld [smem:$0x3FFC];
	_ =	sdelay $0x3  }
0x9a: {  	_ =	strace s5  }
0x9b: {  	s5 =	sld [smem:$0x3FFD];
	_ =	sdelay $0x3  }
0x9c: {  	_ =	strace s5  }
0x9d: {  	_ =	strace $0x8FFFFFFF  }
0x9e: {  	s19 =	sld [smem:$0x3FDB];
	_ =	sdelay $0x1  }
0x9f: {  	s6 =	simm.s32 $_scs_section_size  }
0xa0: {  	s7 =	simm.s32 $_size__tile_overlayer_lowered;
	s8 =	simm.s32 $_tile_overlayer_lowered  }
0xa1: {  	s22 =	simm.s32 $0x1BFF;
	s21 =	sshll.u32 s8, $0x1;
	s5 =	sadd.s32 s6, s19  }
0xa2: {  	s9 =	simm.s32 $0x0;
	s20 =	sshll.u32 s7, $0x1;
	s7 =	sadd.s32 s21, s5  }
0xa3: {  	[timem:s9], [sflag:s22] =	dma.local [hbm:s7], s20  }
0xa4: {  	_ =	swait.ge [sflag:s22], s20  }
0xa5: {  	s6 =	ssub.s32 $0x0, s20;
	[sflag:s22] =	ssyncset.done $0x0  }
0xa6: {  	[sflag:s22] =	ssyncadd.s32 s6;
	_ =	sdelay $0x1  }
0xa7: {  	s23 =	simm.s32 $0x1B8B  }
0xa8: {  	_ =	swait.ge [sflag:s23], $0x1  }
0xa9: {  	[sflag:s23] =	ssyncset.done $0x0  }
0xaa: {  	s25 =	simm.s32 $0x1B8E;
	s24 =	sld [smem:$0x3FFE];
	[sflag:s23] =	ssyncadd.s32 $0xFFFFFFFF  }
0xab: {  	s26 =	simm.s32 $execute0_lowered;
	[smem:$0x3FD2] =	sst s25  }
0xac: {  	s7 =	sshll.u32 s26, $0x1;
	_ =	strace $0x80000046;
	[dreg:$0x1] =	wrdreg $0xFFFFFFFF  }
0xad: {  	s28 =	simm.s32 $_size_execute0_lowered;
	s5 =	sadd.s32 s5, s7;
	[dreg:$0x0] =	wrdreg $0x0  }
0xae: {  	s7 =	sshll.u32 s28, $0x1;
	[dreg:$0x2] =	wrdreg s5  }
0xaf: {  	[dreg:$0x3] =	wrdreg s7  }
0xb0: {  	[dreg:$0x4] =	wrdreg $0xC0  }
0xb1: {  	_ =	task [dreg:s9], $0x5FFFF  }
0xb2: {  	[dreg:$0x1] =	wrdreg $0xFFFFFFFF  }
0xb3: {  	[dreg:$0x0] =	wrdreg $0x60  }
0xb4: {  	[dreg:$0x2] =	wrdreg s15  }
0xb5: {  	[dreg:$0x3] =	wrdreg s17  }
0xb6: {  	[dreg:$0x4] =	wrdreg s16  }
0xb7: {  	[dreg:$0x5] =	wrdreg s24  }
0xb8: {  	[dreg:$0x6] =	wrdreg $0x0  }
0xb9: {  	[dreg:$0x7] =	wrdreg $0x9  }
0xba: {  	_ =	task.clear_ibuf [dreg:s9], $0x8FFFF;
	_ =	strace $0x90000046  }
0xbb: {  	s29 =	simm.s32 $0x9;
	_ =	strace $0x80000048  }
0xbc: {  	_ =	swait.ge [sflag:s29], $0x1  }
0xbd: {  	[sflag:s29] =	ssyncadd.s32 $0xFFFFFFFF  }
0xbe: {  	_ =	strace $0x90000048  }
0xbf: {  	_ =	sfence  }
0xc0: {  	s30 =	sld [smem:$0x0];
	_ =	sdelay $0x2  }
0xc1: {  	s31 =	sshll.u32 s1, $0xD;
	s1 =	sshrl.u32 s1, $0x2  }
0xc2: {  	s3 =	sand.u32 $0x4000, s31;
	s1 =	sadd.s32 s1, s30  }
0xc3: {  	s0 =	sor.u32 s3, s0;
	s1 =	sshll.u32 s1, $0x11  }
0xc4: {  	s0 =	sor.u32 s1, s0  }
0xc5: {  	s0 =	sadd.s32 $0x8F2B, s0  }
0xc6: {  	[sflag:s0] =	ssyncadd.remote.s32 $0x1  }
0xc7: {  	_ =	sfence.sel $0xFFFF  }
0xc8: {  	[dreg:$0x0] =	wrdreg $0xFFFFFFFF;
	(pc) =	sbr.abs _section_cstart, $3  }
0xc9: {  	[dreg:$0x1] =	wrdreg $0xFFFFFFFF  }
0xca: {  	_ =	task.clear_ibuf [dreg:s9], $0x2FFFF;
	_ =	strace $0x9FFFFFFF  }
0xcb: {  	(tm) =	ssettm $0x7FFFFFFF  }
tec
execute0_lowered:
.L_overlay_start_1:
0x0: {  	(tag) =	ssettag $0x1  }
0x1: {  	s1 =	rddreg [dreg:$0x0]  }
0x2: {  	s6 =	rddreg [dreg:$0x1]  }
0x3: {  	s5 =	rddreg [dreg:$0x2]  }
0x4: {  	s7 =	rddreg [dreg:$0x3]  }
0x5: {  	s2 =	rddreg [dreg:$0x4]  }
0x6: {  	s4 =	srdreg.scid;
	s0 =	rddreg [dreg:$0x5];
	s3 =	simm.s32 $0x0  }
0x7: {  	s15 =	simm.s32 $0x100;
	s16 =	simm.s32 $0xC000;
	s17 =	simm.s32 $0xE000  }
0x8: {  	s18 =	simm.s32 $0xA080;
	s19 =	simm.s32 $0x12000;
	s20 =	simm.s32 $0xA100  }
0x9: {  	s21 =	simm.s32 $0x16000;
	s22 =	simm.s32 $0x1;
	s23 =	simm.s32 $0x2  }
0xa: {  	s24 =	simm.s32 $0x0;
	s8 =	sand.u32 $0x1, s4;
	[smem:$0x7FF] =	sst s3  }
0xb: {  	s4 =	sshll.u32 s8, $0x4;
	_ =	strace $0x80000047;
	s10 =	ssub.s32 $0x2, s8  }
0xc: {  	s11 =	sshll.u32 s8, $0xE;
	s9 =	sadd.s32 s4, s7;
	s4 =	stileid.u32  }
0xd: {  	s8 =	sshll.u32 s8, $0x10;
	s14 =	sshrl.u32 s10, $0x1;
	s12 =	sshll.u32 s4, $0xA  }
0xe: {  	s13 =	sshll.u32 s4, $0xC;
	s10 =	ssub.s32 s10, s14;
	s29 =	sshll.u32 s4, $0xB  }
0xf: {  	s30 =	sshll.u32 s4, $0xF;
	s14 =	simm.s32 $0x80;
	s11 =	sor.u32 s12, s11  }
0x10: {  	s7 =	sadd.s32 s13, s7;
	s9 =	sadd.s32 s29, s9;
	s10 =	smax.u32 s10, $0x1  }
0x11: {  	s12 =	simm.s32 $0x3;
	s13 =	simm.s32 $0x8000;
	s5 =	sadd.s32 s5, s11  }
0x12: {  	s6 =	sadd.s32 s6, s11;
	s31 =	sadd.s32 s8, s7;
	s7 =	sadd.s32 $0x3400, s9  }
0x13: {  	v0 =	vimm.f32 $0.0e+00;
	s8 =	sadd.s32 s30, s2;
	s11 =	simm.s32 $0xA000;
	s9 =	sadd.s32 $0xB400, s31  }
.LBB2_1:
0x14: {  	[tilespmem:s11], [sflag:$0x3] =	stream.linear.gather [hbm4b:s5+s3], $0x2000, $0x38;
	[tilespmem:$0x1E000] =	vst v63  }
0x15: {  	_ =	swait.ge [sflag:s12], $0x2000  }
0x16: {  	[sflag:s12] =	ssyncset.done $0x0  }
0x17: {  	[sflag:s12] =	ssyncadd.s32 $0xFFFFE000  }
0x18: {  	[tilespmem:s13], [sflag:$0x3] =	stream.linear.gather [hbm4b:s6+s3], $0x2000, $0x38;
	[tilespmem:$0x1E000] =	vst v63  }
0x19: {  	_ =	swait.ge [sflag:s12], $0x2000  }
0x1a: {  	[sflag:s12] =	ssyncset.done $0x0  }
0x1b: {  	[sflag:s12] =	ssyncadd.s32 $0xFFFFE000  }
0x1c: {  	[tilespmem:s16], [sflag:$0x3] =	stream.strided.gather [hbm4b:s7+s14], $0x2000, s15, s14, $0x38;
	[tilespmem:$0x1E000] =	vst v63  }
0x1d: {  	_ =	swait.ge [sflag:s12], $0x2000  }
0x1e: {  	[sflag:s12] =	ssyncset.done $0x0  }
0x1f: {  	s25 =	simm.s32 $0x0;
	s26 =	simm.s32 $0x200;
	[sflag:s12] =	ssyncadd.s32 $0xFFFFE000  }
.LBB2_2:
0x20: {  	p0 =	sne.s32 s26, $0x1FE00;
	[tilespmem:s25+$0xE070] =	vst v0  }
0x21: {  	[tilespmem:s25+$0xE000] =	vst v0  }
0x22: {  	[tilespmem:s25+$0xE010] =	vst v0  }
.Ltmp0:
0x23: {  	[tilespmem:s25+$0xE020] =	vst v0;
	(pc) =	sbr.rel @p0 .LBB2_2-.Ltmp0, $4  }
0x24: {  	[tilespmem:s25+$0xE030] =	vst v0  }
0x25: {  	[tilespmem:s25+$0xE040] =	vst v0  }
0x26: {  	[tilespmem:s25+$0xE050] =	vst v0  }
0x27: {  	[tilespmem:s25+$0xE060] =	vst v0;
	s25 =	sshra.s32 s26, $0x2;
	s26 =	sadd.s32 $0x200, s26  }
0x28: {  	[tilespmem:s25+$0xE070] =	vst v0  }
0x29: {  	[tilespmem:s25+$0xE000] =	vst v0  }
0x2a: {  	[tilespmem:s25+$0xE010] =	vst v0  }
0x2b: {  	[tilespmem:s25+$0xE020] =	vst v0  }
0x2c: {  	[tilespmem:s25+$0xE030] =	vst v0  }
0x2d: {  	[tilespmem:s25+$0xE040] =	vst v0  }
0x2e: {  	[tilespmem:s25+$0xE050] =	vst v0  }
0x2f: {  	[tilespmem:s25+$0xE060] =	vst v0  }
0x30: {  	[spmem:s8] =	stream.linear.scatter [tilespmem:s17], [sflag:$0x3], $0x8000, $0x38;
	[tilespmem:$0x1E000] =	vst v63  }
0x31: {  	_ =	swait.ge [sflag:s12], $0x8000  }
0x32: {  	[sflag:s12] =	ssyncset.done $0x0  }
0x33: {  	[sflag:s12] =	ssyncadd.s32 $0xFFFF8000  }
0x34: {  	[bflag:$0x0] =	sbarrier.arrive $0xFFFF  }
0x35: {  	[tilespmem:s17], [sflag:$0x1] =	stream.indirect.gather [hbm4b:s1+s14], $0x80, s11, s14, $0xb8;
	[tilespmem:$0x1E000] =	vst v63  }
0x36: {  	_ = 	snop  }
0x37: {  	[tilespmem:s19], [sflag:$0x1] =	stream.indirect.gather [hbm4b:s1+s14], $0x80, s18, s14, $0xb8;
	[tilespmem:$0x1E000] =	vst v63  }
0x38: {  	s25 =	simm.s32 $0x0  }
0x39: {  	[tilespmem:s21], [sflag:$0x1] =	stream.indirect.gather [hbm4b:s1+s14], $0x80, s20, s14, $0xb8;
	[tilespmem:$0x1E000] =	vst v63  }
.LBB2_4:
0x3a: {  	_ =	swait.ge [sflag:s22], $0x4000  }
0x3b: {  	p0 =	seq.s32 s25, $0x0;
	[sflag:s22] =	ssyncset.done $0x0  }
0x3c: {  	s26 =	simm.s32 @!p0 $0x2;
	[sflag:s22] =	ssyncadd.s32 $0xFFFFC000  }
0x3d: {  	p1 =	sgt.u32 @!p0 s25, $0x3C;
	_ =	swait.ge @!p0 [sflag:s26], $0x4000  }
0x3e: {  	p1 =	por p0, !p1;
	[sflag:s26] =	ssyncset.done @!p0 $0x0  }
0x3f: {  	[sflag:s26] =	ssyncadd.s32 @!p0 $0xFFFFC000;
	s26 =	sadd.s32 @p1 $0x3, s25  }
0x40: {  	s28 =	sshll.u32 @p1 s26, $0xE;
	s26 =	sshll.u32 @p1 s26, $0x7  }
0x41: {  	s28 =	sand.u32 @p1 $0xC000, s28;
	s26 =	sand.u32 @p1 $0x3FFFFF80, s26  }
0x42: {  	s31 =	sshll.u32 s25, $0x9;
	s28 =	sadd.s32 @p1 $0xE000, s28;
	s26 =	sadd.s32 @p1 $0xA000, s26  }
0x43: {  	[tilespmem:s28], [sflag:$0x1] =	stream.indirect.gather @p1 [hbm4b:s1+s14], $0x80, s26, s14, $0xb8;
	[tilespmem:$0x1E000] =	vst v63  }
0x44: {  	s26 =	sshrl.u32 s31, $0x2  }
0x45: {  	s30 =	sadd.s32 $0xC000, s26  }
0x46: {  	v1 =	vmov s30;
	_ =	sdelay $0x1  }
0x47: {  	s28 =	sshll.u32 s25, $0x7  }
0x48: {  	s29 =	simm.s32 $0x0;
	s28 =	sand.u32 $0x180, s28  }
.LBB2_5:
0x49: {  	s30 =	sshll.u32 s29, $0x4  }
0x4a: {  	v2 =	vld.idx.msk [tilespmem:v1+s30+$0x0 ss:$0x1], $0xffff  }
0x4b: {  	s30 =	sadd.s32 s28, s30  }
0x4c: {  	s30 =	sshll.u32 s30, $0x7  }
0x4d: {  	s30 =	sand.u32 $0x3FFFFF80, s30  }
0x4e: {  	v3 =	vld [tilespmem:s30+$0xE000]  }
0x4f: {  	v4 =	vld [tilespmem:s30+$0xE010];
	v2 =	vadd.f32 $-6.000000000e+00, v2  }
0x50: {  	v5 =	vld [tilespmem:s30+$0xE020]  }
0x51: {  	v7 =	vld [tilespmem:s30+$0xE030];
	v6 =	vbroadcast v2, $0x0  }
0x52: {  	v8 =	vld [tilespmem:s30+$0xE040]  }
0x53: {  	v9 =	vld [tilespmem:s30+$0xE050];
	v3 =	vmul.f32 v6, v3  }
0x54: {  	v10 =	vld [tilespmem:s30+$0xE060];
	v4 =	vmul.f32 v4, v6  }
0x55: {  	v24 =	vld [tilespmem:s30+$0xE070];
	[tilespmem:s30+$0xE000] =	vst v3;
	v3 =	vmul.f32 v5, v6  }
0x56: {  	v26 =	vld [tilespmem:s30+$0xE080];
	v25 =	vmul.f32 v7, v6;
	[tilespmem:s30+$0xE010] =	vst v4  }
0x57: {  	v27 =	vld [tilespmem:s30+$0xE090];
	[tilespmem:s30+$0xE020] =	vst v3;
	v3 =	vmul.f32 v8, v6  }
0x58: {  	v29 =	vld [tilespmem:s30+$0xE0A0];
	v28 =	vmul.f32 v9, v6;
	[tilespmem:s30+$0xE030] =	vst v25  }
0x59: {  	v11 =	vld [tilespmem:s30+$0xE0B0];
	v30 =	vbroadcast v2, $0x1;
	[tilespmem:s30+$0xE040] =	vst v3;
	v3 =	vmul.f32 v10, v6  }
0x5a: {  	v32 =	vld [tilespmem:s30+$0xE0C0];
	v31 =	vmul.f32 v24, v6;
	[tilespmem:s30+$0xE050] =	vst v28  }
0x5b: {  	v33 =	vld [tilespmem:s30+$0xE0D0];
	[tilespmem:s30+$0xE060] =	vst v3;
	v3 =	vmul.f32 v26, v30  }
0x5c: {  	v35 =	vld [tilespmem:s30+$0xE0E0];
	v34 =	vmul.f32 v27, v30;
	[tilespmem:s30+$0xE070] =	vst v31  }
0x5d: {  	v36 =	vld [tilespmem:s30+$0xE0F0];
	[tilespmem:s30+$0xE080] =	vst v3;
	v3 =	vmul.f32 v29, v30  }
0x5e: {  	v38 =	vld [tilespmem:s30+$0xE100];
	v37 =	vmul.f32 v11, v30;
	[tilespmem:s30+$0xE090] =	vst v34  }
0x5f: {  	v39 =	vld [tilespmem:s30+$0xE110];
	[tilespmem:s30+$0xE0A0] =	vst v3;
	v3 =	vmul.f32 v32, v30  }
0x60: {  	v41 =	vld [tilespmem:s30+$0xE120];
	v40 =	vmul.f32 v33, v30;
	[tilespmem:s30+$0xE0B0] =	vst v37  }
0x61: {  	v43 =	vld [tilespmem:s30+$0xE130];
	v42 =	vbroadcast v2, $0x2;
	[tilespmem:s30+$0xE0C0] =	vst v3;
	v3 =	vmul.f32 v35, v30  }
0x62: {  	v45 =	vld [tilespmem:s30+$0xE140];
	v44 =	vmul.f32 v36, v30;
	[tilespmem:s30+$0xE0D0] =	vst v40  }
0x63: {  	v46 =	vld [tilespmem:s30+$0xE150];
	[tilespmem:s30+$0xE0E0] =	vst v3;
	v3 =	vmul.f32 v38, v42  }
0x64: {  	v48 =	vld [tilespmem:s30+$0xE160];
	v47 =	vmul.f32 v39, v42;
	[tilespmem:s30+$0xE0F0] =	vst v44  }
0x65: {  	v49 =	vld [tilespmem:s30+$0xE170];
	[tilespmem:s30+$0xE100] =	vst v3;
	v3 =	vmul.f32 v41, v42  }
0x66: {  	v51 =	vld [tilespmem:s30+$0xE180];
	v50 =	vmul.f32 v43, v42;
	[tilespmem:s30+$0xE110] =	vst v47  }
0x67: {  	v52 =	vld [tilespmem:s30+$0xE190];
	[tilespmem:s30+$0xE120] =	vst v3;
	v3 =	vmul.f32 v45, v42  }
0x68: {  	v54 =	vld [tilespmem:s30+$0xE1A0];
	v53 =	vmul.f32 v46, v42;
	[tilespmem:s30+$0xE130] =	vst v50  }
0x69: {  	v56 =	vld [tilespmem:s30+$0xE1B0];
	v55 =	vbroadcast v2, $0x3;
	[tilespmem:s30+$0xE140] =	vst v3;
	v3 =	vmul.f32 v48, v42  }
0x6a: {  	v58 =	vld [tilespmem:s30+$0xE1C0];
	v57 =	vmul.f32 v49, v42;
	[tilespmem:s30+$0xE150] =	vst v53  }
0x6b: {  	v59 =	vld [tilespmem:s30+$0xE1D0];
	[tilespmem:s30+$0xE160] =	vst v3;
	v3 =	vmul.f32 v51, v55  }
0x6c: {  	v61 =	vld [tilespmem:s30+$0xE1E0];
	v60 =	vmul.f32 v52, v55;
	[tilespmem:s30+$0xE170] =	vst v57  }
0x6d: {  	v62 =	vld [tilespmem:s30+$0xE1F0];
	[tilespmem:s30+$0xE180] =	vst v3;
	v3 =	vmul.f32 v54, v55  }
0x6e: {  	v12 =	vld [tilespmem:s30+$0xE200];
	v63 =	vmul.f32 v56, v55;
	[tilespmem:s30+$0xE190] =	vst v60  }
0x6f: {  	v13 =	vld [tilespmem:s30+$0xE210];
	[tilespmem:s30+$0xE1A0] =	vst v3;
	v3 =	vmul.f32 v58, v55  }
0x70: {  	v15 =	vld [tilespmem:s30+$0xE220];
	v14 =	vmul.f32 v59, v55;
	[tilespmem:s30+$0xE1B0] =	vst v63  }
0x71: {  	v17 =	vld [tilespmem:s30+$0xE230];
	v16 =	vbroadcast v2, $0x4;
	[tilespmem:s30+$0xE1C0] =	vst v3;
	v3 =	vmul.f32 v61, v55  }
0x72: {  	v19 =	vld [tilespmem:s30+$0xE240];
	v18 =	vmul.f32 v62, v55;
	[tilespmem:s30+$0xE1D0] =	vst v14  }
0x73: {  	v20 =	vld [tilespmem:s30+$0xE250];
	[tilespmem:s30+$0xE1E0] =	vst v3;
	v3 =	vmul.f32 v12, v16  }
0x74: {  	v22 =	vld [tilespmem:s30+$0xE260];
	v21 =	vmul.f32 v13, v16;
	[tilespmem:s30+$0xE1F0] =	vst v18  }
0x75: {  	v23 =	vld [tilespmem:s30+$0xE270];
	[tilespmem:s30+$0xE200] =	vst v3;
	v3 =	vmul.f32 v15, v16  }
0x76: {  	v24 =	vmul.f32 v17, v16;
	[tilespmem:s30+$0xE210] =	vst v21;
	v25 =	vld [tilespmem:s30+$0xE280]  }
0x77: {  	v33 =	vld [tilespmem:s30+$0xE2D0];
	[tilespmem:s30+$0xE220] =	vst v3;
	v3 =	vmul.f32 v19, v16  }
0x78: {  	v27 =	vmul.f32 v20, v16;
	[tilespmem:s30+$0xE230] =	vst v24;
	v28 =	vld [tilespmem:s30+$0xE2A0]  }
0x79: {  	v36 =	vld [tilespmem:s30+$0xE2F0];
	v29 =	vbroadcast v2, $0x5;
	[tilespmem:s30+$0xE240] =	vst v3;
	v3 =	vmul.f32 v22, v16  }
0x7a: {  	[tilespmem:s30+$0xE250] =	vst v27;
	v31 =	vmul.f32 v23, v16;
	v32 =	vld [tilespmem:s30+$0xE2C0]  }
0x7b: {  	v26 =	vld [tilespmem:s30+$0xE290];
	[tilespmem:s30+$0xE260] =	vst v3;
	v3 =	vmul.f32 v25, v29  }
0x7c: {  	[tilespmem:s30+$0xE270] =	vst v31;
	v40 =	vmul.f32 v33, v29;
	v35 =	vld [tilespmem:s30+$0xE2E0]  }
0x7d: {  	v30 =	vld [tilespmem:s30+$0xE2B0];
	[tilespmem:s30+$0xE280] =	vst v3;
	v3 =	vmul.f32 v28, v29  }
0x7e: {  	v44 =	vmul.f32 v36, v29;
	[tilespmem:s30+$0xE2D0] =	vst v40;
	v38 =	vld [tilespmem:s30+$0xE300]  }
0x7f: {  	v39 =	vld [tilespmem:s30+$0xE310];
	[tilespmem:s30+$0xE2A0] =	vst v3;
	v3 =	vmul.f32 v32, v29  }
0x80: {  	v34 =	vmul.f32 v26, v29;
	[tilespmem:s30+$0xE2F0] =	vst v44;
	v41 =	vld [tilespmem:s30+$0xE320]  }
0x81: {  	v43 =	vld [tilespmem:s30+$0xE330];
	v42 =	vbroadcast v2, $0x6;
	[tilespmem:s30+$0xE2C0] =	vst v3;
	v3 =	vmul.f32 v35, v29  }
0x82: {  	[tilespmem:s30+$0xE290] =	vst v34;
	v37 =	vmul.f32 v30, v29;
	v45 =	vld [tilespmem:s30+$0xE340]  }
0x83: {  	v46 =	vld [tilespmem:s30+$0xE350];
	[tilespmem:s30+$0xE2E0] =	vst v3;
	v3 =	vmul.f32 v38, v42  }
0x84: {  	[tilespmem:s30+$0xE2B0] =	vst v37;
	v48 =	vld [tilespmem:s30+$0xE360];
	v47 =	vmul.f32 v39, v42  }
0x85: {  	v49 =	vld [tilespmem:s30+$0xE370];
	[tilespmem:s30+$0xE300] =	vst v3;
	v3 =	vmul.f32 v41, v42  }
0x86: {  	v50 =	vmul.f32 v43, v42;
	v51 =	vld [tilespmem:s30+$0xE380];
	[tilespmem:s30+$0xE310] =	vst v47  }
0x87: {  	v52 =	vld [tilespmem:s30+$0xE390];
	[tilespmem:s30+$0xE320] =	vst v3;
	v3 =	vmul.f32 v45, v42  }
0x88: {  	v53 =	vmul.f32 v46, v42;
	[tilespmem:s30+$0xE330] =	vst v50;
	v54 =	vld [tilespmem:s30+$0xE3A0]  }
0x89: {  	v56 =	vld [tilespmem:s30+$0xE3B0];
	v55 =	vbroadcast v2, $0x7;
	[tilespmem:s30+$0xE340] =	vst v3;
	v3 =	vmul.f32 v48, v42  }
0x8a: {  	v57 =	vmul.f32 v49, v42;
	[tilespmem:s30+$0xE350] =	vst v53;
	v58 =	vld [tilespmem:s30+$0xE3C0]  }
0x8b: {  	v59 =	vld [tilespmem:s30+$0xE3D0];
	[tilespmem:s30+$0xE360] =	vst v3;
	v3 =	vmul.f32 v51, v55  }
0x8c: {  	[tilespmem:s30+$0xE370] =	vst v57;
	v61 =	vld [tilespmem:s30+$0xE3E0];
	v60 =	vmul.f32 v52, v55  }
0x8d: {  	v62 =	vld [tilespmem:s30+$0xE3F0];
	[tilespmem:s30+$0xE380] =	vst v3;
	v3 =	vmul.f32 v54, v55  }
0x8e: {  	v63 =	vmul.f32 v56, v55;
	v12 =	vld [tilespmem:s30+$0xE400];
	[tilespmem:s30+$0xE390] =	vst v60  }
0x8f: {  	v13 =	vld [tilespmem:s30+$0xE410];
	[tilespmem:s30+$0xE3A0] =	vst v3;
	v3 =	vmul.f32 v58, v55  }
0x90: {  	v14 =	vmul.f32 v59, v55;
	[tilespmem:s30+$0xE3B0] =	vst v63;
	v15 =	vld [tilespmem:s30+$0xE420]  }
0x91: {  	v17 =	vld [tilespmem:s30+$0xE430];
	v16 =	vbroadcast v2, $0x8;
	[tilespmem:s30+$0xE3C0] =	vst v3;
	v3 =	vmul.f32 v61, v55  }
0x92: {  	v18 =	vmul.f32 v62, v55;
	[tilespmem:s30+$0xE3D0] =	vst v14;
	v19 =	vld [tilespmem:s30+$0xE440]  }
0x93: {  	v20 =	vld [tilespmem:s30+$0xE450];
	[tilespmem:s30+$0xE3E0] =	vst v3;
	v3 =	vmul.f32 v12, v16  }
0x94: {  	[tilespmem:s30+$0xE3F0] =	vst v18;
	v22 =	vld [tilespmem:s30+$0xE460];
	v21 =	vmul.f32 v13, v16  }
0x95: {  	v23 =	vld [tilespmem:s30+$0xE470];
	[tilespmem:s30+$0xE400] =	vst v3;
	v3 =	vmul.f32 v15, v16  }
0x96: {  	v24 =	vmul.f32 v17, v16;
	v25 =	vld [tilespmem:s30+$0xE480];
	[tilespmem:s30+$0xE410] =	vst v21  }
0x97: {  	v26 =	vld [tilespmem:s30+$0xE490];
	[tilespmem:s30+$0xE420] =	vst v3;
	v3 =	vmul.f32 v19, v16  }
0x98: {  	v27 =	vmul.f32 v20, v16;
	[tilespmem:s30+$0xE430] =	vst v24;
	v28 =	vld [tilespmem:s30+$0xE4A0]  }
0x99: {  	v30 =	vld [tilespmem:s30+$0xE4B0];
	v29 =	vbroadcast v2, $0x9;
	[tilespmem:s30+$0xE440] =	vst v3;
	v3 =	vmul.f32 v22, v16  }
0x9a: {  	v31 =	vmul.f32 v23, v16;
	[tilespmem:s30+$0xE450] =	vst v27;
	v32 =	vld [tilespmem:s30+$0xE4C0]  }
0x9b: {  	v33 =	vld [tilespmem:s30+$0xE4D0];
	[tilespmem:s30+$0xE460] =	vst v3;
	v3 =	vmul.f32 v25, v29  }
0x9c: {  	[tilespmem:s30+$0xE470] =	vst v31;
	v35 =	vld [tilespmem:s30+$0xE4E0];
	v34 =	vmul.f32 v26, v29  }
0x9d: {  	v36 =	vld [tilespmem:s30+$0xE4F0];
	[tilespmem:s30+$0xE480] =	vst v3;
	v3 =	vmul.f32 v28, v29  }
0x9e: {  	v37 =	vmul.f32 v30, v29;
	v38 =	vld [tilespmem:s30+$0xE500];
	[tilespmem:s30+$0xE490] =	vst v34  }
0x9f: {  	v39 =	vld [tilespmem:s30+$0xE510];
	[tilespmem:s30+$0xE4A0] =	vst v3;
	v3 =	vmul.f32 v32, v29  }
0xa0: {  	v40 =	vmul.f32 v33, v29;
	[tilespmem:s30+$0xE4B0] =	vst v37;
	v41 =	vld [tilespmem:s30+$0xE520]  }
0xa1: {  	v43 =	vld [tilespmem:s30+$0xE530];
	v42 =	vbroadcast v2, $0xA;
	[tilespmem:s30+$0xE4C0] =	vst v3;
	v3 =	vmul.f32 v35, v29  }
0xa2: {  	v44 =	vmul.f32 v36, v29;
	[tilespmem:s30+$0xE4D0] =	vst v40;
	v45 =	vld [tilespmem:s30+$0xE540]  }
0xa3: {  	v46 =	vld [tilespmem:s30+$0xE550];
	[tilespmem:s30+$0xE4E0] =	vst v3;
	v3 =	vmul.f32 v38, v42  }
0xa4: {  	[tilespmem:s30+$0xE4F0] =	vst v44;
	v48 =	vld [tilespmem:s30+$0xE560];
	v47 =	vmul.f32 v39, v42  }
0xa5: {  	v49 =	vld [tilespmem:s30+$0xE570];
	[tilespmem:s30+$0xE500] =	vst v3;
	v3 =	vmul.f32 v41, v42  }
0xa6: {  	v50 =	vmul.f32 v43, v42;
	v51 =	vld [tilespmem:s30+$0xE580];
	[tilespmem:s30+$0xE510] =	vst v47  }
0xa7: {  	v52 =	vld [tilespmem:s30+$0xE590];
	[tilespmem:s30+$0xE520] =	vst v3;
	v3 =	vmul.f32 v45, v42  }
0xa8: {  	v53 =	vmul.f32 v46, v42;
	[tilespmem:s30+$0xE530] =	vst v50;
	v54 =	vld [tilespmem:s30+$0xE5A0]  }
0xa9: {  	v56 =	vld [tilespmem:s30+$0xE5B0];
	v55 =	vbroadcast v2, $0xB;
	[tilespmem:s30+$0xE540] =	vst v3;
	v3 =	vmul.f32 v48, v42  }
0xaa: {  	v57 =	vmul.f32 v49, v42;
	[tilespmem:s30+$0xE550] =	vst v53;
	v58 =	vld [tilespmem:s30+$0xE5C0]  }
0xab: {  	v59 =	vld [tilespmem:s30+$0xE5D0];
	[tilespmem:s30+$0xE560] =	vst v3;
	v3 =	vmul.f32 v51, v55  }
0xac: {  	[tilespmem:s30+$0xE570] =	vst v57;
	v61 =	vld [tilespmem:s30+$0xE5E0];
	v60 =	vmul.f32 v52, v55  }
0xad: {  	v62 =	vld [tilespmem:s30+$0xE5F0];
	[tilespmem:s30+$0xE580] =	vst v3;
	v3 =	vmul.f32 v54, v55  }
0xae: {  	v63 =	vmul.f32 v56, v55;
	v12 =	vld [tilespmem:s30+$0xE600];
	[tilespmem:s30+$0xE590] =	vst v60  }
0xaf: {  	v13 =	vld [tilespmem:s30+$0xE610];
	[tilespmem:s30+$0xE5A0] =	vst v3;
	v3 =	vmul.f32 v58, v55  }
0xb0: {  	v14 =	vmul.f32 v59, v55;
	[tilespmem:s30+$0xE5B0] =	vst v63;
	v15 =	vld [tilespmem:s30+$0xE620]  }
0xb1: {  	v17 =	vld [tilespmem:s30+$0xE630];
	v16 =	vbroadcast v2, $0xC;
	[tilespmem:s30+$0xE5C0] =	vst v3;
	v3 =	vmul.f32 v61, v55  }
0xb2: {  	v18 =	vmul.f32 v62, v55;
	[tilespmem:s30+$0xE5D0] =	vst v14;
	v19 =	vld [tilespmem:s30+$0xE640]  }
0xb3: {  	v20 =	vld [tilespmem:s30+$0xE650];
	[tilespmem:s30+$0xE5E0] =	vst v3;
	v3 =	vmul.f32 v12, v16  }
0xb4: {  	[tilespmem:s30+$0xE5F0] =	vst v18;
	v22 =	vld [tilespmem:s30+$0xE660];
	v21 =	vmul.f32 v13, v16  }
0xb5: {  	v23 =	vld [tilespmem:s30+$0xE670];
	[tilespmem:s30+$0xE600] =	vst v3;
	v3 =	vmul.f32 v15, v16  }
0xb6: {  	v24 =	vmul.f32 v17, v16;
	v25 =	vld [tilespmem:s30+$0xE680];
	[tilespmem:s30+$0xE610] =	vst v21  }
0xb7: {  	v26 =	vld [tilespmem:s30+$0xE690];
	[tilespmem:s30+$0xE620] =	vst v3;
	v3 =	vmul.f32 v19, v16  }
0xb8: {  	v27 =	vmul.f32 v20, v16;
	[tilespmem:s30+$0xE630] =	vst v24;
	v28 =	vld [tilespmem:s30+$0xE6A0]  }
0xb9: {  	v30 =	vld [tilespmem:s30+$0xE6B0];
	v29 =	vbroadcast v2, $0xD;
	[tilespmem:s30+$0xE640] =	vst v3;
	v3 =	vmul.f32 v22, v16  }
0xba: {  	v31 =	vmul.f32 v23, v16;
	[tilespmem:s30+$0xE650] =	vst v27;
	v32 =	vld [tilespmem:s30+$0xE6C0]  }
0xbb: {  	v33 =	vld [tilespmem:s30+$0xE6D0];
	[tilespmem:s30+$0xE660] =	vst v3;
	v3 =	vmul.f32 v25, v29  }
0xbc: {  	[tilespmem:s30+$0xE670] =	vst v31;
	v35 =	vld [tilespmem:s30+$0xE6E0];
	v34 =	vmul.f32 v26, v29  }
0xbd: {  	v36 =	vld [tilespmem:s30+$0xE6F0];
	[tilespmem:s30+$0xE680] =	vst v3;
	v3 =	vmul.f32 v28, v29  }
0xbe: {  	v37 =	vmul.f32 v30, v29;
	v38 =	vld [tilespmem:s30+$0xE700];
	[tilespmem:s30+$0xE690] =	vst v34  }
0xbf: {  	v39 =	vld [tilespmem:s30+$0xE710];
	[tilespmem:s30+$0xE6A0] =	vst v3;
	v3 =	vmul.f32 v32, v29  }
0xc0: {  	v40 =	vmul.f32 v33, v29;
	[tilespmem:s30+$0xE6B0] =	vst v37;
	v41 =	vld [tilespmem:s30+$0xE720]  }
0xc1: {  	v43 =	vld [tilespmem:s30+$0xE730];
	v42 =	vbroadcast v2, $0xE;
	[tilespmem:s30+$0xE6C0] =	vst v3;
	v3 =	vmul.f32 v35, v29  }
0xc2: {  	v44 =	vmul.f32 v36, v29;
	[tilespmem:s30+$0xE6D0] =	vst v40;
	v45 =	vld [tilespmem:s30+$0xE740]  }
0xc3: {  	v46 =	vld [tilespmem:s30+$0xE750];
	[tilespmem:s30+$0xE6E0] =	vst v3;
	v3 =	vmul.f32 v38, v42  }
0xc4: {  	[tilespmem:s30+$0xE6F0] =	vst v44;
	v48 =	vld [tilespmem:s30+$0xE760];
	v47 =	vmul.f32 v39, v42  }
0xc5: {  	v49 =	vld [tilespmem:s30+$0xE770];
	[tilespmem:s30+$0xE700] =	vst v3;
	v3 =	vmul.f32 v41, v42  }
0xc6: {  	v50 =	vmul.f32 v43, v42;
	v51 =	vld [tilespmem:s30+$0xE780];
	[tilespmem:s30+$0xE710] =	vst v47  }
0xc7: {  	v52 =	vld [tilespmem:s30+$0xE790];
	[tilespmem:s30+$0xE720] =	vst v3;
	v3 =	vmul.f32 v45, v42  }
0xc8: {  	v53 =	vmul.f32 v46, v42;
	[tilespmem:s30+$0xE730] =	vst v50;
	v54 =	vld [tilespmem:s30+$0xE7A0]  }
0xc9: {  	v2 =	vbroadcast v2, $0xF;
	v58 =	vld [tilespmem:s30+$0xE7D0];
	[tilespmem:s30+$0xE740] =	vst v3;
	v3 =	vmul.f32 v48, v42  }
0xca: {  	v57 =	vld [tilespmem:s30+$0xE7C0];
	v56 =	vmul.f32 v49, v42;
	[tilespmem:s30+$0xE750] =	vst v53  }
0xcb: {  	v55 =	vld [tilespmem:s30+$0xE7B0];
	[tilespmem:s30+$0xE760] =	vst v3;
	v3 =	vmul.f32 v51, v2  }
0xcc: {  	v60 =	vld [tilespmem:s30+$0xE7E0];
	v59 =	vmul.f32 v52, v2;
	[tilespmem:s30+$0xE770] =	vst v56  }
0xcd: {  	v61 =	vld [tilespmem:s30+$0xE7F0];
	[tilespmem:s30+$0xE780] =	vst v3;
	v3 =	vmul.f32 v54, v2  }
0xce: {  	[tilespmem:s30+$0xE790] =	vst v59;
	v63 =	vmul.f32 v58, v2  }
0xcf: {  	p0 =	sne.s32 s29, $0x7;
	[tilespmem:s30+$0xE7A0] =	vst v3;
	v3 =	vmul.f32 v57, v2  }
.Ltmp1:
0xd0: {  	v62 =	vmul.f32 v55, v2;
	[tilespmem:s30+$0xE7D0] =	vst v63;
	(pc) =	sbr.rel @p0 .LBB2_5-.Ltmp1, $4  }
0xd1: {  	[tilespmem:s30+$0xE7C0] =	vst v3;
	v3 =	vmul.f32 v60, v2  }
0xd2: {  	[tilespmem:s30+$0xE7B0] =	vst v62;
	v2 =	vmul.f32 v61, v2  }
0xd3: {  	[tilespmem:s30+$0xE7E0] =	vst v3  }
0xd4: {  	s29 =	sadd.s32 $0x1, s29;
	[tilespmem:s30+$0xE7F0] =	vst v2  }
0xd5: {  	s25 =	sadd.s32 $0x1, s25  }
0xd6: {  	p0 =	sne.s32 s25, $0x40  }
.Ltmp2:
0xd7: {  	_ = 	snop;
	(pc) =	sbr.rel @p0 .LBB2_4-.Ltmp2, $4  }
0xd8: {  	_ = 	snop  }
0xd9: {  	s28 =	sshll.u32 s28, $0x7  }
0xda: {  	s26 =	sadd.s32 $0x8000, s26;
	s28 =	sadd.s32 $0xE000, s28  }
0xdb: {  	[spmem:s2] =	stream.indirect.scatter.add.f32 [tilespmem:s28], [sflag:$0x2], $0x80, s26, s14, $0xb8;
	[tilespmem:$0x1E000] =	vst v63  }
0xdc: {  	_ =	swait.ge [sflag:s23], $0x4000  }
0xdd: {  	s25 =	sshll.u32 s4, $0x6;
	s24 =	sadd.s32 $0x1, s24;
	[sflag:s23] =	ssyncset.done $0x0  }
0xde: {  	s26 =	sshrl.u32 s8, $0x3;
	p0 =	sne.s32 s24, s10;
	[sflag:s23] =	ssyncadd.s32 $0xFFFFC000  }
.Ltmp3:
0xdf: {  	s25 =	sor.u32 $0x1C03, s25;
	[bflag:$0x0] =	sbarrier.arrive $0xFFFF;
	(pc) =	sbr.rel @p0 .LBB2_1-.Ltmp3, $4  }
0xe0: {  	[hbm:s9], [sflag:s25] =	dma.local [spmem:s26], $0x1000  }
0xe1: {  	_ =	swait.ge [sflag:s12], $0x1000  }
0xe2: {  	[sflag:s12] =	ssyncset.done $0x0  }
0xe3: {  	[sflag:s12] =	ssyncadd.s32 $0xFFFFF000  }
0xe4: {  	_ =	sfence.sel $0x180000  }
0xe5: {  	[bflag:$0x0] =	sbarrier.arrive $0xFFFF  }
0xe6: {  	p0 =	sne.s32 s4, $0x0;
	_ =	strace $0x90000047  }
0xe7: {  	s0 =	sadd.s32 @!p0 $0x100000, s0;
	[bflag:$0x2] =	sbarrier.arrive $0xFFFF  }
0xe8: {  	[sflag:s0] =	ssyncadd.tile.s32 @!p0 $0x1;
	_ =	shalt  }
.Lfunc_end2:
_tile_overlayer_lowered:
.L_overlay_start_2:
0xe9: {  	(tag) =	ssettag $0x2  }
0xea: {  	s0 =	rddreg [dreg:$0x0];
	s2 =	stileid.u32  }
0xeb: {  	s1 =	rddreg [dreg:$0x1];
	p0 =	sne.s32 s2, $0x0  }
0xec: {  	s3 =	rddreg [dreg:$0x2];
	[bflag:$0x3] =	sbarrier.arrive $0xFFFF;
	s2 =	simm.s32 @!p0 $0x1C03  }
0xed: {  	[timem:s3], [sflag:s2] =	dma.local @!p0 [hbm:s0], s1  }
0xee: {  	s0 =	simm.s32 @!p0 $0x3  }
0xef: {  	_ =	swait.ge @!p0 [sflag:s0], s1  }
0xf0: {  	s1 =	ssub.s32 @!p0 $0x0, s1;
	[sflag:s0] =	ssyncset.done @!p0 $0x0  }
0xf1: {  	[sflag:s0] =	ssyncadd.s32 @!p0 s1  }
0xf2: {  	[bflag:$0x3] =	sbarrier.arrive $0xFFFF  }
0xf3: {  	_ =	shalt  }

</sc_bundles>
